<compile_context>
chip_gen: v7x
topology: tpu7x:2x2x1
jax: 0.10.2.dev20260603
libtpu: 0.0.44.dev20260713+nightly
codegen_flags: <defaults>
</compile_context>

<pallas_src>
import jax
import jax.numpy as jnp
from jax import lax
from jax.experimental import pallas as pl
from jax.experimental.pallas import tpu as pltpu
from jax.experimental.pallas import tpu_sc as plsc

DIM = 64
SCALE = 8.0
LANES = 16

NUM_CORES = 2
NUM_SUBCORES = 16
NUM_WORKERS = NUM_CORES * NUM_SUBCORES

JCHUNK = 2
NGBUF = 4
NOBUF = 2


def _make_body(n_xrows: int, xrow_len: int):
    rows_per_w = n_xrows // NUM_WORKERS
    idx_per_w = rows_per_w * xrow_len
    chunk_idx = JCHUNK * rows_per_w
    n_chunks = xrow_len // JCHUNK
    rshift = rows_per_w.bit_length() - 1

    def body(xp_hbm, table_hbm, out_hbm, idx_v,
             gbuf0, gbuf1, gbuf2, gbuf3, obuf0, obuf1,
             gsem0, gsem1, gsem2, gsem3, wsem0, wsem1):
        gbufs = (gbuf0, gbuf1, gbuf2, gbuf3)
        obufs = (obuf0, obuf1)
        gsems = (gsem0, gsem1, gsem2, gsem3)
        wsems = (wsem0, wsem1)
        wid = lax.axis_index("s") * NUM_CORES + lax.axis_index("c")
        base = wid * idx_per_w
        col0 = wid * rows_per_w
        pltpu.sync_copy(xp_hbm.at[pl.ds(base, idx_per_w)], idx_v)

        lane = lax.iota(jnp.int32, LANES)

        def fire_gather(g, b):
            pltpu.async_copy(
                table_hbm.at[idx_v.at[pl.ds(g * chunk_idx, chunk_idx)]],
                gbufs[b], gsems[b])

        def wait_gather(b):
            pltpu.make_async_copy(
                table_hbm.at[idx_v.at[pl.ds(0, chunk_idx)]],
                gbufs[b], gsems[b]).wait()

        def fire_write(g, b):
            pltpu.async_copy(
                obufs[b].at[(pl.ds(0, 1), pl.ds(0, rows_per_w))],
                out_hbm.at[(pl.ds(g * JCHUNK * DIM, 1),
                            pl.ds(col0, rows_per_w))],
                wsems[b])

        def wait_write(b):
            pltpu.make_async_copy(
                obufs[b].at[(pl.ds(0, 1), pl.ds(0, rows_per_w))],
                out_hbm.at[(pl.ds(0, 1), pl.ds(0, rows_per_w))],
                wsems[b]).wait()

        def transpose_scale(gb, ob):
            gbuf = gbufs[gb]
            obuf = obufs[ob]

            @pl.loop(0, chunk_idx, unroll=8)
            def _t(r, gbuf=gbuf, obuf=obuf):
                j = lax.shift_right_logical(r, rshift)
                i = lax.bitwise_and(r, rows_per_w - 1)
                iv = jnp.full((LANES,), i, dtype=jnp.int32)
                for kb in range(DIM // LANES):
                    vals = gbuf[r, pl.ds(LANES * kb, LANES)]
                    rowv = j * DIM + LANES * kb + lane
                    obuf[kb, pl.ds(0, LANES)] = vals * SCALE

        for g in range(NGBUF - 1):
            fire_gather(g, g)

        @pl.loop(0, n_chunks, step=NGBUF)
        def _chunks(gg):
            for b in range(NGBUF):
                g = gg + b
                ob = b % NOBUF
                wait_gather(b)

                @pl.when(g >= NOBUF)
                def _():
                    wait_write(ob)

                transpose_scale(b, ob)
                fire_write(g, ob)

                @pl.when(g + NGBUF - 1 < n_chunks)
                def _():
                    fire_gather(g + NGBUF - 1, (b + NGBUF - 1) % NGBUF)

        wait_write(0)
        wait_write(1)

    return body


def kernel(x, table):
    n_xrows, xrow_len = x.shape
    rows_per_w = n_xrows // NUM_WORKERS
    chunk_idx = JCHUNK * rows_per_w
    xp = jnp.transpose(
        x.reshape(NUM_WORKERS, rows_per_w, xrow_len), (0, 2, 1)).reshape(-1)

    mesh = plsc.VectorSubcoreMesh(core_axis_name="c", subcore_axis_name="s")
    out2d = pl.kernel(
        _make_body(n_xrows, xrow_len),
        out_type=jax.ShapeDtypeStruct((xrow_len * DIM, n_xrows), jnp.float32),
        mesh=mesh,
        compiler_params=pltpu.CompilerParams(
            use_tc_tiling_on_sc=False, needs_layout_passes=False,
            disable_bounds_checks=True),
        scratch_types=(
            [pltpu.VMEM((xp.size // NUM_WORKERS,), jnp.int32)]
            + [pltpu.VMEM((chunk_idx, DIM), jnp.float32)] * NGBUF
            + [pltpu.VMEM((JCHUNK * DIM, rows_per_w + 1), jnp.float32)] * NOBUF
            + [pltpu.SemaphoreType.DMA] * (NGBUF + NOBUF)
        ),
    )(xp, table)
    return out2d.reshape(xrow_len, DIM, n_xrows).transpose(2, 0, 1)

# --- scband reference (transcript-rebuilt; emitter-appended) ---
"""Pipeline reference for scband-input-embeddings-816043786557 (READ-ONLY COPY).

The authoritative reference and input builder live on the scoring server;
editing this copy changes nothing except your own understanding.
"""

import jax, jax.numpy as jnp
import numpy as np

VOCAB = 1000000
DIM = 64

def setup_inputs(seed: int = 0) -> dict:
    key = jax.random.key(seed)
    k1, k2 = jax.random.split(key)
    x = jax.random.randint(k1, (4096, 200), 0, VOCAB, dtype=jnp.int64 if jax.config.jax_enable_x64 else jnp.int32)
    table = jax.random.normal(k2, (VOCAB, DIM), dtype=jnp.float32)
    return {"x": x, "table": table}

def reference(x, table):
    stabilisation_coef = jnp.sqrt(jnp.asarray(DIM, dtype=jnp.float32))
    emb = jnp.take(table, x, axis=0)
    return stabilisation_coef * emb

if __name__ == "__main__":
    import jax
    _d = setup_inputs()
    print(jax.jit(kernel)(*tuple(_d.values())))

</pallas_src>

<mosaic_0001>
#map = affine_map<(d0, d1) -> (0)>
#map1 = affine_map<(d0, d1) -> (0, 0)>
module attributes {stable_mosaic.version = 14 : i64} {
  func.func @body(%arg0: i32, %arg1: i32, %arg2: memref<819200xi32, #tpu.memory_space<hbm>>, %arg3: memref<1000000x64xf32, #tpu.memory_space<hbm>>, %arg4: memref<12800x4096xf32, #tpu.memory_space<hbm>>, %arg5: memref<25600xi32, #tpu.memory_space<vmem>>, %arg6: memref<256x64xf32, #tpu.memory_space<vmem>>, %arg7: memref<256x64xf32, #tpu.memory_space<vmem>>, %arg8: memref<256x64xf32, #tpu.memory_space<vmem>>, %arg9: memref<256x64xf32, #tpu.memory_space<vmem>>, %arg10: memref<128x129xf32, #tpu.memory_space<vmem>>, %arg11: memref<128x129xf32, #tpu.memory_space<vmem>>, %arg12: memref<!tpu.dma_semaphore, #tpu.memory_space<semaphore_mem>>, %arg13: memref<!tpu.dma_semaphore, #tpu.memory_space<semaphore_mem>>, %arg14: memref<!tpu.dma_semaphore, #tpu.memory_space<semaphore_mem>>, %arg15: memref<!tpu.dma_semaphore, #tpu.memory_space<semaphore_mem>>, %arg16: memref<!tpu.dma_semaphore, #tpu.memory_space<semaphore_mem>>, %arg17: memref<!tpu.dma_semaphore, #tpu.memory_space<semaphore_mem>>) attributes {dimension_semantics = [#tpu.dimension_semantics<core_parallel>, #tpu.dimension_semantics<subcore_parallel>], iteration_bounds = array<i64: 2, 16>, scalar_prefetch = 0 : i64, scratch_operands = 13 : i64, tpu.core_type = #tpu.core_type<sc_vector_subcore>, window_params = [{transform_indices = #map}, {transform_indices = #map1}, {transform_indices = #map1}]} {
    %mul3A = arith.constant 2 : i32
    %mul3A_0 = arith.muli %arg1, %mul3A : i32
    %add3A = arith.addi %mul3A_0, %arg0 : i32
    %mul3A_1 = arith.constant 25600 : i32
    %mul3A_2 = arith.muli %add3A, %mul3A_1 : i32
    %mul3A_3 = arith.constant 128 : i32
    %mul3A_4 = arith.muli %add3A, %mul3A_3 : i32
    "tpu.region"() ({
      %run_scoped3A = tpu.sem_alloc : memref<!tpu.dma_semaphore, #tpu.memory_space<semaphore_mem>>
      %dma_start3A_46 = tpu.memref_slice %arg2[%mul3A_2] : memref<819200xi32, #tpu.memory_space<hbm>> -> memref<25600xi32, #tpu.memory_space<hbm>>
      %dma_start3A_47 = tpu.memref_slice %arg2[%mul3A_2] : memref<819200xi32, #tpu.memory_space<hbm>> -> memref<25600xi32, #tpu.memory_space<hbm>>
      tpu.enqueue_dma source(%dma_start3A_47 : memref<25600xi32, #tpu.memory_space<hbm>>) target(%arg5 : memref<25600xi32, #tpu.memory_space<vmem>>) target_semaphore(%run_scoped3A : memref<!tpu.dma_semaphore, #tpu.memory_space<semaphore_mem>>)
      %dma_wait3A_48 = tpu.memref_slice %arg2[%mul3A_2] : memref<819200xi32, #tpu.memory_space<hbm>> -> memref<25600xi32, #tpu.memory_space<hbm>>
      %dma_wait3A_49 = tpu.memref_slice %arg2[%mul3A_2] : memref<819200xi32, #tpu.memory_space<hbm>> -> memref<25600xi32, #tpu.memory_space<hbm>>
      tpu.wait_dma2 semaphore(%run_scoped3A : memref<!tpu.dma_semaphore, #tpu.memory_space<semaphore_mem>>) src(%dma_wait3A_49 : memref<25600xi32, #tpu.memory_space<hbm>>) dst(%arg5 : memref<25600xi32, #tpu.memory_space<vmem>>)
      tpu.yield
    }) : () -> ()
    %iota3A = tpu.iota {dimensions = array<i32: 0>} : vector<16xi32>
    %dma_start3A = arith.constant 0 : i32
    %dma_start3A_5 = tpu.memref_slice %arg5[%dma_start3A] : memref<25600xi32, #tpu.memory_space<vmem>> -> memref<256xi32, #tpu.memory_space<vmem>>
    %dma_start3A_6 = arith.constant 0 : i32
    %dma_start3A_7 = arith.constant 0 : i32
    %dma_start3A_8 = tpu.memref_slice %arg3[%dma_start3A_6, %dma_start3A_7] : memref<1000000x64xf32, #tpu.memory_space<hbm>> -> memref<1000000x64xf32, #tpu.memory_space<hbm>>
    tpu.enqueue_indirect_dma source(%dma_start3A_8 : memref<1000000x64xf32, #tpu.memory_space<hbm>>) target(%arg6 : memref<256x64xf32, #tpu.memory_space<vmem>>) offsets(%dma_start3A_5 : memref<256xi32, #tpu.memory_space<vmem>>) semaphore(%arg12 : memref<!tpu.dma_semaphore, #tpu.memory_space<semaphore_mem>>)
    %dma_start3A_9 = arith.constant 256 : i32
    %dma_start3A_10 = tpu.memref_slice %arg5[%dma_start3A_9] : memref<25600xi32, #tpu.memory_space<vmem>> -> memref<256xi32, #tpu.memory_space<vmem>>
    %dma_start3A_11 = arith.constant 0 : i32
    %dma_start3A_12 = arith.constant 0 : i32
    %dma_start3A_13 = tpu.memref_slice %arg3[%dma_start3A_11, %dma_start3A_12] : memref<1000000x64xf32, #tpu.memory_space<hbm>> -> memref<1000000x64xf32, #tpu.memory_space<hbm>>
    tpu.enqueue_indirect_dma source(%dma_start3A_13 : memref<1000000x64xf32, #tpu.memory_space<hbm>>) target(%arg7 : memref<256x64xf32, #tpu.memory_space<vmem>>) offsets(%dma_start3A_10 : memref<256xi32, #tpu.memory_space<vmem>>) semaphore(%arg13 : memref<!tpu.dma_semaphore, #tpu.memory_space<semaphore_mem>>)
    %dma_start3A_14 = arith.constant 512 : i32
    %dma_start3A_15 = tpu.memref_slice %arg5[%dma_start3A_14] : memref<25600xi32, #tpu.memory_space<vmem>> -> memref<256xi32, #tpu.memory_space<vmem>>
    %dma_start3A_16 = arith.constant 0 : i32
    %dma_start3A_17 = arith.constant 0 : i32
    %dma_start3A_18 = tpu.memref_slice %arg3[%dma_start3A_16, %dma_start3A_17] : memref<1000000x64xf32, #tpu.memory_space<hbm>> -> memref<1000000x64xf32, #tpu.memory_space<hbm>>
    tpu.enqueue_indirect_dma source(%dma_start3A_18 : memref<1000000x64xf32, #tpu.memory_space<hbm>>) target(%arg8 : memref<256x64xf32, #tpu.memory_space<vmem>>) offsets(%dma_start3A_15 : memref<256xi32, #tpu.memory_space<vmem>>) semaphore(%arg14 : memref<!tpu.dma_semaphore, #tpu.memory_space<semaphore_mem>>)
    %scan3A = arith.constant 0 : i32
    %scan3A_19 = arith.constant 25 : i32
    %scan3A_20 = arith.addi %scan3A, %scan3A_19 : i32
    %scan3A_21 = arith.constant 1 : i32
    scf.for %scan3A_46 = %scan3A to %scan3A_20 step %scan3A_21  : i32 {
      %mul3A_47 = arith.constant 4 : i32
      %mul3A_48 = arith.muli %scan3A_46, %mul3A_47 : i32
      %add3A_49 = arith.constant 0 : i32
      %add3A_50 = arith.addi %add3A_49, %mul3A_48 : i32
      %add3A_51 = arith.constant 0 : i32
      %add3A_52 = arith.addi %add3A_50, %add3A_51 : i32
      %dma_wait3A_53 = arith.constant 0 : i32
      %dma_wait3A_54 = tpu.memref_slice %arg5[%dma_wait3A_53] : memref<25600xi32, #tpu.memory_space<vmem>> -> memref<256xi32, #tpu.memory_space<vmem>>
      %dma_wait3A_55 = arith.constant 0 : i32
      %dma_wait3A_56 = arith.constant 0 : i32
      %dma_wait3A_57 = tpu.memref_slice %arg3[%dma_wait3A_55, %dma_wait3A_56] : memref<1000000x64xf32, #tpu.memory_space<hbm>> -> memref<1000000x64xf32, #tpu.memory_space<hbm>>
      tpu.wait_indirect_dma semaphore(%arg12 : memref<!tpu.dma_semaphore, #tpu.memory_space<semaphore_mem>>) src(%dma_wait3A_57 : memref<1000000x64xf32, #tpu.memory_space<hbm>>) dst(%arg6 : memref<256x64xf32, #tpu.memory_space<vmem>>)
      %ge3A = arith.constant 2 : i32
      %ge3A_58 = arith.cmpi sge, %add3A_52, %ge3A : i32
      %convert_element_type3A = arith.extui %ge3A_58 : i1 to i32
      %cond3A = arith.constant 0 : i32
      %cond3A_59 = arith.cmpi ne, %convert_element_type3A, %cond3A : i32
      scf.if %cond3A_59 {
        %dma_wait3A_198 = arith.constant 0 : i32
        %dma_wait3A_199 = arith.constant 0 : i32
        %dma_wait3A_200 = tpu.memref_slice %arg10[%dma_wait3A_198, %dma_wait3A_199] : memref<128x129xf32, #tpu.memory_space<vmem>> -> memref<1x128xf32, #tpu.memory_space<vmem>>
        %dma_wait3A_201 = arith.constant 0 : i32
        %dma_wait3A_202 = arith.constant 0 : i32
        %dma_wait3A_203 = tpu.memref_slice %arg4[%dma_wait3A_201, %dma_wait3A_202] : memref<12800x4096xf32, #tpu.memory_space<hbm>> -> memref<1x128xf32, #tpu.memory_space<hbm>>
        %dma_wait3A_204 = arith.constant 0 : i32
        %dma_wait3A_205 = arith.constant 0 : i32
        %dma_wait3A_206 = tpu.memref_slice %arg4[%dma_wait3A_204, %dma_wait3A_205] : memref<12800x4096xf32, #tpu.memory_space<hbm>> -> memref<1x128xf32, #tpu.memory_space<hbm>>
        %dma_wait3A_207 = arith.constant 0 : i32
        %dma_wait3A_208 = arith.constant 0 : i32
        %dma_wait3A_209 = tpu.memref_slice %arg10[%dma_wait3A_207, %dma_wait3A_208] : memref<128x129xf32, #tpu.memory_space<vmem>> -> memref<1x128xf32, #tpu.memory_space<vmem>>
        tpu.wait_dma2 semaphore(%arg16 : memref<!tpu.dma_semaphore, #tpu.memory_space<semaphore_mem>>) src(%dma_wait3A_209 : memref<1x128xf32, #tpu.memory_space<vmem>>) dst(%dma_wait3A_206 : memref<1x128xf32, #tpu.memory_space<hbm>>)
      } else {
      }
      %scan3A_60 = arith.constant 0 : i32
      %scan3A_61 = arith.constant 256 : i32
      %scan3A_62 = arith.addi %scan3A_60, %scan3A_61 : i32
      %scan3A_63 = arith.constant 8 : i32
      scf.for %scan3A_198 = %scan3A_60 to %scan3A_62 step %scan3A_63  : i32 {
        %mul3A_199 = arith.constant 1 : i32
        %mul3A_200 = arith.muli %scan3A_198, %mul3A_199 : i32
        %add3A_201 = arith.constant 0 : i32
        %add3A_202 = arith.addi %add3A_201, %mul3A_200 : i32
        %shift_right_logical3A = arith.constant 7 : i32
        %shift_right_logical3A_203 = arith.shrui %add3A_202, %shift_right_logical3A : i32
        %and3A = arith.constant 127 : i32
        %and3A_204 = arith.andi %add3A_202, %and3A : i32
        %broadcast_in_dim3A = vector.broadcast %and3A_204 : i32 to vector<16xi32>
        %get3A = arith.index_cast %add3A_202 : i32 to index
        %get3A_205 = arith.constant 0 : index
        %get3A_206 = tpu.vector_load %arg6[%get3A, %get3A_205] {strides = array<i32>} : memref<256x64xf32, #tpu.memory_space<vmem>>, vector<16xf32>,
        %mul3A_207 = arith.constant 64 : i32
        %mul3A_208 = arith.muli %shift_right_logical3A_203, %mul3A_207 : i32
        %add3A_209 = arith.constant 0 : i32
        %add3A_210 = arith.addi %mul3A_208, %add3A_209 : i32
        %add3A_211 = vector.broadcast %add3A_210 : i32 to vector<16xi32>
        %add3A_212 = arith.addi %add3A_211, %iota3A : vector<16xi32>
        %mul3A_213 = arith.constant 8.000000e+00 : f32
        %mul3A_214 = vector.broadcast %mul3A_213 : f32 to vector<16xf32>
        %mul3A_215 = arith.mulf %get3A_206, %mul3A_214 : vector<16xf32>
        %swap3A = arith.constant 0 : i32
        %swap3A_216 = arith.index_cast %swap3A : i32 to index
        %swap3A_217 = arith.constant 0 : index
        %swap3A_218 = tpu.vector_load %arg10[%swap3A_216, %swap3A_217] {strides = array<i32>} : memref<128x129xf32, #tpu.memory_space<vmem>>, vector<16xf32>,
        tpu.vector_store %arg10[%swap3A_216, %swap3A_217], %mul3A_215 {strides = array<i32>} : memref<128x129xf32, #tpu.memory_space<vmem>>, vector<16xf32>,
        %get3A_219 = arith.index_cast %add3A_202 : i32 to index
        %get3A_220 = arith.constant 16 : index
        %get3A_221 = tpu.vector_load %arg6[%get3A_219, %get3A_220] {strides = array<i32>} : memref<256x64xf32, #tpu.memory_space<vmem>>, vector<16xf32>,
        %mul3A_222 = arith.constant 64 : i32
        %mul3A_223 = arith.muli %shift_right_logical3A_203, %mul3A_222 : i32
        %add3A_224 = arith.constant 16 : i32
        %add3A_225 = arith.addi %mul3A_223, %add3A_224 : i32
        %add3A_226 = vector.broadcast %add3A_225 : i32 to vector<16xi32>
        %add3A_227 = arith.addi %add3A_226, %iota3A : vector<16xi32>
        %mul3A_228 = arith.constant 8.000000e+00 : f32
        %mul3A_229 = vector.broadcast %mul3A_228 : f32 to vector<16xf32>
        %mul3A_230 = arith.mulf %get3A_221, %mul3A_229 : vector<16xf32>
        %swap3A_231 = arith.constant 1 : i32
        %swap3A_232 = arith.index_cast %swap3A_231 : i32 to index
        %swap3A_233 = arith.constant 0 : index
        %swap3A_234 = tpu.vector_load %arg10[%swap3A_232, %swap3A_233] {strides = array<i32>} : memref<128x129xf32, #tpu.memory_space<vmem>>, vector<16xf32>,
        tpu.vector_store %arg10[%swap3A_232, %swap3A_233], %mul3A_230 {strides = array<i32>} : memref<128x129xf32, #tpu.memory_space<vmem>>, vector<16xf32>,
        %get3A_235 = arith.index_cast %add3A_202 : i32 to index
        %get3A_236 = arith.constant 32 : index
        %get3A_237 = tpu.vector_load %arg6[%get3A_235, %get3A_236] {strides = array<i32>} : memref<256x64xf32, #tpu.memory_space<vmem>>, vector<16xf32>,
        %mul3A_238 = arith.constant 64 : i32
        %mul3A_239 = arith.muli %shift_right_logical3A_203, %mul3A_238 : i32
        %add3A_240 = arith.constant 32 : i32
        %add3A_241 = arith.addi %mul3A_239, %add3A_240 : i32
        %add3A_242 = vector.broadcast %add3A_241 : i32 to vector<16xi32>
        %add3A_243 = arith.addi %add3A_242, %iota3A : vector<16xi32>
        %mul3A_244 = arith.constant 8.000000e+00 : f32
        %mul3A_245 = vector.broadcast %mul3A_244 : f32 to vector<16xf32>
        %mul3A_246 = arith.mulf %get3A_237, %mul3A_245 : vector<16xf32>
        %swap3A_247 = arith.constant 2 : i32
        %swap3A_248 = arith.index_cast %swap3A_247 : i32 to index
        %swap3A_249 = arith.constant 0 : index
        %swap3A_250 = tpu.vector_load %arg10[%swap3A_248, %swap3A_249] {strides = array<i32>} : memref<128x129xf32, #tpu.memory_space<vmem>>, vector<16xf32>,
        tpu.vector_store %arg10[%swap3A_248, %swap3A_249], %mul3A_246 {strides = array<i32>} : memref<128x129xf32, #tpu.memory_space<vmem>>, vector<16xf32>,
        %get3A_251 = arith.index_cast %add3A_202 : i32 to index
        %get3A_252 = arith.constant 48 : index
        %get3A_253 = tpu.vector_load %arg6[%get3A_251, %get3A_252] {strides = array<i32>} : memref<256x64xf32, #tpu.memory_space<vmem>>, vector<16xf32>,
        %mul3A_254 = arith.constant 64 : i32
        %mul3A_255 = arith.muli %shift_right_logical3A_203, %mul3A_254 : i32
        %add3A_256 = arith.constant 48 : i32
        %add3A_257 = arith.addi %mul3A_255, %add3A_256 : i32
        %add3A_258 = vector.broadcast %add3A_257 : i32 to vector<16xi32>
        %add3A_259 = arith.addi %add3A_258, %iota3A : vector<16xi32>
        %mul3A_260 = arith.constant 8.000000e+00 : f32
        %mul3A_261 = vector.broadcast %mul3A_260 : f32 to vector<16xf32>
        %mul3A_262 = arith.mulf %get3A_253, %mul3A_261 : vector<16xf32>
        %swap3A_263 = arith.constant 3 : i32
        %swap3A_264 = arith.index_cast %swap3A_263 : i32 to index
        %swap3A_265 = arith.constant 0 : index
        %swap3A_266 = tpu.vector_load %arg10[%swap3A_264, %swap3A_265] {strides = array<i32>} : memref<128x129xf32, #tpu.memory_space<vmem>>, vector<16xf32>,
        tpu.vector_store %arg10[%swap3A_264, %swap3A_265], %mul3A_262 {strides = array<i32>} : memref<128x129xf32, #tpu.memory_space<vmem>>, vector<16xf32>,
        %scan3A_267 = arith.constant 1 : i32
        %scan3A_268 = arith.addi %scan3A_198, %scan3A_267 : i32
        %mul3A_269 = arith.constant 1 : i32
        %mul3A_270 = arith.muli %scan3A_268, %mul3A_269 : i32
        %add3A_271 = arith.constant 0 : i32
        %add3A_272 = arith.addi %add3A_271, %mul3A_270 : i32
        %shift_right_logical3A_273 = arith.constant 7 : i32
        %shift_right_logical3A_274 = arith.shrui %add3A_272, %shift_right_logical3A_273 : i32
        %and3A_275 = arith.constant 127 : i32
        %and3A_276 = arith.andi %add3A_272, %and3A_275 : i32
        %broadcast_in_dim3A_277 = vector.broadcast %and3A_276 : i32 to vector<16xi32>
        %get3A_278 = arith.index_cast %add3A_272 : i32 to index
        %get3A_279 = arith.constant 0 : index
        %get3A_280 = tpu.vector_load %arg6[%get3A_278, %get3A_279] {strides = array<i32>} : memref<256x64xf32, #tpu.memory_space<vmem>>, vector<16xf32>,
        %mul3A_281 = arith.constant 64 : i32
        %mul3A_282 = arith.muli %shift_right_logical3A_274, %mul3A_281 : i32
        %add3A_283 = arith.constant 0 : i32
        %add3A_284 = arith.addi %mul3A_282, %add3A_283 : i32
        %add3A_285 = vector.broadcast %add3A_284 : i32 to vector<16xi32>
        %add3A_286 = arith.addi %add3A_285, %iota3A : vector<16xi32>
        %mul3A_287 = arith.constant 8.000000e+00 : f32
        %mul3A_288 = vector.broadcast %mul3A_287 : f32 to vector<16xf32>
        %mul3A_289 = arith.mulf %get3A_280, %mul3A_288 : vector<16xf32>
        %swap3A_290 = arith.constant 0 : i32
        %swap3A_291 = arith.index_cast %swap3A_290 : i32 to index
        %swap3A_292 = arith.constant 0 : index
        %swap3A_293 = tpu.vector_load %arg10[%swap3A_291, %swap3A_292] {strides = array<i32>} : memref<128x129xf32, #tpu.memory_space<vmem>>, vector<16xf32>,
        tpu.vector_store %arg10[%swap3A_291, %swap3A_292], %mul3A_289 {strides = array<i32>} : memref<128x129xf32, #tpu.memory_space<vmem>>, vector<16xf32>,
        %get3A_294 = arith.index_cast %add3A_272 : i32 to index
        %get3A_295 = arith.constant 16 : index
        %get3A_296 = tpu.vector_load %arg6[%get3A_294, %get3A_295] {strides = array<i32>} : memref<256x64xf32, #tpu.memory_space<vmem>>, vector<16xf32>,
        %mul3A_297 = arith.constant 64 : i32
        %mul3A_298 = arith.muli %shift_right_logical3A_274, %mul3A_297 : i32
        %add3A_299 = arith.constant 16 : i32
        %add3A_300 = arith.addi %mul3A_298, %add3A_299 : i32
        %add3A_301 = vector.broadcast %add3A_300 : i32 to vector<16xi32>
        %add3A_302 = arith.addi %add3A_301, %iota3A : vector<16xi32>
        %mul3A_303 = arith.constant 8.000000e+00 : f32
        %mul3A_304 = vector.broadcast %mul3A_303 : f32 to vector<16xf32>
        %mul3A_305 = arith.mulf %get3A_296, %mul3A_304 : vector<16xf32>
        %swap3A_306 = arith.constant 1 : i32
        %swap3A_307 = arith.index_cast %swap3A_306 : i32 to index
        %swap3A_308 = arith.constant 0 : index
        %swap3A_309 = tpu.vector_load %arg10[%swap3A_307, %swap3A_308] {strides = array<i32>} : memref<128x129xf32, #tpu.memory_space<vmem>>, vector<16xf32>,
        tpu.vector_store %arg10[%swap3A_307, %swap3A_308], %mul3A_305 {strides = array<i32>} : memref<128x129xf32, #tpu.memory_space<vmem>>, vector<16xf32>,
        %get3A_310 = arith.index_cast %add3A_272 : i32 to index
        %get3A_311 = arith.constant 32 : index
        %get3A_312 = tpu.vector_load %arg6[%get3A_310, %get3A_311] {strides = array<i32>} : memref<256x64xf32, #tpu.memory_space<vmem>>, vector<16xf32>,
        %mul3A_313 = arith.constant 64 : i32
        %mul3A_314 = arith.muli %shift_right_logical3A_274, %mul3A_313 : i32
        %add3A_315 = arith.constant 32 : i32
        %add3A_316 = arith.addi %mul3A_314, %add3A_315 : i32
        %add3A_317 = vector.broadcast %add3A_316 : i32 to vector<16xi32>
        %add3A_318 = arith.addi %add3A_317, %iota3A : vector<16xi32>
        %mul3A_319 = arith.constant 8.000000e+00 : f32
        %mul3A_320 = vector.broadcast %mul3A_319 : f32 to vector<16xf32>
        %mul3A_321 = arith.mulf %get3A_312, %mul3A_320 : vector<16xf32>
        %swap3A_322 = arith.constant 2 : i32
        %swap3A_323 = arith.index_cast %swap3A_322 : i32 to index
        %swap3A_324 = arith.constant 0 : index
        %swap3A_325 = tpu.vector_load %arg10[%swap3A_323, %swap3A_324] {strides = array<i32>} : memref<128x129xf32, #tpu.memory_space<vmem>>, vector<16xf32>,
        tpu.vector_store %arg10[%swap3A_323, %swap3A_324], %mul3A_321 {strides = array<i32>} : memref<128x129xf32, #tpu.memory_space<vmem>>, vector<16xf32>,
        %get3A_326 = arith.index_cast %add3A_272 : i32 to index
        %get3A_327 = arith.constant 48 : index
        %get3A_328 = tpu.vector_load %arg6[%get3A_326, %get3A_327] {strides = array<i32>} : memref<256x64xf32, #tpu.memory_space<vmem>>, vector<16xf32>,
        %mul3A_329 = arith.constant 64 : i32
        %mul3A_330 = arith.muli %shift_right_logical3A_274, %mul3A_329 : i32
        %add3A_331 = arith.constant 48 : i32
        %add3A_332 = arith.addi %mul3A_330, %add3A_331 : i32
        %add3A_333 = vector.broadcast %add3A_332 : i32 to vector<16xi32>
        %add3A_334 = arith.addi %add3A_333, %iota3A : vector<16xi32>
        %mul3A_335 = arith.constant 8.000000e+00 : f32
        %mul3A_336 = vector.broadcast %mul3A_335 : f32 to vector<16xf32>
        %mul3A_337 = arith.mulf %get3A_328, %mul3A_336 : vector<16xf32>
        %swap3A_338 = arith.constant 3 : i32
        %swap3A_339 = arith.index_cast %swap3A_338 : i32 to index
        %swap3A_340 = arith.constant 0 : index
        %swap3A_341 = tpu.vector_load %arg10[%swap3A_339, %swap3A_340] {strides = array<i32>} : memref<128x129xf32, #tpu.memory_space<vmem>>, vector<16xf32>,
        tpu.vector_store %arg10[%swap3A_339, %swap3A_340], %mul3A_337 {strides = array<i32>} : memref<128x129xf32, #tpu.memory_space<vmem>>, vector<16xf32>,
        %scan3A_342 = arith.constant 2 : i32
        %scan3A_343 = arith.addi %scan3A_198, %scan3A_342 : i32
        %mul3A_344 = arith.constant 1 : i32
        %mul3A_345 = arith.muli %scan3A_343, %mul3A_344 : i32
        %add3A_346 = arith.constant 0 : i32
        %add3A_347 = arith.addi %add3A_346, %mul3A_345 : i32
        %shift_right_logical3A_348 = arith.constant 7 : i32
        %shift_right_logical3A_349 = arith.shrui %add3A_347, %shift_right_logical3A_348 : i32
        %and3A_350 = arith.constant 127 : i32
        %and3A_351 = arith.andi %add3A_347, %and3A_350 : i32
        %broadcast_in_dim3A_352 = vector.broadcast %and3A_351 : i32 to vector<16xi32>
        %get3A_353 = arith.index_cast %add3A_347 : i32 to index
        %get3A_354 = arith.constant 0 : index
        %get3A_355 = tpu.vector_load %arg6[%get3A_353, %get3A_354] {strides = array<i32>} : memref<256x64xf32, #tpu.memory_space<vmem>>, vector<16xf32>,
        %mul3A_356 = arith.constant 64 : i32
        %mul3A_357 = arith.muli %shift_right_logical3A_349, %mul3A_356 : i32
        %add3A_358 = arith.constant 0 : i32
        %add3A_359 = arith.addi %mul3A_357, %add3A_358 : i32
        %add3A_360 = vector.broadcast %add3A_359 : i32 to vector<16xi32>
        %add3A_361 = arith.addi %add3A_360, %iota3A : vector<16xi32>
        %mul3A_362 = arith.constant 8.000000e+00 : f32
        %mul3A_363 = vector.broadcast %mul3A_362 : f32 to vector<16xf32>
        %mul3A_364 = arith.mulf %get3A_355, %mul3A_363 : vector<16xf32>
        %swap3A_365 = arith.constant 0 : i32
        %swap3A_366 = arith.index_cast %swap3A_365 : i32 to index
        %swap3A_367 = arith.constant 0 : index
        %swap3A_368 = tpu.vector_load %arg10[%swap3A_366, %swap3A_367] {strides = array<i32>} : memref<128x129xf32, #tpu.memory_space<vmem>>, vector<16xf32>,
        tpu.vector_store %arg10[%swap3A_366, %swap3A_367], %mul3A_364 {strides = array<i32>} : memref<128x129xf32, #tpu.memory_space<vmem>>, vector<16xf32>,
        %get3A_369 = arith.index_cast %add3A_347 : i32 to index
        %get3A_370 = arith.constant 16 : index
        %get3A_371 = tpu.vector_load %arg6[%get3A_369, %get3A_370] {strides = array<i32>} : memref<256x64xf32, #tpu.memory_space<vmem>>, vector<16xf32>,
        %mul3A_372 = arith.constant 64 : i32
        %mul3A_373 = arith.muli %shift_right_logical3A_349, %mul3A_372 : i32
        %add3A_374 = arith.constant 16 : i32
        %add3A_375 = arith.addi %mul3A_373, %add3A_374 : i32
        %add3A_376 = vector.broadcast %add3A_375 : i32 to vector<16xi32>
        %add3A_377 = arith.addi %add3A_376, %iota3A : vector<16xi32>
        %mul3A_378 = arith.constant 8.000000e+00 : f32
        %mul3A_379 = vector.broadcast %mul3A_378 : f32 to vector<16xf32>
        %mul3A_380 = arith.mulf %get3A_371, %mul3A_379 : vector<16xf32>
        %swap3A_381 = arith.constant 1 : i32
        %swap3A_382 = arith.index_cast %swap3A_381 : i32 to index
        %swap3A_383 = arith.constant 0 : index
        %swap3A_384 = tpu.vector_load %arg10[%swap3A_382, %swap3A_383] {strides = array<i32>} : memref<128x129xf32, #tpu.memory_space<vmem>>, vector<16xf32>,
        tpu.vector_store %arg10[%swap3A_382, %swap3A_383], %mul3A_380 {strides = array<i32>} : memref<128x129xf32, #tpu.memory_space<vmem>>, vector<16xf32>,
        %get3A_385 = arith.index_cast %add3A_347 : i32 to index
        %get3A_386 = arith.constant 32 : index
        %get3A_387 = tpu.vector_load %arg6[%get3A_385, %get3A_386] {strides = array<i32>} : memref<256x64xf32, #tpu.memory_space<vmem>>, vector<16xf32>,
        %mul3A_388 = arith.constant 64 : i32
        %mul3A_389 = arith.muli %shift_right_logical3A_349, %mul3A_388 : i32
        %add3A_390 = arith.constant 32 : i32
        %add3A_391 = arith.addi %mul3A_389, %add3A_390 : i32
        %add3A_392 = vector.broadcast %add3A_391 : i32 to vector<16xi32>
        %add3A_393 = arith.addi %add3A_392, %iota3A : vector<16xi32>
        %mul3A_394 = arith.constant 8.000000e+00 : f32
        %mul3A_395 = vector.broadcast %mul3A_394 : f32 to vector<16xf32>
        %mul3A_396 = arith.mulf %get3A_387, %mul3A_395 : vector<16xf32>
        %swap3A_397 = arith.constant 2 : i32
        %swap3A_398 = arith.index_cast %swap3A_397 : i32 to index
        %swap3A_399 = arith.constant 0 : index
        %swap3A_400 = tpu.vector_load %arg10[%swap3A_398, %swap3A_399] {strides = array<i32>} : memref<128x129xf32, #tpu.memory_space<vmem>>, vector<16xf32>,
        tpu.vector_store %arg10[%swap3A_398, %swap3A_399], %mul3A_396 {strides = array<i32>} : memref<128x129xf32, #tpu.memory_space<vmem>>, vector<16xf32>,
        %get3A_401 = arith.index_cast %add3A_347 : i32 to index
        %get3A_402 = arith.constant 48 : index
        %get3A_403 = tpu.vector_load %arg6[%get3A_401, %get3A_402] {strides = array<i32>} : memref<256x64xf32, #tpu.memory_space<vmem>>, vector<16xf32>,
        %mul3A_404 = arith.constant 64 : i32
        %mul3A_405 = arith.muli %shift_right_logical3A_349, %mul3A_404 : i32
        %add3A_406 = arith.constant 48 : i32
        %add3A_407 = arith.addi %mul3A_405, %add3A_406 : i32
        %add3A_408 = vector.broadcast %add3A_407 : i32 to vector<16xi32>
        %add3A_409 = arith.addi %add3A_408, %iota3A : vector<16xi32>
        %mul3A_410 = arith.constant 8.000000e+00 : f32
        %mul3A_411 = vector.broadcast %mul3A_410 : f32 to vector<16xf32>
        %mul3A_412 = arith.mulf %get3A_403, %mul3A_411 : vector<16xf32>
        %swap3A_413 = arith.constant 3 : i32
        %swap3A_414 = arith.index_cast %swap3A_413 : i32 to index
        %swap3A_415 = arith.constant 0 : index
        %swap3A_416 = tpu.vector_load %arg10[%swap3A_414, %swap3A_415] {strides = array<i32>} : memref<128x129xf32, #tpu.memory_space<vmem>>, vector<16xf32>,
        tpu.vector_store %arg10[%swap3A_414, %swap3A_415], %mul3A_412 {strides = array<i32>} : memref<128x129xf32, #tpu.memory_space<vmem>>, vector<16xf32>,
        %scan3A_417 = arith.constant 3 : i32
        %scan3A_418 = arith.addi %scan3A_198, %scan3A_417 : i32
        %mul3A_419 = arith.constant 1 : i32
        %mul3A_420 = arith.muli %scan3A_418, %mul3A_419 : i32
        %add3A_421 = arith.constant 0 : i32
        %add3A_422 = arith.addi %add3A_421, %mul3A_420 : i32
        %shift_right_logical3A_423 = arith.constant 7 : i32
        %shift_right_logical3A_424 = arith.shrui %add3A_422, %shift_right_logical3A_423 : i32
        %and3A_425 = arith.constant 127 : i32
        %and3A_426 = arith.andi %add3A_422, %and3A_425 : i32
        %broadcast_in_dim3A_427 = vector.broadcast %and3A_426 : i32 to vector<16xi32>
        %get3A_428 = arith.index_cast %add3A_422 : i32 to index
        %get3A_429 = arith.constant 0 : index
        %get3A_430 = tpu.vector_load %arg6[%get3A_428, %get3A_429] {strides = array<i32>} : memref<256x64xf32, #tpu.memory_space<vmem>>, vector<16xf32>,
        %mul3A_431 = arith.constant 64 : i32
        %mul3A_432 = arith.muli %shift_right_logical3A_424, %mul3A_431 : i32
        %add3A_433 = arith.constant 0 : i32
        %add3A_434 = arith.addi %mul3A_432, %add3A_433 : i32
        %add3A_435 = vector.broadcast %add3A_434 : i32 to vector<16xi32>
        %add3A_436 = arith.addi %add3A_435, %iota3A : vector<16xi32>
        %mul3A_437 = arith.constant 8.000000e+00 : f32
        %mul3A_438 = vector.broadcast %mul3A_437 : f32 to vector<16xf32>
        %mul3A_439 = arith.mulf %get3A_430, %mul3A_438 : vector<16xf32>
        %swap3A_440 = arith.constant 0 : i32
        %swap3A_441 = arith.index_cast %swap3A_440 : i32 to index
        %swap3A_442 = arith.constant 0 : index
        %swap3A_443 = tpu.vector_load %arg10[%swap3A_441, %swap3A_442] {strides = array<i32>} : memref<128x129xf32, #tpu.memory_space<vmem>>, vector<16xf32>,
        tpu.vector_store %arg10[%swap3A_441, %swap3A_442], %mul3A_439 {strides = array<i32>} : memref<128x129xf32, #tpu.memory_space<vmem>>, vector<16xf32>,
        %get3A_444 = arith.index_cast %add3A_422 : i32 to index
        %get3A_445 = arith.constant 16 : index
        %get3A_446 = tpu.vector_load %arg6[%get3A_444, %get3A_445] {strides = array<i32>} : memref<256x64xf32, #tpu.memory_space<vmem>>, vector<16xf32>,
        %mul3A_447 = arith.constant 64 : i32
        %mul3A_448 = arith.muli %shift_right_logical3A_424, %mul3A_447 : i32
        %add3A_449 = arith.constant 16 : i32
        %add3A_450 = arith.addi %mul3A_448, %add3A_449 : i32
        %add3A_451 = vector.broadcast %add3A_450 : i32 to vector<16xi32>
        %add3A_452 = arith.addi %add3A_451, %iota3A : vector<16xi32>
        %mul3A_453 = arith.constant 8.000000e+00 : f32
        %mul3A_454 = vector.broadcast %mul3A_453 : f32 to vector<16xf32>
        %mul3A_455 = arith.mulf %get3A_446, %mul3A_454 : vector<16xf32>
        %swap3A_456 = arith.constant 1 : i32
        %swap3A_457 = arith.index_cast %swap3A_456 : i32 to index
        %swap3A_458 = arith.constant 0 : index
        %swap3A_459 = tpu.vector_load %arg10[%swap3A_457, %swap3A_458] {strides = array<i32>} : memref<128x129xf32, #tpu.memory_space<vmem>>, vector<16xf32>,
        tpu.vector_store %arg10[%swap3A_457, %swap3A_458], %mul3A_455 {strides = array<i32>} : memref<128x129xf32, #tpu.memory_space<vmem>>, vector<16xf32>,
        %get3A_460 = arith.index_cast %add3A_422 : i32 to index
        %get3A_461 = arith.constant 32 : index
        %get3A_462 = tpu.vector_load %arg6[%get3A_460, %get3A_461] {strides = array<i32>} : memref<256x64xf32, #tpu.memory_space<vmem>>, vector<16xf32>,
        %mul3A_463 = arith.constant 64 : i32
        %mul3A_464 = arith.muli %shift_right_logical3A_424, %mul3A_463 : i32
        %add3A_465 = arith.constant 32 : i32
        %add3A_466 = arith.addi %mul3A_464, %add3A_465 : i32
        %add3A_467 = vector.broadcast %add3A_466 : i32 to vector<16xi32>
        %add3A_468 = arith.addi %add3A_467, %iota3A : vector<16xi32>
        %mul3A_469 = arith.constant 8.000000e+00 : f32
        %mul3A_470 = vector.broadcast %mul3A_469 : f32 to vector<16xf32>
        %mul3A_471 = arith.mulf %get3A_462, %mul3A_470 : vector<16xf32>
        %swap3A_472 = arith.constant 2 : i32
        %swap3A_473 = arith.index_cast %swap3A_472 : i32 to index
        %swap3A_474 = arith.constant 0 : index
        %swap3A_475 = tpu.vector_load %arg10[%swap3A_473, %swap3A_474] {strides = array<i32>} : memref<128x129xf32, #tpu.memory_space<vmem>>, vector<16xf32>,
        tpu.vector_store %arg10[%swap3A_473, %swap3A_474], %mul3A_471 {strides = array<i32>} : memref<128x129xf32, #tpu.memory_space<vmem>>, vector<16xf32>,
        %get3A_476 = arith.index_cast %add3A_422 : i32 to index
        %get3A_477 = arith.constant 48 : index
        %get3A_478 = tpu.vector_load %arg6[%get3A_476, %get3A_477] {strides = array<i32>} : memref<256x64xf32, #tpu.memory_space<vmem>>, vector<16xf32>,
        %mul3A_479 = arith.constant 64 : i32
        %mul3A_480 = arith.muli %shift_right_logical3A_424, %mul3A_479 : i32
        %add3A_481 = arith.constant 48 : i32
        %add3A_482 = arith.addi %mul3A_480, %add3A_481 : i32
        %add3A_483 = vector.broadcast %add3A_482 : i32 to vector<16xi32>
        %add3A_484 = arith.addi %add3A_483, %iota3A : vector<16xi32>
        %mul3A_485 = arith.constant 8.000000e+00 : f32
        %mul3A_486 = vector.broadcast %mul3A_485 : f32 to vector<16xf32>
        %mul3A_487 = arith.mulf %get3A_478, %mul3A_486 : vector<16xf32>
        %swap3A_488 = arith.constant 3 : i32
        %swap3A_489 = arith.index_cast %swap3A_488 : i32 to index
        %swap3A_490 = arith.constant 0 : index
        %swap3A_491 = tpu.vector_load %arg10[%swap3A_489, %swap3A_490] {strides = array<i32>} : memref<128x129xf32, #tpu.memory_space<vmem>>, vector<16xf32>,
        tpu.vector_store %arg10[%swap3A_489, %swap3A_490], %mul3A_487 {strides = array<i32>} : memref<128x129xf32, #tpu.memory_space<vmem>>, vector<16xf32>,
        %scan3A_492 = arith.constant 4 : i32
        %scan3A_493 = arith.addi %scan3A_198, %scan3A_492 : i32
        %mul3A_494 = arith.constant 1 : i32
        %mul3A_495 = arith.muli %scan3A_493, %mul3A_494 : i32
        %add3A_496 = arith.constant 0 : i32
        %add3A_497 = arith.addi %add3A_496, %mul3A_495 : i32
        %shift_right_logical3A_498 = arith.constant 7 : i32
        %shift_right_logical3A_499 = arith.shrui %add3A_497, %shift_right_logical3A_498 : i32
        %and3A_500 = arith.constant 127 : i32
        %and3A_501 = arith.andi %add3A_497, %and3A_500 : i32
        %broadcast_in_dim3A_502 = vector.broadcast %and3A_501 : i32 to vector<16xi32>
        %get3A_503 = arith.index_cast %add3A_497 : i32 to index
        %get3A_504 = arith.constant 0 : index
        %get3A_505 = tpu.vector_load %arg6[%get3A_503, %get3A_504] {strides = array<i32>} : memref<256x64xf32, #tpu.memory_space<vmem>>, vector<16xf32>,
        %mul3A_506 = arith.constant 64 : i32
        %mul3A_507 = arith.muli %shift_right_logical3A_499, %mul3A_506 : i32
        %add3A_508 = arith.constant 0 : i32
        %add3A_509 = arith.addi %mul3A_507, %add3A_508 : i32
        %add3A_510 = vector.broadcast %add3A_509 : i32 to vector<16xi32>
        %add3A_511 = arith.addi %add3A_510, %iota3A : vector<16xi32>
        %mul3A_512 = arith.constant 8.000000e+00 : f32
        %mul3A_513 = vector.broadcast %mul3A_512 : f32 to vector<16xf32>
        %mul3A_514 = arith.mulf %get3A_505, %mul3A_513 : vector<16xf32>
        %swap3A_515 = arith.constant 0 : i32
        %swap3A_516 = arith.index_cast %swap3A_515 : i32 to index
        %swap3A_517 = arith.constant 0 : index
        %swap3A_518 = tpu.vector_load %arg10[%swap3A_516, %swap3A_517] {strides = array<i32>} : memref<128x129xf32, #tpu.memory_space<vmem>>, vector<16xf32>,
        tpu.vector_store %arg10[%swap3A_516, %swap3A_517], %mul3A_514 {strides = array<i32>} : memref<128x129xf32, #tpu.memory_space<vmem>>, vector<16xf32>,
        %get3A_519 = arith.index_cast %add3A_497 : i32 to index
        %get3A_520 = arith.constant 16 : index
        %get3A_521 = tpu.vector_load %arg6[%get3A_519, %get3A_520] {strides = array<i32>} : memref<256x64xf32, #tpu.memory_space<vmem>>, vector<16xf32>,
        %mul3A_522 = arith.constant 64 : i32
        %mul3A_523 = arith.muli %shift_right_logical3A_499, %mul3A_522 : i32
        %add3A_524 = arith.constant 16 : i32
        %add3A_525 = arith.addi %mul3A_523, %add3A_524 : i32
        %add3A_526 = vector.broadcast %add3A_525 : i32 to vector<16xi32>
        %add3A_527 = arith.addi %add3A_526, %iota3A : vector<16xi32>
        %mul3A_528 = arith.constant 8.000000e+00 : f32
        %mul3A_529 = vector.broadcast %mul3A_528 : f32 to vector<16xf32>
        %mul3A_530 = arith.mulf %get3A_521, %mul3A_529 : vector<16xf32>
        %swap3A_531 = arith.constant 1 : i32
        %swap3A_532 = arith.index_cast %swap3A_531 : i32 to index
        %swap3A_533 = arith.constant 0 : index
        %swap3A_534 = tpu.vector_load %arg10[%swap3A_532, %swap3A_533] {strides = array<i32>} : memref<128x129xf32, #tpu.memory_space<vmem>>, vector<16xf32>,
        tpu.vector_store %arg10[%swap3A_532, %swap3A_533], %mul3A_530 {strides = array<i32>} : memref<128x129xf32, #tpu.memory_space<vmem>>, vector<16xf32>,
        %get3A_535 = arith.index_cast %add3A_497 : i32 to index
        %get3A_536 = arith.constant 32 : index
        %get3A_537 = tpu.vector_load %arg6[%get3A_535, %get3A_536] {strides = array<i32>} : memref<256x64xf32, #tpu.memory_space<vmem>>, vector<16xf32>,
        %mul3A_538 = arith.constant 64 : i32
        %mul3A_539 = arith.muli %shift_right_logical3A_499, %mul3A_538 : i32
        %add3A_540 = arith.constant 32 : i32
        %add3A_541 = arith.addi %mul3A_539, %add3A_540 : i32
        %add3A_542 = vector.broadcast %add3A_541 : i32 to vector<16xi32>
        %add3A_543 = arith.addi %add3A_542, %iota3A : vector<16xi32>
        %mul3A_544 = arith.constant 8.000000e+00 : f32
        %mul3A_545 = vector.broadcast %mul3A_544 : f32 to vector<16xf32>
        %mul3A_546 = arith.mulf %get3A_537, %mul3A_545 : vector<16xf32>
        %swap3A_547 = arith.constant 2 : i32
        %swap3A_548 = arith.index_cast %swap3A_547 : i32 to index
        %swap3A_549 = arith.constant 0 : index
        %swap3A_550 = tpu.vector_load %arg10[%swap3A_548, %swap3A_549] {strides = array<i32>} : memref<128x129xf32, #tpu.memory_space<vmem>>, vector<16xf32>,
        tpu.vector_store %arg10[%swap3A_548, %swap3A_549], %mul3A_546 {strides = array<i32>} : memref<128x129xf32, #tpu.memory_space<vmem>>, vector<16xf32>,
        %get3A_551 = arith.index_cast %add3A_497 : i32 to index
        %get3A_552 = arith.constant 48 : index
        %get3A_553 = tpu.vector_load %arg6[%get3A_551, %get3A_552] {strides = array<i32>} : memref<256x64xf32, #tpu.memory_space<vmem>>, vector<16xf32>,
        %mul3A_554 = arith.constant 64 : i32
        %mul3A_555 = arith.muli %shift_right_logical3A_499, %mul3A_554 : i32
        %add3A_556 = arith.constant 48 : i32
        %add3A_557 = arith.addi %mul3A_555, %add3A_556 : i32
        %add3A_558 = vector.broadcast %add3A_557 : i32 to vector<16xi32>
        %add3A_559 = arith.addi %add3A_558, %iota3A : vector<16xi32>
        %mul3A_560 = arith.constant 8.000000e+00 : f32
        %mul3A_561 = vector.broadcast %mul3A_560 : f32 to vector<16xf32>
        %mul3A_562 = arith.mulf %get3A_553, %mul3A_561 : vector<16xf32>
        %swap3A_563 = arith.constant 3 : i32
        %swap3A_564 = arith.index_cast %swap3A_563 : i32 to index
        %swap3A_565 = arith.constant 0 : index
        %swap3A_566 = tpu.vector_load %arg10[%swap3A_564, %swap3A_565] {strides = array<i32>} : memref<128x129xf32, #tpu.memory_space<vmem>>, vector<16xf32>,
        tpu.vector_store %arg10[%swap3A_564, %swap3A_565], %mul3A_562 {strides = array<i32>} : memref<128x129xf32, #tpu.memory_space<vmem>>, vector<16xf32>,
        %scan3A_567 = arith.constant 5 : i32
        %scan3A_568 = arith.addi %scan3A_198, %scan3A_567 : i32
        %mul3A_569 = arith.constant 1 : i32
        %mul3A_570 = arith.muli %scan3A_568, %mul3A_569 : i32
        %add3A_571 = arith.constant 0 : i32
        %add3A_572 = arith.addi %add3A_571, %mul3A_570 : i32
        %shift_right_logical3A_573 = arith.constant 7 : i32
        %shift_right_logical3A_574 = arith.shrui %add3A_572, %shift_right_logical3A_573 : i32
        %and3A_575 = arith.constant 127 : i32
        %and3A_576 = arith.andi %add3A_572, %and3A_575 : i32
        %broadcast_in_dim3A_577 = vector.broadcast %and3A_576 : i32 to vector<16xi32>
        %get3A_578 = arith.index_cast %add3A_572 : i32 to index
        %get3A_579 = arith.constant 0 : index
        %get3A_580 = tpu.vector_load %arg6[%get3A_578, %get3A_579] {strides = array<i32>} : memref<256x64xf32, #tpu.memory_space<vmem>>, vector<16xf32>,
        %mul3A_581 = arith.constant 64 : i32
        %mul3A_582 = arith.muli %shift_right_logical3A_574, %mul3A_581 : i32
        %add3A_583 = arith.constant 0 : i32
        %add3A_584 = arith.addi %mul3A_582, %add3A_583 : i32
        %add3A_585 = vector.broadcast %add3A_584 : i32 to vector<16xi32>
        %add3A_586 = arith.addi %add3A_585, %iota3A : vector<16xi32>
        %mul3A_587 = arith.constant 8.000000e+00 : f32
        %mul3A_588 = vector.broadcast %mul3A_587 : f32 to vector<16xf32>
        %mul3A_589 = arith.mulf %get3A_580, %mul3A_588 : vector<16xf32>
        %swap3A_590 = arith.constant 0 : i32
        %swap3A_591 = arith.index_cast %swap3A_590 : i32 to index
        %swap3A_592 = arith.constant 0 : index
        %swap3A_593 = tpu.vector_load %arg10[%swap3A_591, %swap3A_592] {strides = array<i32>} : memref<128x129xf32, #tpu.memory_space<vmem>>, vector<16xf32>,
        tpu.vector_store %arg10[%swap3A_591, %swap3A_592], %mul3A_589 {strides = array<i32>} : memref<128x129xf32, #tpu.memory_space<vmem>>, vector<16xf32>,
        %get3A_594 = arith.index_cast %add3A_572 : i32 to index
        %get3A_595 = arith.constant 16 : index
        %get3A_596 = tpu.vector_load %arg6[%get3A_594, %get3A_595] {strides = array<i32>} : memref<256x64xf32, #tpu.memory_space<vmem>>, vector<16xf32>,
        %mul3A_597 = arith.constant 64 : i32
        %mul3A_598 = arith.muli %shift_right_logical3A_574, %mul3A_597 : i32
        %add3A_599 = arith.constant 16 : i32
        %add3A_600 = arith.addi %mul3A_598, %add3A_599 : i32
        %add3A_601 = vector.broadcast %add3A_600 : i32 to vector<16xi32>
        %add3A_602 = arith.addi %add3A_601, %iota3A : vector<16xi32>
        %mul3A_603 = arith.constant 8.000000e+00 : f32
        %mul3A_604 = vector.broadcast %mul3A_603 : f32 to vector<16xf32>
        %mul3A_605 = arith.mulf %get3A_596, %mul3A_604 : vector<16xf32>
        %swap3A_606 = arith.constant 1 : i32
        %swap3A_607 = arith.index_cast %swap3A_606 : i32 to index
        %swap3A_608 = arith.constant 0 : index
        %swap3A_609 = tpu.vector_load %arg10[%swap3A_607, %swap3A_608] {strides = array<i32>} : memref<128x129xf32, #tpu.memory_space<vmem>>, vector<16xf32>,
        tpu.vector_store %arg10[%swap3A_607, %swap3A_608], %mul3A_605 {strides = array<i32>} : memref<128x129xf32, #tpu.memory_space<vmem>>, vector<16xf32>,
        %get3A_610 = arith.index_cast %add3A_572 : i32 to index
        %get3A_611 = arith.constant 32 : index
        %get3A_612 = tpu.vector_load %arg6[%get3A_610, %get3A_611] {strides = array<i32>} : memref<256x64xf32, #tpu.memory_space<vmem>>, vector<16xf32>,
        %mul3A_613 = arith.constant 64 : i32
        %mul3A_614 = arith.muli %shift_right_logical3A_574, %mul3A_613 : i32
        %add3A_615 = arith.constant 32 : i32
        %add3A_616 = arith.addi %mul3A_614, %add3A_615 : i32
        %add3A_617 = vector.broadcast %add3A_616 : i32 to vector<16xi32>
        %add3A_618 = arith.addi %add3A_617, %iota3A : vector<16xi32>
        %mul3A_619 = arith.constant 8.000000e+00 : f32
        %mul3A_620 = vector.broadcast %mul3A_619 : f32 to vector<16xf32>
        %mul3A_621 = arith.mulf %get3A_612, %mul3A_620 : vector<16xf32>
        %swap3A_622 = arith.constant 2 : i32
        %swap3A_623 = arith.index_cast %swap3A_622 : i32 to index
        %swap3A_624 = arith.constant 0 : index
        %swap3A_625 = tpu.vector_load %arg10[%swap3A_623, %swap3A_624] {strides = array<i32>} : memref<128x129xf32, #tpu.memory_space<vmem>>, vector<16xf32>,
        tpu.vector_store %arg10[%swap3A_623, %swap3A_624], %mul3A_621 {strides = array<i32>} : memref<128x129xf32, #tpu.memory_space<vmem>>, vector<16xf32>,
        %get3A_626 = arith.index_cast %add3A_572 : i32 to index
        %get3A_627 = arith.constant 48 : index
        %get3A_628 = tpu.vector_load %arg6[%get3A_626, %get3A_627] {strides = array<i32>} : memref<256x64xf32, #tpu.memory_space<vmem>>, vector<16xf32>,
        %mul3A_629 = arith.constant 64 : i32
        %mul3A_630 = arith.muli %shift_right_logical3A_574, %mul3A_629 : i32
        %add3A_631 = arith.constant 48 : i32
        %add3A_632 = arith.addi %mul3A_630, %add3A_631 : i32
        %add3A_633 = vector.broadcast %add3A_632 : i32 to vector<16xi32>
        %add3A_634 = arith.addi %add3A_633, %iota3A : vector<16xi32>
        %mul3A_635 = arith.constant 8.000000e+00 : f32
        %mul3A_636 = vector.broadcast %mul3A_635 : f32 to vector<16xf32>
        %mul3A_637 = arith.mulf %get3A_628, %mul3A_636 : vector<16xf32>
        %swap3A_638 = arith.constant 3 : i32
        %swap3A_639 = arith.index_cast %swap3A_638 : i32 to index
        %swap3A_640 = arith.constant 0 : index
        %swap3A_641 = tpu.vector_load %arg10[%swap3A_639, %swap3A_640] {strides = array<i32>} : memref<128x129xf32, #tpu.memory_space<vmem>>, vector<16xf32>,
        tpu.vector_store %arg10[%swap3A_639, %swap3A_640], %mul3A_637 {strides = array<i32>} : memref<128x129xf32, #tpu.memory_space<vmem>>, vector<16xf32>,
        %scan3A_642 = arith.constant 6 : i32
        %scan3A_643 = arith.addi %scan3A_198, %scan3A_642 : i32
        %mul3A_644 = arith.constant 1 : i32
        %mul3A_645 = arith.muli %scan3A_643, %mul3A_644 : i32
        %add3A_646 = arith.constant 0 : i32
        %add3A_647 = arith.addi %add3A_646, %mul3A_645 : i32
        %shift_right_logical3A_648 = arith.constant 7 : i32
        %shift_right_logical3A_649 = arith.shrui %add3A_647, %shift_right_logical3A_648 : i32
        %and3A_650 = arith.constant 127 : i32
        %and3A_651 = arith.andi %add3A_647, %and3A_650 : i32
        %broadcast_in_dim3A_652 = vector.broadcast %and3A_651 : i32 to vector<16xi32>
        %get3A_653 = arith.index_cast %add3A_647 : i32 to index
        %get3A_654 = arith.constant 0 : index
        %get3A_655 = tpu.vector_load %arg6[%get3A_653, %get3A_654] {strides = array<i32>} : memref<256x64xf32, #tpu.memory_space<vmem>>, vector<16xf32>,
        %mul3A_656 = arith.constant 64 : i32
        %mul3A_657 = arith.muli %shift_right_logical3A_649, %mul3A_656 : i32
        %add3A_658 = arith.constant 0 : i32
        %add3A_659 = arith.addi %mul3A_657, %add3A_658 : i32
        %add3A_660 = vector.broadcast %add3A_659 : i32 to vector<16xi32>
        %add3A_661 = arith.addi %add3A_660, %iota3A : vector<16xi32>
        %mul3A_662 = arith.constant 8.000000e+00 : f32
        %mul3A_663 = vector.broadcast %mul3A_662 : f32 to vector<16xf32>
        %mul3A_664 = arith.mulf %get3A_655, %mul3A_663 : vector<16xf32>
        %swap3A_665 = arith.constant 0 : i32
        %swap3A_666 = arith.index_cast %swap3A_665 : i32 to index
        %swap3A_667 = arith.constant 0 : index
        %swap3A_668 = tpu.vector_load %arg10[%swap3A_666, %swap3A_667] {strides = array<i32>} : memref<128x129xf32, #tpu.memory_space<vmem>>, vector<16xf32>,
        tpu.vector_store %arg10[%swap3A_666, %swap3A_667], %mul3A_664 {strides = array<i32>} : memref<128x129xf32, #tpu.memory_space<vmem>>, vector<16xf32>,
        %get3A_669 = arith.index_cast %add3A_647 : i32 to index
        %get3A_670 = arith.constant 16 : index
        %get3A_671 = tpu.vector_load %arg6[%get3A_669, %get3A_670] {strides = array<i32>} : memref<256x64xf32, #tpu.memory_space<vmem>>, vector<16xf32>,
        %mul3A_672 = arith.constant 64 : i32
        %mul3A_673 = arith.muli %shift_right_logical3A_649, %mul3A_672 : i32
        %add3A_674 = arith.constant 16 : i32
        %add3A_675 = arith.addi %mul3A_673, %add3A_674 : i32
        %add3A_676 = vector.broadcast %add3A_675 : i32 to vector<16xi32>
        %add3A_677 = arith.addi %add3A_676, %iota3A : vector<16xi32>
        %mul3A_678 = arith.constant 8.000000e+00 : f32
        %mul3A_679 = vector.broadcast %mul3A_678 : f32 to vector<16xf32>
        %mul3A_680 = arith.mulf %get3A_671, %mul3A_679 : vector<16xf32>
        %swap3A_681 = arith.constant 1 : i32
        %swap3A_682 = arith.index_cast %swap3A_681 : i32 to index
        %swap3A_683 = arith.constant 0 : index
        %swap3A_684 = tpu.vector_load %arg10[%swap3A_682, %swap3A_683] {strides = array<i32>} : memref<128x129xf32, #tpu.memory_space<vmem>>, vector<16xf32>,
        tpu.vector_store %arg10[%swap3A_682, %swap3A_683], %mul3A_680 {strides = array<i32>} : memref<128x129xf32, #tpu.memory_space<vmem>>, vector<16xf32>,
        %get3A_685 = arith.index_cast %add3A_647 : i32 to index
        %get3A_686 = arith.constant 32 : index
        %get3A_687 = tpu.vector_load %arg6[%get3A_685, %get3A_686] {strides = array<i32>} : memref<256x64xf32, #tpu.memory_space<vmem>>, vector<16xf32>,
        %mul3A_688 = arith.constant 64 : i32
        %mul3A_689 = arith.muli %shift_right_logical3A_649, %mul3A_688 : i32
        %add3A_690 = arith.constant 32 : i32
        %add3A_691 = arith.addi %mul3A_689, %add3A_690 : i32
        %add3A_692 = vector.broadcast %add3A_691 : i32 to vector<16xi32>
        %add3A_693 = arith.addi %add3A_692, %iota3A : vector<16xi32>
        %mul3A_694 = arith.constant 8.000000e+00 : f32
        %mul3A_695 = vector.broadcast %mul3A_694 : f32 to vector<16xf32>
        %mul3A_696 = arith.mulf %get3A_687, %mul3A_695 : vector<16xf32>
        %swap3A_697 = arith.constant 2 : i32
        %swap3A_698 = arith.index_cast %swap3A_697 : i32 to index
        %swap3A_699 = arith.constant 0 : index
        %swap3A_700 = tpu.vector_load %arg10[%swap3A_698, %swap3A_699] {strides = array<i32>} : memref<128x129xf32, #tpu.memory_space<vmem>>, vector<16xf32>,
        tpu.vector_store %arg10[%swap3A_698, %swap3A_699], %mul3A_696 {strides = array<i32>} : memref<128x129xf32, #tpu.memory_space<vmem>>, vector<16xf32>,
        %get3A_701 = arith.index_cast %add3A_647 : i32 to index
        %get3A_702 = arith.constant 48 : index
        %get3A_703 = tpu.vector_load %arg6[%get3A_701, %get3A_702] {strides = array<i32>} : memref<256x64xf32, #tpu.memory_space<vmem>>, vector<16xf32>,
        %mul3A_704 = arith.constant 64 : i32
        %mul3A_705 = arith.muli %shift_right_logical3A_649, %mul3A_704 : i32
        %add3A_706 = arith.constant 48 : i32
        %add3A_707 = arith.addi %mul3A_705, %add3A_706 : i32
        %add3A_708 = vector.broadcast %add3A_707 : i32 to vector<16xi32>
        %add3A_709 = arith.addi %add3A_708, %iota3A : vector<16xi32>
        %mul3A_710 = arith.constant 8.000000e+00 : f32
        %mul3A_711 = vector.broadcast %mul3A_710 : f32 to vector<16xf32>
        %mul3A_712 = arith.mulf %get3A_703, %mul3A_711 : vector<16xf32>
        %swap3A_713 = arith.constant 3 : i32
        %swap3A_714 = arith.index_cast %swap3A_713 : i32 to index
        %swap3A_715 = arith.constant 0 : index
        %swap3A_716 = tpu.vector_load %arg10[%swap3A_714, %swap3A_715] {strides = array<i32>} : memref<128x129xf32, #tpu.memory_space<vmem>>, vector<16xf32>,
        tpu.vector_store %arg10[%swap3A_714, %swap3A_715], %mul3A_712 {strides = array<i32>} : memref<128x129xf32, #tpu.memory_space<vmem>>, vector<16xf32>,
        %scan3A_717 = arith.constant 7 : i32
        %scan3A_718 = arith.addi %scan3A_198, %scan3A_717 : i32
        %mul3A_719 = arith.constant 1 : i32
        %mul3A_720 = arith.muli %scan3A_718, %mul3A_719 : i32
        %add3A_721 = arith.constant 0 : i32
        %add3A_722 = arith.addi %add3A_721, %mul3A_720 : i32
        %shift_right_logical3A_723 = arith.constant 7 : i32
        %shift_right_logical3A_724 = arith.shrui %add3A_722, %shift_right_logical3A_723 : i32
        %and3A_725 = arith.constant 127 : i32
        %and3A_726 = arith.andi %add3A_722, %and3A_725 : i32
        %broadcast_in_dim3A_727 = vector.broadcast %and3A_726 : i32 to vector<16xi32>
        %get3A_728 = arith.index_cast %add3A_722 : i32 to index
        %get3A_729 = arith.constant 0 : index
        %get3A_730 = tpu.vector_load %arg6[%get3A_728, %get3A_729] {strides = array<i32>} : memref<256x64xf32, #tpu.memory_space<vmem>>, vector<16xf32>,
        %mul3A_731 = arith.constant 64 : i32
        %mul3A_732 = arith.muli %shift_right_logical3A_724, %mul3A_731 : i32
        %add3A_733 = arith.constant 0 : i32
        %add3A_734 = arith.addi %mul3A_732, %add3A_733 : i32
        %add3A_735 = vector.broadcast %add3A_734 : i32 to vector<16xi32>
        %add3A_736 = arith.addi %add3A_735, %iota3A : vector<16xi32>
        %mul3A_737 = arith.constant 8.000000e+00 : f32
        %mul3A_738 = vector.broadcast %mul3A_737 : f32 to vector<16xf32>
        %mul3A_739 = arith.mulf %get3A_730, %mul3A_738 : vector<16xf32>
        %swap3A_740 = arith.constant 0 : i32
        %swap3A_741 = arith.index_cast %swap3A_740 : i32 to index
        %swap3A_742 = arith.constant 0 : index
        %swap3A_743 = tpu.vector_load %arg10[%swap3A_741, %swap3A_742] {strides = array<i32>} : memref<128x129xf32, #tpu.memory_space<vmem>>, vector<16xf32>,
        tpu.vector_store %arg10[%swap3A_741, %swap3A_742], %mul3A_739 {strides = array<i32>} : memref<128x129xf32, #tpu.memory_space<vmem>>, vector<16xf32>,
        %get3A_744 = arith.index_cast %add3A_722 : i32 to index
        %get3A_745 = arith.constant 16 : index
        %get3A_746 = tpu.vector_load %arg6[%get3A_744, %get3A_745] {strides = array<i32>} : memref<256x64xf32, #tpu.memory_space<vmem>>, vector<16xf32>,
        %mul3A_747 = arith.constant 64 : i32
        %mul3A_748 = arith.muli %shift_right_logical3A_724, %mul3A_747 : i32
        %add3A_749 = arith.constant 16 : i32
        %add3A_750 = arith.addi %mul3A_748, %add3A_749 : i32
        %add3A_751 = vector.broadcast %add3A_750 : i32 to vector<16xi32>
        %add3A_752 = arith.addi %add3A_751, %iota3A : vector<16xi32>
        %mul3A_753 = arith.constant 8.000000e+00 : f32
        %mul3A_754 = vector.broadcast %mul3A_753 : f32 to vector<16xf32>
        %mul3A_755 = arith.mulf %get3A_746, %mul3A_754 : vector<16xf32>
        %swap3A_756 = arith.constant 1 : i32
        %swap3A_757 = arith.index_cast %swap3A_756 : i32 to index
        %swap3A_758 = arith.constant 0 : index
        %swap3A_759 = tpu.vector_load %arg10[%swap3A_757, %swap3A_758] {strides = array<i32>} : memref<128x129xf32, #tpu.memory_space<vmem>>, vector<16xf32>,
        tpu.vector_store %arg10[%swap3A_757, %swap3A_758], %mul3A_755 {strides = array<i32>} : memref<128x129xf32, #tpu.memory_space<vmem>>, vector<16xf32>,
        %get3A_760 = arith.index_cast %add3A_722 : i32 to index
        %get3A_761 = arith.constant 32 : index
        %get3A_762 = tpu.vector_load %arg6[%get3A_760, %get3A_761] {strides = array<i32>} : memref<256x64xf32, #tpu.memory_space<vmem>>, vector<16xf32>,
        %mul3A_763 = arith.constant 64 : i32
        %mul3A_764 = arith.muli %shift_right_logical3A_724, %mul3A_763 : i32
        %add3A_765 = arith.constant 32 : i32
        %add3A_766 = arith.addi %mul3A_764, %add3A_765 : i32
        %add3A_767 = vector.broadcast %add3A_766 : i32 to vector<16xi32>
        %add3A_768 = arith.addi %add3A_767, %iota3A : vector<16xi32>
        %mul3A_769 = arith.constant 8.000000e+00 : f32
        %mul3A_770 = vector.broadcast %mul3A_769 : f32 to vector<16xf32>
        %mul3A_771 = arith.mulf %get3A_762, %mul3A_770 : vector<16xf32>
        %swap3A_772 = arith.constant 2 : i32
        %swap3A_773 = arith.index_cast %swap3A_772 : i32 to index
        %swap3A_774 = arith.constant 0 : index
        %swap3A_775 = tpu.vector_load %arg10[%swap3A_773, %swap3A_774] {strides = array<i32>} : memref<128x129xf32, #tpu.memory_space<vmem>>, vector<16xf32>,
        tpu.vector_store %arg10[%swap3A_773, %swap3A_774], %mul3A_771 {strides = array<i32>} : memref<128x129xf32, #tpu.memory_space<vmem>>, vector<16xf32>,
        %get3A_776 = arith.index_cast %add3A_722 : i32 to index
        %get3A_777 = arith.constant 48 : index
        %get3A_778 = tpu.vector_load %arg6[%get3A_776, %get3A_777] {strides = array<i32>} : memref<256x64xf32, #tpu.memory_space<vmem>>, vector<16xf32>,
        %mul3A_779 = arith.constant 64 : i32
        %mul3A_780 = arith.muli %shift_right_logical3A_724, %mul3A_779 : i32
        %add3A_781 = arith.constant 48 : i32
        %add3A_782 = arith.addi %mul3A_780, %add3A_781 : i32
        %add3A_783 = vector.broadcast %add3A_782 : i32 to vector<16xi32>
        %add3A_784 = arith.addi %add3A_783, %iota3A : vector<16xi32>
        %mul3A_785 = arith.constant 8.000000e+00 : f32
        %mul3A_786 = vector.broadcast %mul3A_785 : f32 to vector<16xf32>
        %mul3A_787 = arith.mulf %get3A_778, %mul3A_786 : vector<16xf32>
        %swap3A_788 = arith.constant 3 : i32
        %swap3A_789 = arith.index_cast %swap3A_788 : i32 to index
        %swap3A_790 = arith.constant 0 : index
        %swap3A_791 = tpu.vector_load %arg10[%swap3A_789, %swap3A_790] {strides = array<i32>} : memref<128x129xf32, #tpu.memory_space<vmem>>, vector<16xf32>,
        tpu.vector_store %arg10[%swap3A_789, %swap3A_790], %mul3A_787 {strides = array<i32>} : memref<128x129xf32, #tpu.memory_space<vmem>>, vector<16xf32>,
      }
      %scan3A_64 = arith.constant 256 : i32
      %mul3A_65 = arith.constant 2 : i32
      %mul3A_66 = arith.muli %add3A_52, %mul3A_65 : i32
      %mul3A_67 = arith.constant 64 : i32
      %mul3A_68 = arith.muli %mul3A_66, %mul3A_67 : i32
      %dma_start3A_69 = arith.constant 0 : i32
      %dma_start3A_70 = arith.constant 0 : i32
      %dma_start3A_71 = tpu.memref_slice %arg10[%dma_start3A_69, %dma_start3A_70] : memref<128x129xf32, #tpu.memory_space<vmem>> -> memref<1x128xf32, #tpu.memory_space<vmem>>
      %dma_start3A_72 = tpu.memref_slice %arg4[%mul3A_68, %mul3A_4] : memref<12800x4096xf32, #tpu.memory_space<hbm>> -> memref<1x128xf32, #tpu.memory_space<hbm>>
      %dma_start3A_73 = tpu.memref_slice %arg4[%mul3A_68, %mul3A_4] : memref<12800x4096xf32, #tpu.memory_space<hbm>> -> memref<1x128xf32, #tpu.memory_space<hbm>>
      %dma_start3A_74 = arith.constant 0 : i32
      %dma_start3A_75 = arith.constant 0 : i32
      %dma_start3A_76 = tpu.memref_slice %arg10[%dma_start3A_74, %dma_start3A_75] : memref<128x129xf32, #tpu.memory_space<vmem>> -> memref<1x128xf32, #tpu.memory_space<vmem>>
      tpu.enqueue_dma source(%dma_start3A_76 : memref<1x128xf32, #tpu.memory_space<vmem>>) target(%dma_start3A_73 : memref<1x128xf32, #tpu.memory_space<hbm>>) target_semaphore(%arg16 : memref<!tpu.dma_semaphore, #tpu.memory_space<semaphore_mem>>)
      %add3A_77 = arith.constant 4 : i32
      %add3A_78 = arith.addi %add3A_52, %add3A_77 : i32
      %sub3A = arith.constant 1 : i32
      %sub3A_79 = arith.subi %add3A_78, %sub3A : i32
      %lt3A = arith.constant 100 : i32
      %lt3A_80 = arith.cmpi slt, %sub3A_79, %lt3A : i32
      %convert_element_type3A_81 = arith.extui %lt3A_80 : i1 to i32
      %cond3A_82 = arith.constant 0 : i32
      %cond3A_83 = arith.cmpi ne, %convert_element_type3A_81, %cond3A_82 : i32
      scf.if %cond3A_83 {
        %add3A_198 = arith.constant 4 : i32
        %add3A_199 = arith.addi %add3A_52, %add3A_198 : i32
        %sub3A_200 = arith.constant 1 : i32
        %sub3A_201 = arith.subi %add3A_199, %sub3A_200 : i32
        %mul3A_202 = arith.constant 256 : i32
        %mul3A_203 = arith.muli %sub3A_201, %mul3A_202 : i32
        %dma_start3A_204 = tpu.memref_slice %arg5[%mul3A_203] : memref<25600xi32, #tpu.memory_space<vmem>> -> memref<256xi32, #tpu.memory_space<vmem>>
        %dma_start3A_205 = arith.constant 0 : i32
        %dma_start3A_206 = arith.constant 0 : i32
        %dma_start3A_207 = tpu.memref_slice %arg3[%dma_start3A_205, %dma_start3A_206] : memref<1000000x64xf32, #tpu.memory_space<hbm>> -> memref<1000000x64xf32, #tpu.memory_space<hbm>>
        tpu.enqueue_indirect_dma source(%dma_start3A_207 : memref<1000000x64xf32, #tpu.memory_space<hbm>>) target(%arg9 : memref<256x64xf32, #tpu.memory_space<vmem>>) offsets(%dma_start3A_204 : memref<256xi32, #tpu.memory_space<vmem>>) semaphore(%arg15 : memref<!tpu.dma_semaphore, #tpu.memory_space<semaphore_mem>>)
      } else {
      }
      %add3A_84 = arith.constant 1 : i32
      %add3A_85 = arith.addi %add3A_50, %add3A_84 : i32
      %dma_wait3A_86 = arith.constant 0 : i32
      %dma_wait3A_87 = tpu.memref_slice %arg5[%dma_wait3A_86] : memref<25600xi32, #tpu.memory_space<vmem>> -> memref<256xi32, #tpu.memory_space<vmem>>
      %dma_wait3A_88 = arith.constant 0 : i32
      %dma_wait3A_89 = arith.constant 0 : i32
      %dma_wait3A_90 = tpu.memref_slice %arg3[%dma_wait3A_88, %dma_wait3A_89] : memref<1000000x64xf32, #tpu.memory_space<hbm>> -> memref<1000000x64xf32, #tpu.memory_space<hbm>>
      tpu.wait_indirect_dma semaphore(%arg13 : memref<!tpu.dma_semaphore, #tpu.memory_space<semaphore_mem>>) src(%dma_wait3A_90 : memref<1000000x64xf32, #tpu.memory_space<hbm>>) dst(%arg7 : memref<256x64xf32, #tpu.memory_space<vmem>>)
      %ge3A_91 = arith.constant 2 : i32
      %ge3A_92 = arith.cmpi sge, %add3A_85, %ge3A_91 : i32
      %convert_element_type3A_93 = arith.extui %ge3A_92 : i1 to i32
      %cond3A_94 = arith.constant 0 : i32
      %cond3A_95 = arith.cmpi ne, %convert_element_type3A_93, %cond3A_94 : i32
      scf.if %cond3A_95 {
        %dma_wait3A_198 = arith.constant 0 : i32
        %dma_wait3A_199 = arith.constant 0 : i32
        %dma_wait3A_200 = tpu.memref_slice %arg11[%dma_wait3A_198, %dma_wait3A_199] : memref<128x129xf32, #tpu.memory_space<vmem>> -> memref<1x128xf32, #tpu.memory_space<vmem>>
        %dma_wait3A_201 = arith.constant 0 : i32
        %dma_wait3A_202 = arith.constant 0 : i32
        %dma_wait3A_203 = tpu.memref_slice %arg4[%dma_wait3A_201, %dma_wait3A_202] : memref<12800x4096xf32, #tpu.memory_space<hbm>> -> memref<1x128xf32, #tpu.memory_space<hbm>>
        %dma_wait3A_204 = arith.constant 0 : i32
        %dma_wait3A_205 = arith.constant 0 : i32
        %dma_wait3A_206 = tpu.memref_slice %arg4[%dma_wait3A_204, %dma_wait3A_205] : memref<12800x4096xf32, #tpu.memory_space<hbm>> -> memref<1x128xf32, #tpu.memory_space<hbm>>
        %dma_wait3A_207 = arith.constant 0 : i32
        %dma_wait3A_208 = arith.constant 0 : i32
        %dma_wait3A_209 = tpu.memref_slice %arg11[%dma_wait3A_207, %dma_wait3A_208] : memref<128x129xf32, #tpu.memory_space<vmem>> -> memref<1x128xf32, #tpu.memory_space<vmem>>
        tpu.wait_dma2 semaphore(%arg17 : memref<!tpu.dma_semaphore, #tpu.memory_space<semaphore_mem>>) src(%dma_wait3A_209 : memref<1x128xf32, #tpu.memory_space<vmem>>) dst(%dma_wait3A_206 : memref<1x128xf32, #tpu.memory_space<hbm>>)
      } else {
      }
      %scan3A_96 = arith.constant 0 : i32
      %scan3A_97 = arith.constant 256 : i32
      %scan3A_98 = arith.addi %scan3A_96, %scan3A_97 : i32
      %scan3A_99 = arith.constant 8 : i32
      scf.for %scan3A_198 = %scan3A_96 to %scan3A_98 step %scan3A_99  : i32 {
        %mul3A_199 = arith.constant 1 : i32
        %mul3A_200 = arith.muli %scan3A_198, %mul3A_199 : i32
        %add3A_201 = arith.constant 0 : i32
        %add3A_202 = arith.addi %add3A_201, %mul3A_200 : i32
        %shift_right_logical3A = arith.constant 7 : i32
        %shift_right_logical3A_203 = arith.shrui %add3A_202, %shift_right_logical3A : i32
        %and3A = arith.constant 127 : i32
        %and3A_204 = arith.andi %add3A_202, %and3A : i32
        %broadcast_in_dim3A = vector.broadcast %and3A_204 : i32 to vector<16xi32>
        %get3A = arith.index_cast %add3A_202 : i32 to index
        %get3A_205 = arith.constant 0 : index
        %get3A_206 = tpu.vector_load %arg7[%get3A, %get3A_205] {strides = array<i32>} : memref<256x64xf32, #tpu.memory_space<vmem>>, vector<16xf32>,
        %mul3A_207 = arith.constant 64 : i32
        %mul3A_208 = arith.muli %shift_right_logical3A_203, %mul3A_207 : i32
        %add3A_209 = arith.constant 0 : i32
        %add3A_210 = arith.addi %mul3A_208, %add3A_209 : i32
        %add3A_211 = vector.broadcast %add3A_210 : i32 to vector<16xi32>
        %add3A_212 = arith.addi %add3A_211, %iota3A : vector<16xi32>
        %mul3A_213 = arith.constant 8.000000e+00 : f32
        %mul3A_214 = vector.broadcast %mul3A_213 : f32 to vector<16xf32>
        %mul3A_215 = arith.mulf %get3A_206, %mul3A_214 : vector<16xf32>
        %swap3A = arith.constant 0 : i32
        %swap3A_216 = arith.index_cast %swap3A : i32 to index
        %swap3A_217 = arith.constant 0 : index
        %swap3A_218 = tpu.vector_load %arg11[%swap3A_216, %swap3A_217] {strides = array<i32>} : memref<128x129xf32, #tpu.memory_space<vmem>>, vector<16xf32>,
        tpu.vector_store %arg11[%swap3A_216, %swap3A_217], %mul3A_215 {strides = array<i32>} : memref<128x129xf32, #tpu.memory_space<vmem>>, vector<16xf32>,
        %get3A_219 = arith.index_cast %add3A_202 : i32 to index
        %get3A_220 = arith.constant 16 : index
        %get3A_221 = tpu.vector_load %arg7[%get3A_219, %get3A_220] {strides = array<i32>} : memref<256x64xf32, #tpu.memory_space<vmem>>, vector<16xf32>,
        %mul3A_222 = arith.constant 64 : i32
        %mul3A_223 = arith.muli %shift_right_logical3A_203, %mul3A_222 : i32
        %add3A_224 = arith.constant 16 : i32
        %add3A_225 = arith.addi %mul3A_223, %add3A_224 : i32
        %add3A_226 = vector.broadcast %add3A_225 : i32 to vector<16xi32>
        %add3A_227 = arith.addi %add3A_226, %iota3A : vector<16xi32>
        %mul3A_228 = arith.constant 8.000000e+00 : f32
        %mul3A_229 = vector.broadcast %mul3A_228 : f32 to vector<16xf32>
        %mul3A_230 = arith.mulf %get3A_221, %mul3A_229 : vector<16xf32>
        %swap3A_231 = arith.constant 1 : i32
        %swap3A_232 = arith.index_cast %swap3A_231 : i32 to index
        %swap3A_233 = arith.constant 0 : index
        %swap3A_234 = tpu.vector_load %arg11[%swap3A_232, %swap3A_233] {strides = array<i32>} : memref<128x129xf32, #tpu.memory_space<vmem>>, vector<16xf32>,
        tpu.vector_store %arg11[%swap3A_232, %swap3A_233], %mul3A_230 {strides = array<i32>} : memref<128x129xf32, #tpu.memory_space<vmem>>, vector<16xf32>,
        %get3A_235 = arith.index_cast %add3A_202 : i32 to index
        %get3A_236 = arith.constant 32 : index
        %get3A_237 = tpu.vector_load %arg7[%get3A_235, %get3A_236] {strides = array<i32>} : memref<256x64xf32, #tpu.memory_space<vmem>>, vector<16xf32>,
        %mul3A_238 = arith.constant 64 : i32
        %mul3A_239 = arith.muli %shift_right_logical3A_203, %mul3A_238 : i32
        %add3A_240 = arith.constant 32 : i32
        %add3A_241 = arith.addi %mul3A_239, %add3A_240 : i32
        %add3A_242 = vector.broadcast %add3A_241 : i32 to vector<16xi32>
        %add3A_243 = arith.addi %add3A_242, %iota3A : vector<16xi32>
        %mul3A_244 = arith.constant 8.000000e+00 : f32
        %mul3A_245 = vector.broadcast %mul3A_244 : f32 to vector<16xf32>
        %mul3A_246 = arith.mulf %get3A_237, %mul3A_245 : vector<16xf32>
        %swap3A_247 = arith.constant 2 : i32
        %swap3A_248 = arith.index_cast %swap3A_247 : i32 to index
        %swap3A_249 = arith.constant 0 : index
        %swap3A_250 = tpu.vector_load %arg11[%swap3A_248, %swap3A_249] {strides = array<i32>} : memref<128x129xf32, #tpu.memory_space<vmem>>, vector<16xf32>,
        tpu.vector_store %arg11[%swap3A_248, %swap3A_249], %mul3A_246 {strides = array<i32>} : memref<128x129xf32, #tpu.memory_space<vmem>>, vector<16xf32>,
        %get3A_251 = arith.index_cast %add3A_202 : i32 to index
        %get3A_252 = arith.constant 48 : index
        %get3A_253 = tpu.vector_load %arg7[%get3A_251, %get3A_252] {strides = array<i32>} : memref<256x64xf32, #tpu.memory_space<vmem>>, vector<16xf32>,
        %mul3A_254 = arith.constant 64 : i32
        %mul3A_255 = arith.muli %shift_right_logical3A_203, %mul3A_254 : i32
        %add3A_256 = arith.constant 48 : i32
        %add3A_257 = arith.addi %mul3A_255, %add3A_256 : i32
        %add3A_258 = vector.broadcast %add3A_257 : i32 to vector<16xi32>
        %add3A_259 = arith.addi %add3A_258, %iota3A : vector<16xi32>
        %mul3A_260 = arith.constant 8.000000e+00 : f32
        %mul3A_261 = vector.broadcast %mul3A_260 : f32 to vector<16xf32>
        %mul3A_262 = arith.mulf %get3A_253, %mul3A_261 : vector<16xf32>
        %swap3A_263 = arith.constant 3 : i32
        %swap3A_264 = arith.index_cast %swap3A_263 : i32 to index
        %swap3A_265 = arith.constant 0 : index
        %swap3A_266 = tpu.vector_load %arg11[%swap3A_264, %swap3A_265] {strides = array<i32>} : memref<128x129xf32, #tpu.memory_space<vmem>>, vector<16xf32>,
        tpu.vector_store %arg11[%swap3A_264, %swap3A_265], %mul3A_262 {strides = array<i32>} : memref<128x129xf32, #tpu.memory_space<vmem>>, vector<16xf32>,
        %scan3A_267 = arith.constant 1 : i32
        %scan3A_268 = arith.addi %scan3A_198, %scan3A_267 : i32
        %mul3A_269 = arith.constant 1 : i32
        %mul3A_270 = arith.muli %scan3A_268, %mul3A_269 : i32
        %add3A_271 = arith.constant 0 : i32
        %add3A_272 = arith.addi %add3A_271, %mul3A_270 : i32
        %shift_right_logical3A_273 = arith.constant 7 : i32
        %shift_right_logical3A_274 = arith.shrui %add3A_272, %shift_right_logical3A_273 : i32
        %and3A_275 = arith.constant 127 : i32
        %and3A_276 = arith.andi %add3A_272, %and3A_275 : i32
        %broadcast_in_dim3A_277 = vector.broadcast %and3A_276 : i32 to vector<16xi32>
        %get3A_278 = arith.index_cast %add3A_272 : i32 to index
        %get3A_279 = arith.constant 0 : index
        %get3A_280 = tpu.vector_load %arg7[%get3A_278, %get3A_279] {strides = array<i32>} : memref<256x64xf32, #tpu.memory_space<vmem>>, vector<16xf32>,
        %mul3A_281 = arith.constant 64 : i32
        %mul3A_282 = arith.muli %shift_right_logical3A_274, %mul3A_281 : i32
        %add3A_283 = arith.constant 0 : i32
        %add3A_284 = arith.addi %mul3A_282, %add3A_283 : i32
        %add3A_285 = vector.broadcast %add3A_284 : i32 to vector<16xi32>
        %add3A_286 = arith.addi %add3A_285, %iota3A : vector<16xi32>
        %mul3A_287 = arith.constant 8.000000e+00 : f32
        %mul3A_288 = vector.broadcast %mul3A_287 : f32 to vector<16xf32>
        %mul3A_289 = arith.mulf %get3A_280, %mul3A_288 : vector<16xf32>
        %swap3A_290 = arith.constant 0 : i32
        %swap3A_291 = arith.index_cast %swap3A_290 : i32 to index
        %swap3A_292 = arith.constant 0 : index
        %swap3A_293 = tpu.vector_load %arg11[%swap3A_291, %swap3A_292] {strides = array<i32>} : memref<128x129xf32, #tpu.memory_space<vmem>>, vector<16xf32>,
        tpu.vector_store %arg11[%swap3A_291, %swap3A_292], %mul3A_289 {strides = array<i32>} : memref<128x129xf32, #tpu.memory_space<vmem>>, vector<16xf32>,
        %get3A_294 = arith.index_cast %add3A_272 : i32 to index
        %get3A_295 = arith.constant 16 : index
        %get3A_296 = tpu.vector_load %arg7[%get3A_294, %get3A_295] {strides = array<i32>} : memref<256x64xf32, #tpu.memory_space<vmem>>, vector<16xf32>,
        %mul3A_297 = arith.constant 64 : i32
        %mul3A_298 = arith.muli %shift_right_logical3A_274, %mul3A_297 : i32
        %add3A_299 = arith.constant 16 : i32
        %add3A_300 = arith.addi %mul3A_298, %add3A_299 : i32
        %add3A_301 = vector.broadcast %add3A_300 : i32 to vector<16xi32>
        %add3A_302 = arith.addi %add3A_301, %iota3A : vector<16xi32>
        %mul3A_303 = arith.constant 8.000000e+00 : f32
        %mul3A_304 = vector.broadcast %mul3A_303 : f32 to vector<16xf32>
        %mul3A_305 = arith.mulf %get3A_296, %mul3A_304 : vector<16xf32>
        %swap3A_306 = arith.constant 1 : i32
        %swap3A_307 = arith.index_cast %swap3A_306 : i32 to index
        %swap3A_308 = arith.constant 0 : index
        %swap3A_309 = tpu.vector_load %arg11[%swap3A_307, %swap3A_308] {strides = array<i32>} : memref<128x129xf32, #tpu.memory_space<vmem>>, vector<16xf32>,
        tpu.vector_store %arg11[%swap3A_307, %swap3A_308], %mul3A_305 {strides = array<i32>} : memref<128x129xf32, #tpu.memory_space<vmem>>, vector<16xf32>,
        %get3A_310 = arith.index_cast %add3A_272 : i32 to index
        %get3A_311 = arith.constant 32 : index
        %get3A_312 = tpu.vector_load %arg7[%get3A_310, %get3A_311] {strides = array<i32>} : memref<256x64xf32, #tpu.memory_space<vmem>>, vector<16xf32>,
        %mul3A_313 = arith.constant 64 : i32
        %mul3A_314 = arith.muli %shift_right_logical3A_274, %mul3A_313 : i32
        %add3A_315 = arith.constant 32 : i32
        %add3A_316 = arith.addi %mul3A_314, %add3A_315 : i32
        %add3A_317 = vector.broadcast %add3A_316 : i32 to vector<16xi32>
        %add3A_318 = arith.addi %add3A_317, %iota3A : vector<16xi32>
        %mul3A_319 = arith.constant 8.000000e+00 : f32
        %mul3A_320 = vector.broadcast %mul3A_319 : f32 to vector<16xf32>
        %mul3A_321 = arith.mulf %get3A_312, %mul3A_320 : vector<16xf32>
        %swap3A_322 = arith.constant 2 : i32
        %swap3A_323 = arith.index_cast %swap3A_322 : i32 to index
        %swap3A_324 = arith.constant 0 : index
        %swap3A_325 = tpu.vector_load %arg11[%swap3A_323, %swap3A_324] {strides = array<i32>} : memref<128x129xf32, #tpu.memory_space<vmem>>, vector<16xf32>,
        tpu.vector_store %arg11[%swap3A_323, %swap3A_324], %mul3A_321 {strides = array<i32>} : memref<128x129xf32, #tpu.memory_space<vmem>>, vector<16xf32>,
        %get3A_326 = arith.index_cast %add3A_272 : i32 to index
        %get3A_327 = arith.constant 48 : index
        %get3A_328 = tpu.vector_load %arg7[%get3A_326, %get3A_327] {strides = array<i32>} : memref<256x64xf32, #tpu.memory_space<vmem>>, vector<16xf32>,
        %mul3A_329 = arith.constant 64 : i32
        %mul3A_330 = arith.muli %shift_right_logical3A_274, %mul3A_329 : i32
        %add3A_331 = arith.constant 48 : i32
        %add3A_332 = arith.addi %mul3A_330, %add3A_331 : i32
        %add3A_333 = vector.broadcast %add3A_332 : i32 to vector<16xi32>
        %add3A_334 = arith.addi %add3A_333, %iota3A : vector<16xi32>
        %mul3A_335 = arith.constant 8.000000e+00 : f32
        %mul3A_336 = vector.broadcast %mul3A_335 : f32 to vector<16xf32>
        %mul3A_337 = arith.mulf %get3A_328, %mul3A_336 : vector<16xf32>
        %swap3A_338 = arith.constant 3 : i32
        %swap3A_339 = arith.index_cast %swap3A_338 : i32 to index
        %swap3A_340 = arith.constant 0 : index
        %swap3A_341 = tpu.vector_load %arg11[%swap3A_339, %swap3A_340] {strides = array<i32>} : memref<128x129xf32, #tpu.memory_space<vmem>>, vector<16xf32>,
        tpu.vector_store %arg11[%swap3A_339, %swap3A_340], %mul3A_337 {strides = array<i32>} : memref<128x129xf32, #tpu.memory_space<vmem>>, vector<16xf32>,
        %scan3A_342 = arith.constant 2 : i32
        %scan3A_343 = arith.addi %scan3A_198, %scan3A_342 : i32
        %mul3A_344 = arith.constant 1 : i32
        %mul3A_345 = arith.muli %scan3A_343, %mul3A_344 : i32
        %add3A_346 = arith.constant 0 : i32
        %add3A_347 = arith.addi %add3A_346, %mul3A_345 : i32
        %shift_right_logical3A_348 = arith.constant 7 : i32
        %shift_right_logical3A_349 = arith.shrui %add3A_347, %shift_right_logical3A_348 : i32
        %and3A_350 = arith.constant 127 : i32
        %and3A_351 = arith.andi %add3A_347, %and3A_350 : i32
        %broadcast_in_dim3A_352 = vector.broadcast %and3A_351 : i32 to vector<16xi32>
        %get3A_353 = arith.index_cast %add3A_347 : i32 to index
        %get3A_354 = arith.constant 0 : index
        %get3A_355 = tpu.vector_load %arg7[%get3A_353, %get3A_354] {strides = array<i32>} : memref<256x64xf32, #tpu.memory_space<vmem>>, vector<16xf32>,
        %mul3A_356 = arith.constant 64 : i32
        %mul3A_357 = arith.muli %shift_right_logical3A_349, %mul3A_356 : i32
        %add3A_358 = arith.constant 0 : i32
        %add3A_359 = arith.addi %mul3A_357, %add3A_358 : i32
        %add3A_360 = vector.broadcast %add3A_359 : i32 to vector<16xi32>
        %add3A_361 = arith.addi %add3A_360, %iota3A : vector<16xi32>
        %mul3A_362 = arith.constant 8.000000e+00 : f32
        %mul3A_363 = vector.broadcast %mul3A_362 : f32 to vector<16xf32>
        %mul3A_364 = arith.mulf %get3A_355, %mul3A_363 : vector<16xf32>
        %swap3A_365 = arith.constant 0 : i32
        %swap3A_366 = arith.index_cast %swap3A_365 : i32 to index
        %swap3A_367 = arith.constant 0 : index
        %swap3A_368 = tpu.vector_load %arg11[%swap3A_366, %swap3A_367] {strides = array<i32>} : memref<128x129xf32, #tpu.memory_space<vmem>>, vector<16xf32>,
        tpu.vector_store %arg11[%swap3A_366, %swap3A_367], %mul3A_364 {strides = array<i32>} : memref<128x129xf32, #tpu.memory_space<vmem>>, vector<16xf32>,
        %get3A_369 = arith.index_cast %add3A_347 : i32 to index
        %get3A_370 = arith.constant 16 : index
        %get3A_371 = tpu.vector_load %arg7[%get3A_369, %get3A_370] {strides = array<i32>} : memref<256x64xf32, #tpu.memory_space<vmem>>, vector<16xf32>,
        %mul3A_372 = arith.constant 64 : i32
        %mul3A_373 = arith.muli %shift_right_logical3A_349, %mul3A_372 : i32
        %add3A_374 = arith.constant 16 : i32
        %add3A_375 = arith.addi %mul3A_373, %add3A_374 : i32
        %add3A_376 = vector.broadcast %add3A_375 : i32 to vector<16xi32>
        %add3A_377 = arith.addi %add3A_376, %iota3A : vector<16xi32>
        %mul3A_378 = arith.constant 8.000000e+00 : f32
        %mul3A_379 = vector.broadcast %mul3A_378 : f32 to vector<16xf32>
        %mul3A_380 = arith.mulf %get3A_371, %mul3A_379 : vector<16xf32>
        %swap3A_381 = arith.constant 1 : i32
        %swap3A_382 = arith.index_cast %swap3A_381 : i32 to index
        %swap3A_383 = arith.constant 0 : index
        %swap3A_384 = tpu.vector_load %arg11[%swap3A_382, %swap3A_383] {strides = array<i32>} : memref<128x129xf32, #tpu.memory_space<vmem>>, vector<16xf32>,
        tpu.vector_store %arg11[%swap3A_382, %swap3A_383], %mul3A_380 {strides = array<i32>} : memref<128x129xf32, #tpu.memory_space<vmem>>, vector<16xf32>,
        %get3A_385 = arith.index_cast %add3A_347 : i32 to index
        %get3A_386 = arith.constant 32 : index
        %get3A_387 = tpu.vector_load %arg7[%get3A_385, %get3A_386] {strides = array<i32>} : memref<256x64xf32, #tpu.memory_space<vmem>>, vector<16xf32>,
        %mul3A_388 = arith.constant 64 : i32
        %mul3A_389 = arith.muli %shift_right_logical3A_349, %mul3A_388 : i32
        %add3A_390 = arith.constant 32 : i32
        %add3A_391 = arith.addi %mul3A_389, %add3A_390 : i32
        %add3A_392 = vector.broadcast %add3A_391 : i32 to vector<16xi32>
        %add3A_393 = arith.addi %add3A_392, %iota3A : vector<16xi32>
        %mul3A_394 = arith.constant 8.000000e+00 : f32
        %mul3A_395 = vector.broadcast %mul3A_394 : f32 to vector<16xf32>
        %mul3A_396 = arith.mulf %get3A_387, %mul3A_395 : vector<16xf32>
        %swap3A_397 = arith.constant 2 : i32
        %swap3A_398 = arith.index_cast %swap3A_397 : i32 to index
        %swap3A_399 = arith.constant 0 : index
        %swap3A_400 = tpu.vector_load %arg11[%swap3A_398, %swap3A_399] {strides = array<i32>} : memref<128x129xf32, #tpu.memory_space<vmem>>, vector<16xf32>,
        tpu.vector_store %arg11[%swap3A_398, %swap3A_399], %mul3A_396 {strides = array<i32>} : memref<128x129xf32, #tpu.memory_space<vmem>>, vector<16xf32>,
        %get3A_401 = arith.index_cast %add3A_347 : i32 to index
        %get3A_402 = arith.constant 48 : index
        %get3A_403 = tpu.vector_load %arg7[%get3A_401, %get3A_402] {strides = array<i32>} : memref<256x64xf32, #tpu.memory_space<vmem>>, vector<16xf32>,
        %mul3A_404 = arith.constant 64 : i32
        %mul3A_405 = arith.muli %shift_right_logical3A_349, %mul3A_404 : i32
        %add3A_406 = arith.constant 48 : i32
        %add3A_407 = arith.addi %mul3A_405, %add3A_406 : i32
        %add3A_408 = vector.broadcast %add3A_407 : i32 to vector<16xi32>
        %add3A_409 = arith.addi %add3A_408, %iota3A : vector<16xi32>
        %mul3A_410 = arith.constant 8.000000e+00 : f32
        %mul3A_411 = vector.broadcast %mul3A_410 : f32 to vector<16xf32>
        %mul3A_412 = arith.mulf %get3A_403, %mul3A_411 : vector<16xf32>
        %swap3A_413 = arith.constant 3 : i32
        %swap3A_414 = arith.index_cast %swap3A_413 : i32 to index
        %swap3A_415 = arith.constant 0 : index
        %swap3A_416 = tpu.vector_load %arg11[%swap3A_414, %swap3A_415] {strides = array<i32>} : memref<128x129xf32, #tpu.memory_space<vmem>>, vector<16xf32>,
        tpu.vector_store %arg11[%swap3A_414, %swap3A_415], %mul3A_412 {strides = array<i32>} : memref<128x129xf32, #tpu.memory_space<vmem>>, vector<16xf32>,
        %scan3A_417 = arith.constant 3 : i32
        %scan3A_418 = arith.addi %scan3A_198, %scan3A_417 : i32
        %mul3A_419 = arith.constant 1 : i32
        %mul3A_420 = arith.muli %scan3A_418, %mul3A_419 : i32
        %add3A_421 = arith.constant 0 : i32
        %add3A_422 = arith.addi %add3A_421, %mul3A_420 : i32
        %shift_right_logical3A_423 = arith.constant 7 : i32
        %shift_right_logical3A_424 = arith.shrui %add3A_422, %shift_right_logical3A_423 : i32
        %and3A_425 = arith.constant 127 : i32
        %and3A_426 = arith.andi %add3A_422, %and3A_425 : i32
        %broadcast_in_dim3A_427 = vector.broadcast %and3A_426 : i32 to vector<16xi32>
        %get3A_428 = arith.index_cast %add3A_422 : i32 to index
        %get3A_429 = arith.constant 0 : index
        %get3A_430 = tpu.vector_load %arg7[%get3A_428, %get3A_429] {strides = array<i32>} : memref<256x64xf32, #tpu.memory_space<vmem>>, vector<16xf32>,
        %mul3A_431 = arith.constant 64 : i32
        %mul3A_432 = arith.muli %shift_right_logical3A_424, %mul3A_431 : i32
        %add3A_433 = arith.constant 0 : i32
        %add3A_434 = arith.addi %mul3A_432, %add3A_433 : i32
        %add3A_435 = vector.broadcast %add3A_434 : i32 to vector<16xi32>
        %add3A_436 = arith.addi %add3A_435, %iota3A : vector<16xi32>
        %mul3A_437 = arith.constant 8.000000e+00 : f32
        %mul3A_438 = vector.broadcast %mul3A_437 : f32 to vector<16xf32>
        %mul3A_439 = arith.mulf %get3A_430, %mul3A_438 : vector<16xf32>
        %swap3A_440 = arith.constant 0 : i32
        %swap3A_441 = arith.index_cast %swap3A_440 : i32 to index
        %swap3A_442 = arith.constant 0 : index
        %swap3A_443 = tpu.vector_load %arg11[%swap3A_441, %swap3A_442] {strides = array<i32>} : memref<128x129xf32, #tpu.memory_space<vmem>>, vector<16xf32>,
        tpu.vector_store %arg11[%swap3A_441, %swap3A_442], %mul3A_439 {strides = array<i32>} : memref<128x129xf32, #tpu.memory_space<vmem>>, vector<16xf32>,
        %get3A_444 = arith.index_cast %add3A_422 : i32 to index
        %get3A_445 = arith.constant 16 : index
        %get3A_446 = tpu.vector_load %arg7[%get3A_444, %get3A_445] {strides = array<i32>} : memref<256x64xf32, #tpu.memory_space<vmem>>, vector<16xf32>,
        %mul3A_447 = arith.constant 64 : i32
        %mul3A_448 = arith.muli %shift_right_logical3A_424, %mul3A_447 : i32
        %add3A_449 = arith.constant 16 : i32
        %add3A_450 = arith.addi %mul3A_448, %add3A_449 : i32
        %add3A_451 = vector.broadcast %add3A_450 : i32 to vector<16xi32>
        %add3A_452 = arith.addi %add3A_451, %iota3A : vector<16xi32>
        %mul3A_453 = arith.constant 8.000000e+00 : f32
        %mul3A_454 = vector.broadcast %mul3A_453 : f32 to vector<16xf32>
        %mul3A_455 = arith.mulf %get3A_446, %mul3A_454 : vector<16xf32>
        %swap3A_456 = arith.constant 1 : i32
        %swap3A_457 = arith.index_cast %swap3A_456 : i32 to index
        %swap3A_458 = arith.constant 0 : index
        %swap3A_459 = tpu.vector_load %arg11[%swap3A_457, %swap3A_458] {strides = array<i32>} : memref<128x129xf32, #tpu.memory_space<vmem>>, vector<16xf32>,
        tpu.vector_store %arg11[%swap3A_457, %swap3A_458], %mul3A_455 {strides = array<i32>} : memref<128x129xf32, #tpu.memory_space<vmem>>, vector<16xf32>,
        %get3A_460 = arith.index_cast %add3A_422 : i32 to index
        %get3A_461 = arith.constant 32 : index
        %get3A_462 = tpu.vector_load %arg7[%get3A_460, %get3A_461] {strides = array<i32>} : memref<256x64xf32, #tpu.memory_space<vmem>>, vector<16xf32>,
        %mul3A_463 = arith.constant 64 : i32
        %mul3A_464 = arith.muli %shift_right_logical3A_424, %mul3A_463 : i32
        %add3A_465 = arith.constant 32 : i32
        %add3A_466 = arith.addi %mul3A_464, %add3A_465 : i32
        %add3A_467 = vector.broadcast %add3A_466 : i32 to vector<16xi32>
        %add3A_468 = arith.addi %add3A_467, %iota3A : vector<16xi32>
        %mul3A_469 = arith.constant 8.000000e+00 : f32
        %mul3A_470 = vector.broadcast %mul3A_469 : f32 to vector<16xf32>
        %mul3A_471 = arith.mulf %get3A_462, %mul3A_470 : vector<16xf32>
        %swap3A_472 = arith.constant 2 : i32
        %swap3A_473 = arith.index_cast %swap3A_472 : i32 to index
        %swap3A_474 = arith.constant 0 : index
        %swap3A_475 = tpu.vector_load %arg11[%swap3A_473, %swap3A_474] {strides = array<i32>} : memref<128x129xf32, #tpu.memory_space<vmem>>, vector<16xf32>,
        tpu.vector_store %arg11[%swap3A_473, %swap3A_474], %mul3A_471 {strides = array<i32>} : memref<128x129xf32, #tpu.memory_space<vmem>>, vector<16xf32>,
        %get3A_476 = arith.index_cast %add3A_422 : i32 to index
        %get3A_477 = arith.constant 48 : index
        %get3A_478 = tpu.vector_load %arg7[%get3A_476, %get3A_477] {strides = array<i32>} : memref<256x64xf32, #tpu.memory_space<vmem>>, vector<16xf32>,
        %mul3A_479 = arith.constant 64 : i32
        %mul3A_480 = arith.muli %shift_right_logical3A_424, %mul3A_479 : i32
        %add3A_481 = arith.constant 48 : i32
        %add3A_482 = arith.addi %mul3A_480, %add3A_481 : i32
        %add3A_483 = vector.broadcast %add3A_482 : i32 to vector<16xi32>
        %add3A_484 = arith.addi %add3A_483, %iota3A : vector<16xi32>
        %mul3A_485 = arith.constant 8.000000e+00 : f32
        %mul3A_486 = vector.broadcast %mul3A_485 : f32 to vector<16xf32>
        %mul3A_487 = arith.mulf %get3A_478, %mul3A_486 : vector<16xf32>
        %swap3A_488 = arith.constant 3 : i32
        %swap3A_489 = arith.index_cast %swap3A_488 : i32 to index
        %swap3A_490 = arith.constant 0 : index
        %swap3A_491 = tpu.vector_load %arg11[%swap3A_489, %swap3A_490] {strides = array<i32>} : memref<128x129xf32, #tpu.memory_space<vmem>>, vector<16xf32>,
        tpu.vector_store %arg11[%swap3A_489, %swap3A_490], %mul3A_487 {strides = array<i32>} : memref<128x129xf32, #tpu.memory_space<vmem>>, vector<16xf32>,
        %scan3A_492 = arith.constant 4 : i32
        %scan3A_493 = arith.addi %scan3A_198, %scan3A_492 : i32
        %mul3A_494 = arith.constant 1 : i32
        %mul3A_495 = arith.muli %scan3A_493, %mul3A_494 : i32
        %add3A_496 = arith.constant 0 : i32
        %add3A_497 = arith.addi %add3A_496, %mul3A_495 : i32
        %shift_right_logical3A_498 = arith.constant 7 : i32
        %shift_right_logical3A_499 = arith.shrui %add3A_497, %shift_right_logical3A_498 : i32
        %and3A_500 = arith.constant 127 : i32
        %and3A_501 = arith.andi %add3A_497, %and3A_500 : i32
        %broadcast_in_dim3A_502 = vector.broadcast %and3A_501 : i32 to vector<16xi32>
        %get3A_503 = arith.index_cast %add3A_497 : i32 to index
        %get3A_504 = arith.constant 0 : index
        %get3A_505 = tpu.vector_load %arg7[%get3A_503, %get3A_504] {strides = array<i32>} : memref<256x64xf32, #tpu.memory_space<vmem>>, vector<16xf32>,
        %mul3A_506 = arith.constant 64 : i32
        %mul3A_507 = arith.muli %shift_right_logical3A_499, %mul3A_506 : i32
        %add3A_508 = arith.constant 0 : i32
        %add3A_509 = arith.addi %mul3A_507, %add3A_508 : i32
        %add3A_510 = vector.broadcast %add3A_509 : i32 to vector<16xi32>
        %add3A_511 = arith.addi %add3A_510, %iota3A : vector<16xi32>
        %mul3A_512 = arith.constant 8.000000e+00 : f32
        %mul3A_513 = vector.broadcast %mul3A_512 : f32 to vector<16xf32>
        %mul3A_514 = arith.mulf %get3A_505, %mul3A_513 : vector<16xf32>
        %swap3A_515 = arith.constant 0 : i32
        %swap3A_516 = arith.index_cast %swap3A_515 : i32 to index
        %swap3A_517 = arith.constant 0 : index
        %swap3A_518 = tpu.vector_load %arg11[%swap3A_516, %swap3A_517] {strides = array<i32>} : memref<128x129xf32, #tpu.memory_space<vmem>>, vector<16xf32>,
        tpu.vector_store %arg11[%swap3A_516, %swap3A_517], %mul3A_514 {strides = array<i32>} : memref<128x129xf32, #tpu.memory_space<vmem>>, vector<16xf32>,
        %get3A_519 = arith.index_cast %add3A_497 : i32 to index
        %get3A_520 = arith.constant 16 : index
        %get3A_521 = tpu.vector_load %arg7[%get3A_519, %get3A_520] {strides = array<i32>} : memref<256x64xf32, #tpu.memory_space<vmem>>, vector<16xf32>,
        %mul3A_522 = arith.constant 64 : i32
        %mul3A_523 = arith.muli %shift_right_logical3A_499, %mul3A_522 : i32
        %add3A_524 = arith.constant 16 : i32
        %add3A_525 = arith.addi %mul3A_523, %add3A_524 : i32
        %add3A_526 = vector.broadcast %add3A_525 : i32 to vector<16xi32>
        %add3A_527 = arith.addi %add3A_526, %iota3A : vector<16xi32>
        %mul3A_528 = arith.constant 8.000000e+00 : f32
        %mul3A_529 = vector.broadcast %mul3A_528 : f32 to vector<16xf32>
        %mul3A_530 = arith.mulf %get3A_521, %mul3A_529 : vector<16xf32>
        %swap3A_531 = arith.constant 1 : i32
        %swap3A_532 = arith.index_cast %swap3A_531 : i32 to index
        %swap3A_533 = arith.constant 0 : index
        %swap3A_534 = tpu.vector_load %arg11[%swap3A_532, %swap3A_533] {strides = array<i32>} : memref<128x129xf32, #tpu.memory_space<vmem>>, vector<16xf32>,
        tpu.vector_store %arg11[%swap3A_532, %swap3A_533], %mul3A_530 {strides = array<i32>} : memref<128x129xf32, #tpu.memory_space<vmem>>, vector<16xf32>,
        %get3A_535 = arith.index_cast %add3A_497 : i32 to index
        %get3A_536 = arith.constant 32 : index
        %get3A_537 = tpu.vector_load %arg7[%get3A_535, %get3A_536] {strides = array<i32>} : memref<256x64xf32, #tpu.memory_space<vmem>>, vector<16xf32>,
        %mul3A_538 = arith.constant 64 : i32
        %mul3A_539 = arith.muli %shift_right_logical3A_499, %mul3A_538 : i32
        %add3A_540 = arith.constant 32 : i32
        %add3A_541 = arith.addi %mul3A_539, %add3A_540 : i32
        %add3A_542 = vector.broadcast %add3A_541 : i32 to vector<16xi32>
        %add3A_543 = arith.addi %add3A_542, %iota3A : vector<16xi32>
        %mul3A_544 = arith.constant 8.000000e+00 : f32
        %mul3A_545 = vector.broadcast %mul3A_544 : f32 to vector<16xf32>
        %mul3A_546 = arith.mulf %get3A_537, %mul3A_545 : vector<16xf32>
        %swap3A_547 = arith.constant 2 : i32
        %swap3A_548 = arith.index_cast %swap3A_547 : i32 to index
        %swap3A_549 = arith.constant 0 : index
        %swap3A_550 = tpu.vector_load %arg11[%swap3A_548, %swap3A_549] {strides = array<i32>} : memref<128x129xf32, #tpu.memory_space<vmem>>, vector<16xf32>,
        tpu.vector_store %arg11[%swap3A_548, %swap3A_549], %mul3A_546 {strides = array<i32>} : memref<128x129xf32, #tpu.memory_space<vmem>>, vector<16xf32>,
        %get3A_551 = arith.index_cast %add3A_497 : i32 to index
        %get3A_552 = arith.constant 48 : index
        %get3A_553 = tpu.vector_load %arg7[%get3A_551, %get3A_552] {strides = array<i32>} : memref<256x64xf32, #tpu.memory_space<vmem>>, vector<16xf32>,
        %mul3A_554 = arith.constant 64 : i32
        %mul3A_555 = arith.muli %shift_right_logical3A_499, %mul3A_554 : i32
        %add3A_556 = arith.constant 48 : i32
        %add3A_557 = arith.addi %mul3A_555, %add3A_556 : i32
        %add3A_558 = vector.broadcast %add3A_557 : i32 to vector<16xi32>
        %add3A_559 = arith.addi %add3A_558, %iota3A : vector<16xi32>
        %mul3A_560 = arith.constant 8.000000e+00 : f32
        %mul3A_561 = vector.broadcast %mul3A_560 : f32 to vector<16xf32>
        %mul3A_562 = arith.mulf %get3A_553, %mul3A_561 : vector<16xf32>
        %swap3A_563 = arith.constant 3 : i32
        %swap3A_564 = arith.index_cast %swap3A_563 : i32 to index
        %swap3A_565 = arith.constant 0 : index
        %swap3A_566 = tpu.vector_load %arg11[%swap3A_564, %swap3A_565] {strides = array<i32>} : memref<128x129xf32, #tpu.memory_space<vmem>>, vector<16xf32>,
        tpu.vector_store %arg11[%swap3A_564, %swap3A_565], %mul3A_562 {strides = array<i32>} : memref<128x129xf32, #tpu.memory_space<vmem>>, vector<16xf32>,
        %scan3A_567 = arith.constant 5 : i32
        %scan3A_568 = arith.addi %scan3A_198, %scan3A_567 : i32
        %mul3A_569 = arith.constant 1 : i32
        %mul3A_570 = arith.muli %scan3A_568, %mul3A_569 : i32
        %add3A_571 = arith.constant 0 : i32
        %add3A_572 = arith.addi %add3A_571, %mul3A_570 : i32
        %shift_right_logical3A_573 = arith.constant 7 : i32
        %shift_right_logical3A_574 = arith.shrui %add3A_572, %shift_right_logical3A_573 : i32
        %and3A_575 = arith.constant 127 : i32
        %and3A_576 = arith.andi %add3A_572, %and3A_575 : i32
        %broadcast_in_dim3A_577 = vector.broadcast %and3A_576 : i32 to vector<16xi32>
        %get3A_578 = arith.index_cast %add3A_572 : i32 to index
        %get3A_579 = arith.constant 0 : index
        %get3A_580 = tpu.vector_load %arg7[%get3A_578, %get3A_579] {strides = array<i32>} : memref<256x64xf32, #tpu.memory_space<vmem>>, vector<16xf32>,
        %mul3A_581 = arith.constant 64 : i32
        %mul3A_582 = arith.muli %shift_right_logical3A_574, %mul3A_581 : i32
        %add3A_583 = arith.constant 0 : i32
        %add3A_584 = arith.addi %mul3A_582, %add3A_583 : i32
        %add3A_585 = vector.broadcast %add3A_584 : i32 to vector<16xi32>
        %add3A_586 = arith.addi %add3A_585, %iota3A : vector<16xi32>
        %mul3A_587 = arith.constant 8.000000e+00 : f32
        %mul3A_588 = vector.broadcast %mul3A_587 : f32 to vector<16xf32>
        %mul3A_589 = arith.mulf %get3A_580, %mul3A_588 : vector<16xf32>
        %swap3A_590 = arith.constant 0 : i32
        %swap3A_591 = arith.index_cast %swap3A_590 : i32 to index
        %swap3A_592 = arith.constant 0 : index
        %swap3A_593 = tpu.vector_load %arg11[%swap3A_591, %swap3A_592] {strides = array<i32>} : memref<128x129xf32, #tpu.memory_space<vmem>>, vector<16xf32>,
        tpu.vector_store %arg11[%swap3A_591, %swap3A_592], %mul3A_589 {strides = array<i32>} : memref<128x129xf32, #tpu.memory_space<vmem>>, vector<16xf32>,
        %get3A_594 = arith.index_cast %add3A_572 : i32 to index
        %get3A_595 = arith.constant 16 : index
        %get3A_596 = tpu.vector_load %arg7[%get3A_594, %get3A_595] {strides = array<i32>} : memref<256x64xf32, #tpu.memory_space<vmem>>, vector<16xf32>,
        %mul3A_597 = arith.constant 64 : i32
        %mul3A_598 = arith.muli %shift_right_logical3A_574, %mul3A_597 : i32
        %add3A_599 = arith.constant 16 : i32
        %add3A_600 = arith.addi %mul3A_598, %add3A_599 : i32
        %add3A_601 = vector.broadcast %add3A_600 : i32 to vector<16xi32>
        %add3A_602 = arith.addi %add3A_601, %iota3A : vector<16xi32>
        %mul3A_603 = arith.constant 8.000000e+00 : f32
        %mul3A_604 = vector.broadcast %mul3A_603 : f32 to vector<16xf32>
        %mul3A_605 = arith.mulf %get3A_596, %mul3A_604 : vector<16xf32>
        %swap3A_606 = arith.constant 1 : i32
        %swap3A_607 = arith.index_cast %swap3A_606 : i32 to index
        %swap3A_608 = arith.constant 0 : index
        %swap3A_609 = tpu.vector_load %arg11[%swap3A_607, %swap3A_608] {strides = array<i32>} : memref<128x129xf32, #tpu.memory_space<vmem>>, vector<16xf32>,
        tpu.vector_store %arg11[%swap3A_607, %swap3A_608], %mul3A_605 {strides = array<i32>} : memref<128x129xf32, #tpu.memory_space<vmem>>, vector<16xf32>,
        %get3A_610 = arith.index_cast %add3A_572 : i32 to index
        %get3A_611 = arith.constant 32 : index
        %get3A_612 = tpu.vector_load %arg7[%get3A_610, %get3A_611] {strides = array<i32>} : memref<256x64xf32, #tpu.memory_space<vmem>>, vector<16xf32>,
        %mul3A_613 = arith.constant 64 : i32
        %mul3A_614 = arith.muli %shift_right_logical3A_574, %mul3A_613 : i32
        %add3A_615 = arith.constant 32 : i32
        %add3A_616 = arith.addi %mul3A_614, %add3A_615 : i32
        %add3A_617 = vector.broadcast %add3A_616 : i32 to vector<16xi32>
        %add3A_618 = arith.addi %add3A_617, %iota3A : vector<16xi32>
        %mul3A_619 = arith.constant 8.000000e+00 : f32
        %mul3A_620 = vector.broadcast %mul3A_619 : f32 to vector<16xf32>
        %mul3A_621 = arith.mulf %get3A_612, %mul3A_620 : vector<16xf32>
        %swap3A_622 = arith.constant 2 : i32
        %swap3A_623 = arith.index_cast %swap3A_622 : i32 to index
        %swap3A_624 = arith.constant 0 : index
        %swap3A_625 = tpu.vector_load %arg11[%swap3A_623, %swap3A_624] {strides = array<i32>} : memref<128x129xf32, #tpu.memory_space<vmem>>, vector<16xf32>,
        tpu.vector_store %arg11[%swap3A_623, %swap3A_624], %mul3A_621 {strides = array<i32>} : memref<128x129xf32, #tpu.memory_space<vmem>>, vector<16xf32>,
        %get3A_626 = arith.index_cast %add3A_572 : i32 to index
        %get3A_627 = arith.constant 48 : index
        %get3A_628 = tpu.vector_load %arg7[%get3A_626, %get3A_627] {strides = array<i32>} : memref<256x64xf32, #tpu.memory_space<vmem>>, vector<16xf32>,
        %mul3A_629 = arith.constant 64 : i32
        %mul3A_630 = arith.muli %shift_right_logical3A_574, %mul3A_629 : i32
        %add3A_631 = arith.constant 48 : i32
        %add3A_632 = arith.addi %mul3A_630, %add3A_631 : i32
        %add3A_633 = vector.broadcast %add3A_632 : i32 to vector<16xi32>
        %add3A_634 = arith.addi %add3A_633, %iota3A : vector<16xi32>
        %mul3A_635 = arith.constant 8.000000e+00 : f32
        %mul3A_636 = vector.broadcast %mul3A_635 : f32 to vector<16xf32>
        %mul3A_637 = arith.mulf %get3A_628, %mul3A_636 : vector<16xf32>
        %swap3A_638 = arith.constant 3 : i32
        %swap3A_639 = arith.index_cast %swap3A_638 : i32 to index
        %swap3A_640 = arith.constant 0 : index
        %swap3A_641 = tpu.vector_load %arg11[%swap3A_639, %swap3A_640] {strides = array<i32>} : memref<128x129xf32, #tpu.memory_space<vmem>>, vector<16xf32>,
        tpu.vector_store %arg11[%swap3A_639, %swap3A_640], %mul3A_637 {strides = array<i32>} : memref<128x129xf32, #tpu.memory_space<vmem>>, vector<16xf32>,
        %scan3A_642 = arith.constant 6 : i32
        %scan3A_643 = arith.addi %scan3A_198, %scan3A_642 : i32
        %mul3A_644 = arith.constant 1 : i32
        %mul3A_645 = arith.muli %scan3A_643, %mul3A_644 : i32
        %add3A_646 = arith.constant 0 : i32
        %add3A_647 = arith.addi %add3A_646, %mul3A_645 : i32
        %shift_right_logical3A_648 = arith.constant 7 : i32
        %shift_right_logical3A_649 = arith.shrui %add3A_647, %shift_right_logical3A_648 : i32
        %and3A_650 = arith.constant 127 : i32
        %and3A_651 = arith.andi %add3A_647, %and3A_650 : i32
        %broadcast_in_dim3A_652 = vector.broadcast %and3A_651 : i32 to vector<16xi32>
        %get3A_653 = arith.index_cast %add3A_647 : i32 to index
        %get3A_654 = arith.constant 0 : index
        %get3A_655 = tpu.vector_load %arg7[%get3A_653, %get3A_654] {strides = array<i32>} : memref<256x64xf32, #tpu.memory_space<vmem>>, vector<16xf32>,
        %mul3A_656 = arith.constant 64 : i32
        %mul3A_657 = arith.muli %shift_right_logical3A_649, %mul3A_656 : i32
        %add3A_658 = arith.constant 0 : i32
        %add3A_659 = arith.addi %mul3A_657, %add3A_658 : i32
        %add3A_660 = vector.broadcast %add3A_659 : i32 to vector<16xi32>
        %add3A_661 = arith.addi %add3A_660, %iota3A : vector<16xi32>
        %mul3A_662 = arith.constant 8.000000e+00 : f32
        %mul3A_663 = vector.broadcast %mul3A_662 : f32 to vector<16xf32>
        %mul3A_664 = arith.mulf %get3A_655, %mul3A_663 : vector<16xf32>
        %swap3A_665 = arith.constant 0 : i32
        %swap3A_666 = arith.index_cast %swap3A_665 : i32 to index
        %swap3A_667 = arith.constant 0 : index
        %swap3A_668 = tpu.vector_load %arg11[%swap3A_666, %swap3A_667] {strides = array<i32>} : memref<128x129xf32, #tpu.memory_space<vmem>>, vector<16xf32>,
        tpu.vector_store %arg11[%swap3A_666, %swap3A_667], %mul3A_664 {strides = array<i32>} : memref<128x129xf32, #tpu.memory_space<vmem>>, vector<16xf32>,
        %get3A_669 = arith.index_cast %add3A_647 : i32 to index
        %get3A_670 = arith.constant 16 : index
        %get3A_671 = tpu.vector_load %arg7[%get3A_669, %get3A_670] {strides = array<i32>} : memref<256x64xf32, #tpu.memory_space<vmem>>, vector<16xf32>,
        %mul3A_672 = arith.constant 64 : i32
        %mul3A_673 = arith.muli %shift_right_logical3A_649, %mul3A_672 : i32
        %add3A_674 = arith.constant 16 : i32
        %add3A_675 = arith.addi %mul3A_673, %add3A_674 : i32
        %add3A_676 = vector.broadcast %add3A_675 : i32 to vector<16xi32>
        %add3A_677 = arith.addi %add3A_676, %iota3A : vector<16xi32>
        %mul3A_678 = arith.constant 8.000000e+00 : f32
        %mul3A_679 = vector.broadcast %mul3A_678 : f32 to vector<16xf32>
        %mul3A_680 = arith.mulf %get3A_671, %mul3A_679 : vector<16xf32>
        %swap3A_681 = arith.constant 1 : i32
        %swap3A_682 = arith.index_cast %swap3A_681 : i32 to index
        %swap3A_683 = arith.constant 0 : index
        %swap3A_684 = tpu.vector_load %arg11[%swap3A_682, %swap3A_683] {strides = array<i32>} : memref<128x129xf32, #tpu.memory_space<vmem>>, vector<16xf32>,
        tpu.vector_store %arg11[%swap3A_682, %swap3A_683], %mul3A_680 {strides = array<i32>} : memref<128x129xf32, #tpu.memory_space<vmem>>, vector<16xf32>,
        %get3A_685 = arith.index_cast %add3A_647 : i32 to index
        %get3A_686 = arith.constant 32 : index
        %get3A_687 = tpu.vector_load %arg7[%get3A_685, %get3A_686] {strides = array<i32>} : memref<256x64xf32, #tpu.memory_space<vmem>>, vector<16xf32>,
        %mul3A_688 = arith.constant 64 : i32
        %mul3A_689 = arith.muli %shift_right_logical3A_649, %mul3A_688 : i32
        %add3A_690 = arith.constant 32 : i32
        %add3A_691 = arith.addi %mul3A_689, %add3A_690 : i32
        %add3A_692 = vector.broadcast %add3A_691 : i32 to vector<16xi32>
        %add3A_693 = arith.addi %add3A_692, %iota3A : vector<16xi32>
        %mul3A_694 = arith.constant 8.000000e+00 : f32
        %mul3A_695 = vector.broadcast %mul3A_694 : f32 to vector<16xf32>
        %mul3A_696 = arith.mulf %get3A_687, %mul3A_695 : vector<16xf32>
        %swap3A_697 = arith.constant 2 : i32
        %swap3A_698 = arith.index_cast %swap3A_697 : i32 to index
        %swap3A_699 = arith.constant 0 : index
        %swap3A_700 = tpu.vector_load %arg11[%swap3A_698, %swap3A_699] {strides = array<i32>} : memref<128x129xf32, #tpu.memory_space<vmem>>, vector<16xf32>,
        tpu.vector_store %arg11[%swap3A_698, %swap3A_699], %mul3A_696 {strides = array<i32>} : memref<128x129xf32, #tpu.memory_space<vmem>>, vector<16xf32>,
        %get3A_701 = arith.index_cast %add3A_647 : i32 to index
        %get3A_702 = arith.constant 48 : index
        %get3A_703 = tpu.vector_load %arg7[%get3A_701, %get3A_702] {strides = array<i32>} : memref<256x64xf32, #tpu.memory_space<vmem>>, vector<16xf32>,
        %mul3A_704 = arith.constant 64 : i32
        %mul3A_705 = arith.muli %shift_right_logical3A_649, %mul3A_704 : i32
        %add3A_706 = arith.constant 48 : i32
        %add3A_707 = arith.addi %mul3A_705, %add3A_706 : i32
        %add3A_708 = vector.broadcast %add3A_707 : i32 to vector<16xi32>
        %add3A_709 = arith.addi %add3A_708, %iota3A : vector<16xi32>
        %mul3A_710 = arith.constant 8.000000e+00 : f32
        %mul3A_711 = vector.broadcast %mul3A_710 : f32 to vector<16xf32>
        %mul3A_712 = arith.mulf %get3A_703, %mul3A_711 : vector<16xf32>
        %swap3A_713 = arith.constant 3 : i32
        %swap3A_714 = arith.index_cast %swap3A_713 : i32 to index
        %swap3A_715 = arith.constant 0 : index
        %swap3A_716 = tpu.vector_load %arg11[%swap3A_714, %swap3A_715] {strides = array<i32>} : memref<128x129xf32, #tpu.memory_space<vmem>>, vector<16xf32>,
        tpu.vector_store %arg11[%swap3A_714, %swap3A_715], %mul3A_712 {strides = array<i32>} : memref<128x129xf32, #tpu.memory_space<vmem>>, vector<16xf32>,
        %scan3A_717 = arith.constant 7 : i32
        %scan3A_718 = arith.addi %scan3A_198, %scan3A_717 : i32
        %mul3A_719 = arith.constant 1 : i32
        %mul3A_720 = arith.muli %scan3A_718, %mul3A_719 : i32
        %add3A_721 = arith.constant 0 : i32
        %add3A_722 = arith.addi %add3A_721, %mul3A_720 : i32
        %shift_right_logical3A_723 = arith.constant 7 : i32
        %shift_right_logical3A_724 = arith.shrui %add3A_722, %shift_right_logical3A_723 : i32
        %and3A_725 = arith.constant 127 : i32
        %and3A_726 = arith.andi %add3A_722, %and3A_725 : i32
        %broadcast_in_dim3A_727 = vector.broadcast %and3A_726 : i32 to vector<16xi32>
        %get3A_728 = arith.index_cast %add3A_722 : i32 to index
        %get3A_729 = arith.constant 0 : index
        %get3A_730 = tpu.vector_load %arg7[%get3A_728, %get3A_729] {strides = array<i32>} : memref<256x64xf32, #tpu.memory_space<vmem>>, vector<16xf32>,
        %mul3A_731 = arith.constant 64 : i32
        %mul3A_732 = arith.muli %shift_right_logical3A_724, %mul3A_731 : i32
        %add3A_733 = arith.constant 0 : i32
        %add3A_734 = arith.addi %mul3A_732, %add3A_733 : i32
        %add3A_735 = vector.broadcast %add3A_734 : i32 to vector<16xi32>
        %add3A_736 = arith.addi %add3A_735, %iota3A : vector<16xi32>
        %mul3A_737 = arith.constant 8.000000e+00 : f32
        %mul3A_738 = vector.broadcast %mul3A_737 : f32 to vector<16xf32>
        %mul3A_739 = arith.mulf %get3A_730, %mul3A_738 : vector<16xf32>
        %swap3A_740 = arith.constant 0 : i32
        %swap3A_741 = arith.index_cast %swap3A_740 : i32 to index
        %swap3A_742 = arith.constant 0 : index
        %swap3A_743 = tpu.vector_load %arg11[%swap3A_741, %swap3A_742] {strides = array<i32>} : memref<128x129xf32, #tpu.memory_space<vmem>>, vector<16xf32>,
        tpu.vector_store %arg11[%swap3A_741, %swap3A_742], %mul3A_739 {strides = array<i32>} : memref<128x129xf32, #tpu.memory_space<vmem>>, vector<16xf32>,
        %get3A_744 = arith.index_cast %add3A_722 : i32 to index
        %get3A_745 = arith.constant 16 : index
        %get3A_746 = tpu.vector_load %arg7[%get3A_744, %get3A_745] {strides = array<i32>} : memref<256x64xf32, #tpu.memory_space<vmem>>, vector<16xf32>,
        %mul3A_747 = arith.constant 64 : i32
        %mul3A_748 = arith.muli %shift_right_logical3A_724, %mul3A_747 : i32
        %add3A_749 = arith.constant 16 : i32
        %add3A_750 = arith.addi %mul3A_748, %add3A_749 : i32
        %add3A_751 = vector.broadcast %add3A_750 : i32 to vector<16xi32>
        %add3A_752 = arith.addi %add3A_751, %iota3A : vector<16xi32>
        %mul3A_753 = arith.constant 8.000000e+00 : f32
        %mul3A_754 = vector.broadcast %mul3A_753 : f32 to vector<16xf32>
        %mul3A_755 = arith.mulf %get3A_746, %mul3A_754 : vector<16xf32>
        %swap3A_756 = arith.constant 1 : i32
        %swap3A_757 = arith.index_cast %swap3A_756 : i32 to index
        %swap3A_758 = arith.constant 0 : index
        %swap3A_759 = tpu.vector_load %arg11[%swap3A_757, %swap3A_758] {strides = array<i32>} : memref<128x129xf32, #tpu.memory_space<vmem>>, vector<16xf32>,
        tpu.vector_store %arg11[%swap3A_757, %swap3A_758], %mul3A_755 {strides = array<i32>} : memref<128x129xf32, #tpu.memory_space<vmem>>, vector<16xf32>,
        %get3A_760 = arith.index_cast %add3A_722 : i32 to index
        %get3A_761 = arith.constant 32 : index
        %get3A_762 = tpu.vector_load %arg7[%get3A_760, %get3A_761] {strides = array<i32>} : memref<256x64xf32, #tpu.memory_space<vmem>>, vector<16xf32>,
        %mul3A_763 = arith.constant 64 : i32
        %mul3A_764 = arith.muli %shift_right_logical3A_724, %mul3A_763 : i32
        %add3A_765 = arith.constant 32 : i32
        %add3A_766 = arith.addi %mul3A_764, %add3A_765 : i32
        %add3A_767 = vector.broadcast %add3A_766 : i32 to vector<16xi32>
        %add3A_768 = arith.addi %add3A_767, %iota3A : vector<16xi32>
        %mul3A_769 = arith.constant 8.000000e+00 : f32
        %mul3A_770 = vector.broadcast %mul3A_769 : f32 to vector<16xf32>
        %mul3A_771 = arith.mulf %get3A_762, %mul3A_770 : vector<16xf32>
        %swap3A_772 = arith.constant 2 : i32
        %swap3A_773 = arith.index_cast %swap3A_772 : i32 to index
        %swap3A_774 = arith.constant 0 : index
        %swap3A_775 = tpu.vector_load %arg11[%swap3A_773, %swap3A_774] {strides = array<i32>} : memref<128x129xf32, #tpu.memory_space<vmem>>, vector<16xf32>,
        tpu.vector_store %arg11[%swap3A_773, %swap3A_774], %mul3A_771 {strides = array<i32>} : memref<128x129xf32, #tpu.memory_space<vmem>>, vector<16xf32>,
        %get3A_776 = arith.index_cast %add3A_722 : i32 to index
        %get3A_777 = arith.constant 48 : index
        %get3A_778 = tpu.vector_load %arg7[%get3A_776, %get3A_777] {strides = array<i32>} : memref<256x64xf32, #tpu.memory_space<vmem>>, vector<16xf32>,
        %mul3A_779 = arith.constant 64 : i32
        %mul3A_780 = arith.muli %shift_right_logical3A_724, %mul3A_779 : i32
        %add3A_781 = arith.constant 48 : i32
        %add3A_782 = arith.addi %mul3A_780, %add3A_781 : i32
        %add3A_783 = vector.broadcast %add3A_782 : i32 to vector<16xi32>
        %add3A_784 = arith.addi %add3A_783, %iota3A : vector<16xi32>
        %mul3A_785 = arith.constant 8.000000e+00 : f32
        %mul3A_786 = vector.broadcast %mul3A_785 : f32 to vector<16xf32>
        %mul3A_787 = arith.mulf %get3A_778, %mul3A_786 : vector<16xf32>
        %swap3A_788 = arith.constant 3 : i32
        %swap3A_789 = arith.index_cast %swap3A_788 : i32 to index
        %swap3A_790 = arith.constant 0 : index
        %swap3A_791 = tpu.vector_load %arg11[%swap3A_789, %swap3A_790] {strides = array<i32>} : memref<128x129xf32, #tpu.memory_space<vmem>>, vector<16xf32>,
        tpu.vector_store %arg11[%swap3A_789, %swap3A_790], %mul3A_787 {strides = array<i32>} : memref<128x129xf32, #tpu.memory_space<vmem>>, vector<16xf32>,
      }
      %scan3A_100 = arith.constant 256 : i32
      %mul3A_101 = arith.constant 2 : i32
      %mul3A_102 = arith.muli %add3A_85, %mul3A_101 : i32
      %mul3A_103 = arith.constant 64 : i32
      %mul3A_104 = arith.muli %mul3A_102, %mul3A_103 : i32
      %dma_start3A_105 = arith.constant 0 : i32
      %dma_start3A_106 = arith.constant 0 : i32
      %dma_start3A_107 = tpu.memref_slice %arg11[%dma_start3A_105, %dma_start3A_106] : memref<128x129xf32, #tpu.memory_space<vmem>> -> memref<1x128xf32, #tpu.memory_space<vmem>>
      %dma_start3A_108 = tpu.memref_slice %arg4[%mul3A_104, %mul3A_4] : memref<12800x4096xf32, #tpu.memory_space<hbm>> -> memref<1x128xf32, #tpu.memory_space<hbm>>
      %dma_start3A_109 = tpu.memref_slice %arg4[%mul3A_104, %mul3A_4] : memref<12800x4096xf32, #tpu.memory_space<hbm>> -> memref<1x128xf32, #tpu.memory_space<hbm>>
      %dma_start3A_110 = arith.constant 0 : i32
      %dma_start3A_111 = arith.constant 0 : i32
      %dma_start3A_112 = tpu.memref_slice %arg11[%dma_start3A_110, %dma_start3A_111] : memref<128x129xf32, #tpu.memory_space<vmem>> -> memref<1x128xf32, #tpu.memory_space<vmem>>
      tpu.enqueue_dma source(%dma_start3A_112 : memref<1x128xf32, #tpu.memory_space<vmem>>) target(%dma_start3A_109 : memref<1x128xf32, #tpu.memory_space<hbm>>) target_semaphore(%arg17 : memref<!tpu.dma_semaphore, #tpu.memory_space<semaphore_mem>>)
      %add3A_113 = arith.constant 4 : i32
      %add3A_114 = arith.addi %add3A_85, %add3A_113 : i32
      %sub3A_115 = arith.constant 1 : i32
      %sub3A_116 = arith.subi %add3A_114, %sub3A_115 : i32
      %lt3A_117 = arith.constant 100 : i32
      %lt3A_118 = arith.cmpi slt, %sub3A_116, %lt3A_117 : i32
      %convert_element_type3A_119 = arith.extui %lt3A_118 : i1 to i32
      %cond3A_120 = arith.constant 0 : i32
      %cond3A_121 = arith.cmpi ne, %convert_element_type3A_119, %cond3A_120 : i32
      scf.if %cond3A_121 {
        %add3A_198 = arith.constant 4 : i32
        %add3A_199 = arith.addi %add3A_85, %add3A_198 : i32
        %sub3A_200 = arith.constant 1 : i32
        %sub3A_201 = arith.subi %add3A_199, %sub3A_200 : i32
        %mul3A_202 = arith.constant 256 : i32
        %mul3A_203 = arith.muli %sub3A_201, %mul3A_202 : i32
        %dma_start3A_204 = tpu.memref_slice %arg5[%mul3A_203] : memref<25600xi32, #tpu.memory_space<vmem>> -> memref<256xi32, #tpu.memory_space<vmem>>
        %dma_start3A_205 = arith.constant 0 : i32
        %dma_start3A_206 = arith.constant 0 : i32
        %dma_start3A_207 = tpu.memref_slice %arg3[%dma_start3A_205, %dma_start3A_206] : memref<1000000x64xf32, #tpu.memory_space<hbm>> -> memref<1000000x64xf32, #tpu.memory_space<hbm>>
        tpu.enqueue_indirect_dma source(%dma_start3A_207 : memref<1000000x64xf32, #tpu.memory_space<hbm>>) target(%arg6 : memref<256x64xf32, #tpu.memory_space<vmem>>) offsets(%dma_start3A_204 : memref<256xi32, #tpu.memory_space<vmem>>) semaphore(%arg12 : memref<!tpu.dma_semaphore, #tpu.memory_space<semaphore_mem>>)
      } else {
      }
      %add3A_122 = arith.constant 2 : i32
      %add3A_123 = arith.addi %add3A_50, %add3A_122 : i32
      %dma_wait3A_124 = arith.constant 0 : i32
      %dma_wait3A_125 = tpu.memref_slice %arg5[%dma_wait3A_124] : memref<25600xi32, #tpu.memory_space<vmem>> -> memref<256xi32, #tpu.memory_space<vmem>>
      %dma_wait3A_126 = arith.constant 0 : i32
      %dma_wait3A_127 = arith.constant 0 : i32
      %dma_wait3A_128 = tpu.memref_slice %arg3[%dma_wait3A_126, %dma_wait3A_127] : memref<1000000x64xf32, #tpu.memory_space<hbm>> -> memref<1000000x64xf32, #tpu.memory_space<hbm>>
      tpu.wait_indirect_dma semaphore(%arg14 : memref<!tpu.dma_semaphore, #tpu.memory_space<semaphore_mem>>) src(%dma_wait3A_128 : memref<1000000x64xf32, #tpu.memory_space<hbm>>) dst(%arg8 : memref<256x64xf32, #tpu.memory_space<vmem>>)
      %ge3A_129 = arith.constant 2 : i32
      %ge3A_130 = arith.cmpi sge, %add3A_123, %ge3A_129 : i32
      %convert_element_type3A_131 = arith.extui %ge3A_130 : i1 to i32
      %cond3A_132 = arith.constant 0 : i32
      %cond3A_133 = arith.cmpi ne, %convert_element_type3A_131, %cond3A_132 : i32
      scf.if %cond3A_133 {
        %dma_wait3A_198 = arith.constant 0 : i32
        %dma_wait3A_199 = arith.constant 0 : i32
        %dma_wait3A_200 = tpu.memref_slice %arg10[%dma_wait3A_198, %dma_wait3A_199] : memref<128x129xf32, #tpu.memory_space<vmem>> -> memref<1x128xf32, #tpu.memory_space<vmem>>
        %dma_wait3A_201 = arith.constant 0 : i32
        %dma_wait3A_202 = arith.constant 0 : i32
        %dma_wait3A_203 = tpu.memref_slice %arg4[%dma_wait3A_201, %dma_wait3A_202] : memref<12800x4096xf32, #tpu.memory_space<hbm>> -> memref<1x128xf32, #tpu.memory_space<hbm>>
        %dma_wait3A_204 = arith.constant 0 : i32
        %dma_wait3A_205 = arith.constant 0 : i32
        %dma_wait3A_206 = tpu.memref_slice %arg4[%dma_wait3A_204, %dma_wait3A_205] : memref<12800x4096xf32, #tpu.memory_space<hbm>> -> memref<1x128xf32, #tpu.memory_space<hbm>>
        %dma_wait3A_207 = arith.constant 0 : i32
        %dma_wait3A_208 = arith.constant 0 : i32
        %dma_wait3A_209 = tpu.memref_slice %arg10[%dma_wait3A_207, %dma_wait3A_208] : memref<128x129xf32, #tpu.memory_space<vmem>> -> memref<1x128xf32, #tpu.memory_space<vmem>>
        tpu.wait_dma2 semaphore(%arg16 : memref<!tpu.dma_semaphore, #tpu.memory_space<semaphore_mem>>) src(%dma_wait3A_209 : memref<1x128xf32, #tpu.memory_space<vmem>>) dst(%dma_wait3A_206 : memref<1x128xf32, #tpu.memory_space<hbm>>)
      } else {
      }
      %scan3A_134 = arith.constant 0 : i32
      %scan3A_135 = arith.constant 256 : i32
      %scan3A_136 = arith.addi %scan3A_134, %scan3A_135 : i32
      %scan3A_137 = arith.constant 8 : i32
      scf.for %scan3A_198 = %scan3A_134 to %scan3A_136 step %scan3A_137  : i32 {
        %mul3A_199 = arith.constant 1 : i32
        %mul3A_200 = arith.muli %scan3A_198, %mul3A_199 : i32
        %add3A_201 = arith.constant 0 : i32
        %add3A_202 = arith.addi %add3A_201, %mul3A_200 : i32
        %shift_right_logical3A = arith.constant 7 : i32
        %shift_right_logical3A_203 = arith.shrui %add3A_202, %shift_right_logical3A : i32
        %and3A = arith.constant 127 : i32
        %and3A_204 = arith.andi %add3A_202, %and3A : i32
        %broadcast_in_dim3A = vector.broadcast %and3A_204 : i32 to vector<16xi32>
        %get3A = arith.index_cast %add3A_202 : i32 to index
        %get3A_205 = arith.constant 0 : index
        %get3A_206 = tpu.vector_load %arg8[%get3A, %get3A_205] {strides = array<i32>} : memref<256x64xf32, #tpu.memory_space<vmem>>, vector<16xf32>,
        %mul3A_207 = arith.constant 64 : i32
        %mul3A_208 = arith.muli %shift_right_logical3A_203, %mul3A_207 : i32
        %add3A_209 = arith.constant 0 : i32
        %add3A_210 = arith.addi %mul3A_208, %add3A_209 : i32
        %add3A_211 = vector.broadcast %add3A_210 : i32 to vector<16xi32>
        %add3A_212 = arith.addi %add3A_211, %iota3A : vector<16xi32>
        %mul3A_213 = arith.constant 8.000000e+00 : f32
        %mul3A_214 = vector.broadcast %mul3A_213 : f32 to vector<16xf32>
        %mul3A_215 = arith.mulf %get3A_206, %mul3A_214 : vector<16xf32>
        %swap3A = arith.constant 0 : i32
        %swap3A_216 = arith.index_cast %swap3A : i32 to index
        %swap3A_217 = arith.constant 0 : index
        %swap3A_218 = tpu.vector_load %arg10[%swap3A_216, %swap3A_217] {strides = array<i32>} : memref<128x129xf32, #tpu.memory_space<vmem>>, vector<16xf32>,
        tpu.vector_store %arg10[%swap3A_216, %swap3A_217], %mul3A_215 {strides = array<i32>} : memref<128x129xf32, #tpu.memory_space<vmem>>, vector<16xf32>,
        %get3A_219 = arith.index_cast %add3A_202 : i32 to index
        %get3A_220 = arith.constant 16 : index
        %get3A_221 = tpu.vector_load %arg8[%get3A_219, %get3A_220] {strides = array<i32>} : memref<256x64xf32, #tpu.memory_space<vmem>>, vector<16xf32>,
        %mul3A_222 = arith.constant 64 : i32
        %mul3A_223 = arith.muli %shift_right_logical3A_203, %mul3A_222 : i32
        %add3A_224 = arith.constant 16 : i32
        %add3A_225 = arith.addi %mul3A_223, %add3A_224 : i32
        %add3A_226 = vector.broadcast %add3A_225 : i32 to vector<16xi32>
        %add3A_227 = arith.addi %add3A_226, %iota3A : vector<16xi32>
        %mul3A_228 = arith.constant 8.000000e+00 : f32
        %mul3A_229 = vector.broadcast %mul3A_228 : f32 to vector<16xf32>
        %mul3A_230 = arith.mulf %get3A_221, %mul3A_229 : vector<16xf32>
        %swap3A_231 = arith.constant 1 : i32
        %swap3A_232 = arith.index_cast %swap3A_231 : i32 to index
        %swap3A_233 = arith.constant 0 : index
        %swap3A_234 = tpu.vector_load %arg10[%swap3A_232, %swap3A_233] {strides = array<i32>} : memref<128x129xf32, #tpu.memory_space<vmem>>, vector<16xf32>,
        tpu.vector_store %arg10[%swap3A_232, %swap3A_233], %mul3A_230 {strides = array<i32>} : memref<128x129xf32, #tpu.memory_space<vmem>>, vector<16xf32>,
        %get3A_235 = arith.index_cast %add3A_202 : i32 to index
        %get3A_236 = arith.constant 32 : index
        %get3A_237 = tpu.vector_load %arg8[%get3A_235, %get3A_236] {strides = array<i32>} : memref<256x64xf32, #tpu.memory_space<vmem>>, vector<16xf32>,
        %mul3A_238 = arith.constant 64 : i32
        %mul3A_239 = arith.muli %shift_right_logical3A_203, %mul3A_238 : i32
        %add3A_240 = arith.constant 32 : i32
        %add3A_241 = arith.addi %mul3A_239, %add3A_240 : i32
        %add3A_242 = vector.broadcast %add3A_241 : i32 to vector<16xi32>
        %add3A_243 = arith.addi %add3A_242, %iota3A : vector<16xi32>
        %mul3A_244 = arith.constant 8.000000e+00 : f32
        %mul3A_245 = vector.broadcast %mul3A_244 : f32 to vector<16xf32>
        %mul3A_246 = arith.mulf %get3A_237, %mul3A_245 : vector<16xf32>
        %swap3A_247 = arith.constant 2 : i32
        %swap3A_248 = arith.index_cast %swap3A_247 : i32 to index
        %swap3A_249 = arith.constant 0 : index
        %swap3A_250 = tpu.vector_load %arg10[%swap3A_248, %swap3A_249] {strides = array<i32>} : memref<128x129xf32, #tpu.memory_space<vmem>>, vector<16xf32>,
        tpu.vector_store %arg10[%swap3A_248, %swap3A_249], %mul3A_246 {strides = array<i32>} : memref<128x129xf32, #tpu.memory_space<vmem>>, vector<16xf32>,
        %get3A_251 = arith.index_cast %add3A_202 : i32 to index
        %get3A_252 = arith.constant 48 : index
        %get3A_253 = tpu.vector_load %arg8[%get3A_251, %get3A_252] {strides = array<i32>} : memref<256x64xf32, #tpu.memory_space<vmem>>, vector<16xf32>,
        %mul3A_254 = arith.constant 64 : i32
        %mul3A_255 = arith.muli %shift_right_logical3A_203, %mul3A_254 : i32
        %add3A_256 = arith.constant 48 : i32
        %add3A_257 = arith.addi %mul3A_255, %add3A_256 : i32
        %add3A_258 = vector.broadcast %add3A_257 : i32 to vector<16xi32>
        %add3A_259 = arith.addi %add3A_258, %iota3A : vector<16xi32>
        %mul3A_260 = arith.constant 8.000000e+00 : f32
        %mul3A_261 = vector.broadcast %mul3A_260 : f32 to vector<16xf32>
        %mul3A_262 = arith.mulf %get3A_253, %mul3A_261 : vector<16xf32>
        %swap3A_263 = arith.constant 3 : i32
        %swap3A_264 = arith.index_cast %swap3A_263 : i32 to index
        %swap3A_265 = arith.constant 0 : index
        %swap3A_266 = tpu.vector_load %arg10[%swap3A_264, %swap3A_265] {strides = array<i32>} : memref<128x129xf32, #tpu.memory_space<vmem>>, vector<16xf32>,
        tpu.vector_store %arg10[%swap3A_264, %swap3A_265], %mul3A_262 {strides = array<i32>} : memref<128x129xf32, #tpu.memory_space<vmem>>, vector<16xf32>,
        %scan3A_267 = arith.constant 1 : i32
        %scan3A_268 = arith.addi %scan3A_198, %scan3A_267 : i32
        %mul3A_269 = arith.constant 1 : i32
        %mul3A_270 = arith.muli %scan3A_268, %mul3A_269 : i32
        %add3A_271 = arith.constant 0 : i32
        %add3A_272 = arith.addi %add3A_271, %mul3A_270 : i32
        %shift_right_logical3A_273 = arith.constant 7 : i32
        %shift_right_logical3A_274 = arith.shrui %add3A_272, %shift_right_logical3A_273 : i32
        %and3A_275 = arith.constant 127 : i32
        %and3A_276 = arith.andi %add3A_272, %and3A_275 : i32
        %broadcast_in_dim3A_277 = vector.broadcast %and3A_276 : i32 to vector<16xi32>
        %get3A_278 = arith.index_cast %add3A_272 : i32 to index
        %get3A_279 = arith.constant 0 : index
        %get3A_280 = tpu.vector_load %arg8[%get3A_278, %get3A_279] {strides = array<i32>} : memref<256x64xf32, #tpu.memory_space<vmem>>, vector<16xf32>,
        %mul3A_281 = arith.constant 64 : i32
        %mul3A_282 = arith.muli %shift_right_logical3A_274, %mul3A_281 : i32
        %add3A_283 = arith.constant 0 : i32
        %add3A_284 = arith.addi %mul3A_282, %add3A_283 : i32
        %add3A_285 = vector.broadcast %add3A_284 : i32 to vector<16xi32>
        %add3A_286 = arith.addi %add3A_285, %iota3A : vector<16xi32>
        %mul3A_287 = arith.constant 8.000000e+00 : f32
        %mul3A_288 = vector.broadcast %mul3A_287 : f32 to vector<16xf32>
        %mul3A_289 = arith.mulf %get3A_280, %mul3A_288 : vector<16xf32>
        %swap3A_290 = arith.constant 0 : i32
        %swap3A_291 = arith.index_cast %swap3A_290 : i32 to index
        %swap3A_292 = arith.constant 0 : index
        %swap3A_293 = tpu.vector_load %arg10[%swap3A_291, %swap3A_292] {strides = array<i32>} : memref<128x129xf32, #tpu.memory_space<vmem>>, vector<16xf32>,
        tpu.vector_store %arg10[%swap3A_291, %swap3A_292], %mul3A_289 {strides = array<i32>} : memref<128x129xf32, #tpu.memory_space<vmem>>, vector<16xf32>,
        %get3A_294 = arith.index_cast %add3A_272 : i32 to index
        %get3A_295 = arith.constant 16 : index
        %get3A_296 = tpu.vector_load %arg8[%get3A_294, %get3A_295] {strides = array<i32>} : memref<256x64xf32, #tpu.memory_space<vmem>>, vector<16xf32>,
        %mul3A_297 = arith.constant 64 : i32
        %mul3A_298 = arith.muli %shift_right_logical3A_274, %mul3A_297 : i32
        %add3A_299 = arith.constant 16 : i32
        %add3A_300 = arith.addi %mul3A_298, %add3A_299 : i32
        %add3A_301 = vector.broadcast %add3A_300 : i32 to vector<16xi32>
        %add3A_302 = arith.addi %add3A_301, %iota3A : vector<16xi32>
        %mul3A_303 = arith.constant 8.000000e+00 : f32
        %mul3A_304 = vector.broadcast %mul3A_303 : f32 to vector<16xf32>
        %mul3A_305 = arith.mulf %get3A_296, %mul3A_304 : vector<16xf32>
        %swap3A_306 = arith.constant 1 : i32
        %swap3A_307 = arith.index_cast %swap3A_306 : i32 to index
        %swap3A_308 = arith.constant 0 : index
        %swap3A_309 = tpu.vector_load %arg10[%swap3A_307, %swap3A_308] {strides = array<i32>} : memref<128x129xf32, #tpu.memory_space<vmem>>, vector<16xf32>,
        tpu.vector_store %arg10[%swap3A_307, %swap3A_308], %mul3A_305 {strides = array<i32>} : memref<128x129xf32, #tpu.memory_space<vmem>>, vector<16xf32>,
        %get3A_310 = arith.index_cast %add3A_272 : i32 to index
        %get3A_311 = arith.constant 32 : index
        %get3A_312 = tpu.vector_load %arg8[%get3A_310, %get3A_311] {strides = array<i32>} : memref<256x64xf32, #tpu.memory_space<vmem>>, vector<16xf32>,
        %mul3A_313 = arith.constant 64 : i32
        %mul3A_314 = arith.muli %shift_right_logical3A_274, %mul3A_313 : i32
        %add3A_315 = arith.constant 32 : i32
        %add3A_316 = arith.addi %mul3A_314, %add3A_315 : i32
        %add3A_317 = vector.broadcast %add3A_316 : i32 to vector<16xi32>
        %add3A_318 = arith.addi %add3A_317, %iota3A : vector<16xi32>
        %mul3A_319 = arith.constant 8.000000e+00 : f32
        %mul3A_320 = vector.broadcast %mul3A_319 : f32 to vector<16xf32>
        %mul3A_321 = arith.mulf %get3A_312, %mul3A_320 : vector<16xf32>
        %swap3A_322 = arith.constant 2 : i32
        %swap3A_323 = arith.index_cast %swap3A_322 : i32 to index
        %swap3A_324 = arith.constant 0 : index
        %swap3A_325 = tpu.vector_load %arg10[%swap3A_323, %swap3A_324] {strides = array<i32>} : memref<128x129xf32, #tpu.memory_space<vmem>>, vector<16xf32>,
        tpu.vector_store %arg10[%swap3A_323, %swap3A_324], %mul3A_321 {strides = array<i32>} : memref<128x129xf32, #tpu.memory_space<vmem>>, vector<16xf32>,
        %get3A_326 = arith.index_cast %add3A_272 : i32 to index
        %get3A_327 = arith.constant 48 : index
        %get3A_328 = tpu.vector_load %arg8[%get3A_326, %get3A_327] {strides = array<i32>} : memref<256x64xf32, #tpu.memory_space<vmem>>, vector<16xf32>,
        %mul3A_329 = arith.constant 64 : i32
        %mul3A_330 = arith.muli %shift_right_logical3A_274, %mul3A_329 : i32
        %add3A_331 = arith.constant 48 : i32
        %add3A_332 = arith.addi %mul3A_330, %add3A_331 : i32
        %add3A_333 = vector.broadcast %add3A_332 : i32 to vector<16xi32>
        %add3A_334 = arith.addi %add3A_333, %iota3A : vector<16xi32>
        %mul3A_335 = arith.constant 8.000000e+00 : f32
        %mul3A_336 = vector.broadcast %mul3A_335 : f32 to vector<16xf32>
        %mul3A_337 = arith.mulf %get3A_328, %mul3A_336 : vector<16xf32>
        %swap3A_338 = arith.constant 3 : i32
        %swap3A_339 = arith.index_cast %swap3A_338 : i32 to index
        %swap3A_340 = arith.constant 0 : index
        %swap3A_341 = tpu.vector_load %arg10[%swap3A_339, %swap3A_340] {strides = array<i32>} : memref<128x129xf32, #tpu.memory_space<vmem>>, vector<16xf32>,
        tpu.vector_store %arg10[%swap3A_339, %swap3A_340], %mul3A_337 {strides = array<i32>} : memref<128x129xf32, #tpu.memory_space<vmem>>, vector<16xf32>,
        %scan3A_342 = arith.constant 2 : i32
        %scan3A_343 = arith.addi %scan3A_198, %scan3A_342 : i32
        %mul3A_344 = arith.constant 1 : i32
        %mul3A_345 = arith.muli %scan3A_343, %mul3A_344 : i32
        %add3A_346 = arith.constant 0 : i32
        %add3A_347 = arith.addi %add3A_346, %mul3A_345 : i32
        %shift_right_logical3A_348 = arith.constant 7 : i32
        %shift_right_logical3A_349 = arith.shrui %add3A_347, %shift_right_logical3A_348 : i32
        %and3A_350 = arith.constant 127 : i32
        %and3A_351 = arith.andi %add3A_347, %and3A_350 : i32
        %broadcast_in_dim3A_352 = vector.broadcast %and3A_351 : i32 to vector<16xi32>
        %get3A_353 = arith.index_cast %add3A_347 : i32 to index
        %get3A_354 = arith.constant 0 : index
        %get3A_355 = tpu.vector_load %arg8[%get3A_353, %get3A_354] {strides = array<i32>} : memref<256x64xf32, #tpu.memory_space<vmem>>, vector<16xf32>,
        %mul3A_356 = arith.constant 64 : i32
        %mul3A_357 = arith.muli %shift_right_logical3A_349, %mul3A_356 : i32
        %add3A_358 = arith.constant 0 : i32
        %add3A_359 = arith.addi %mul3A_357, %add3A_358 : i32
        %add3A_360 = vector.broadcast %add3A_359 : i32 to vector<16xi32>
        %add3A_361 = arith.addi %add3A_360, %iota3A : vector<16xi32>
        %mul3A_362 = arith.constant 8.000000e+00 : f32
        %mul3A_363 = vector.broadcast %mul3A_362 : f32 to vector<16xf32>
        %mul3A_364 = arith.mulf %get3A_355, %mul3A_363 : vector<16xf32>
        %swap3A_365 = arith.constant 0 : i32
        %swap3A_366 = arith.index_cast %swap3A_365 : i32 to index
        %swap3A_367 = arith.constant 0 : index
        %swap3A_368 = tpu.vector_load %arg10[%swap3A_366, %swap3A_367] {strides = array<i32>} : memref<128x129xf32, #tpu.memory_space<vmem>>, vector<16xf32>,
        tpu.vector_store %arg10[%swap3A_366, %swap3A_367], %mul3A_364 {strides = array<i32>} : memref<128x129xf32, #tpu.memory_space<vmem>>, vector<16xf32>,
        %get3A_369 = arith.index_cast %add3A_347 : i32 to index
        %get3A_370 = arith.constant 16 : index
        %get3A_371 = tpu.vector_load %arg8[%get3A_369, %get3A_370] {strides = array<i32>} : memref<256x64xf32, #tpu.memory_space<vmem>>, vector<16xf32>,
        %mul3A_372 = arith.constant 64 : i32
        %mul3A_373 = arith.muli %shift_right_logical3A_349, %mul3A_372 : i32
        %add3A_374 = arith.constant 16 : i32
        %add3A_375 = arith.addi %mul3A_373, %add3A_374 : i32
        %add3A_376 = vector.broadcast %add3A_375 : i32 to vector<16xi32>
        %add3A_377 = arith.addi %add3A_376, %iota3A : vector<16xi32>
        %mul3A_378 = arith.constant 8.000000e+00 : f32
        %mul3A_379 = vector.broadcast %mul3A_378 : f32 to vector<16xf32>
        %mul3A_380 = arith.mulf %get3A_371, %mul3A_379 : vector<16xf32>
        %swap3A_381 = arith.constant 1 : i32
        %swap3A_382 = arith.index_cast %swap3A_381 : i32 to index
        %swap3A_383 = arith.constant 0 : index
        %swap3A_384 = tpu.vector_load %arg10[%swap3A_382, %swap3A_383] {strides = array<i32>} : memref<128x129xf32, #tpu.memory_space<vmem>>, vector<16xf32>,
        tpu.vector_store %arg10[%swap3A_382, %swap3A_383], %mul3A_380 {strides = array<i32>} : memref<128x129xf32, #tpu.memory_space<vmem>>, vector<16xf32>,
        %get3A_385 = arith.index_cast %add3A_347 : i32 to index
        %get3A_386 = arith.constant 32 : index
        %get3A_387 = tpu.vector_load %arg8[%get3A_385, %get3A_386] {strides = array<i32>} : memref<256x64xf32, #tpu.memory_space<vmem>>, vector<16xf32>,
        %mul3A_388 = arith.constant 64 : i32
        %mul3A_389 = arith.muli %shift_right_logical3A_349, %mul3A_388 : i32
        %add3A_390 = arith.constant 32 : i32
        %add3A_391 = arith.addi %mul3A_389, %add3A_390 : i32
        %add3A_392 = vector.broadcast %add3A_391 : i32 to vector<16xi32>
        %add3A_393 = arith.addi %add3A_392, %iota3A : vector<16xi32>
        %mul3A_394 = arith.constant 8.000000e+00 : f32
        %mul3A_395 = vector.broadcast %mul3A_394 : f32 to vector<16xf32>
        %mul3A_396 = arith.mulf %get3A_387, %mul3A_395 : vector<16xf32>
        %swap3A_397 = arith.constant 2 : i32
        %swap3A_398 = arith.index_cast %swap3A_397 : i32 to index
        %swap3A_399 = arith.constant 0 : index
        %swap3A_400 = tpu.vector_load %arg10[%swap3A_398, %swap3A_399] {strides = array<i32>} : memref<128x129xf32, #tpu.memory_space<vmem>>, vector<16xf32>,
        tpu.vector_store %arg10[%swap3A_398, %swap3A_399], %mul3A_396 {strides = array<i32>} : memref<128x129xf32, #tpu.memory_space<vmem>>, vector<16xf32>,
        %get3A_401 = arith.index_cast %add3A_347 : i32 to index
        %get3A_402 = arith.constant 48 : index
        %get3A_403 = tpu.vector_load %arg8[%get3A_401, %get3A_402] {strides = array<i32>} : memref<256x64xf32, #tpu.memory_space<vmem>>, vector<16xf32>,
        %mul3A_404 = arith.constant 64 : i32
        %mul3A_405 = arith.muli %shift_right_logical3A_349, %mul3A_404 : i32
        %add3A_406 = arith.constant 48 : i32
        %add3A_407 = arith.addi %mul3A_405, %add3A_406 : i32
        %add3A_408 = vector.broadcast %add3A_407 : i32 to vector<16xi32>
        %add3A_409 = arith.addi %add3A_408, %iota3A : vector<16xi32>
        %mul3A_410 = arith.constant 8.000000e+00 : f32
        %mul3A_411 = vector.broadcast %mul3A_410 : f32 to vector<16xf32>
        %mul3A_412 = arith.mulf %get3A_403, %mul3A_411 : vector<16xf32>
        %swap3A_413 = arith.constant 3 : i32
        %swap3A_414 = arith.index_cast %swap3A_413 : i32 to index
        %swap3A_415 = arith.constant 0 : index
        %swap3A_416 = tpu.vector_load %arg10[%swap3A_414, %swap3A_415] {strides = array<i32>} : memref<128x129xf32, #tpu.memory_space<vmem>>, vector<16xf32>,
        tpu.vector_store %arg10[%swap3A_414, %swap3A_415], %mul3A_412 {strides = array<i32>} : memref<128x129xf32, #tpu.memory_space<vmem>>, vector<16xf32>,
        %scan3A_417 = arith.constant 3 : i32
        %scan3A_418 = arith.addi %scan3A_198, %scan3A_417 : i32
        %mul3A_419 = arith.constant 1 : i32
        %mul3A_420 = arith.muli %scan3A_418, %mul3A_419 : i32
        %add3A_421 = arith.constant 0 : i32
        %add3A_422 = arith.addi %add3A_421, %mul3A_420 : i32
        %shift_right_logical3A_423 = arith.constant 7 : i32
        %shift_right_logical3A_424 = arith.shrui %add3A_422, %shift_right_logical3A_423 : i32
        %and3A_425 = arith.constant 127 : i32
        %and3A_426 = arith.andi %add3A_422, %and3A_425 : i32
        %broadcast_in_dim3A_427 = vector.broadcast %and3A_426 : i32 to vector<16xi32>
        %get3A_428 = arith.index_cast %add3A_422 : i32 to index
        %get3A_429 = arith.constant 0 : index
        %get3A_430 = tpu.vector_load %arg8[%get3A_428, %get3A_429] {strides = array<i32>} : memref<256x64xf32, #tpu.memory_space<vmem>>, vector<16xf32>,
        %mul3A_431 = arith.constant 64 : i32
        %mul3A_432 = arith.muli %shift_right_logical3A_424, %mul3A_431 : i32
        %add3A_433 = arith.constant 0 : i32
        %add3A_434 = arith.addi %mul3A_432, %add3A_433 : i32
        %add3A_435 = vector.broadcast %add3A_434 : i32 to vector<16xi32>
        %add3A_436 = arith.addi %add3A_435, %iota3A : vector<16xi32>
        %mul3A_437 = arith.constant 8.000000e+00 : f32
        %mul3A_438 = vector.broadcast %mul3A_437 : f32 to vector<16xf32>
        %mul3A_439 = arith.mulf %get3A_430, %mul3A_438 : vector<16xf32>
        %swap3A_440 = arith.constant 0 : i32
        %swap3A_441 = arith.index_cast %swap3A_440 : i32 to index
        %swap3A_442 = arith.constant 0 : index
        %swap3A_443 = tpu.vector_load %arg10[%swap3A_441, %swap3A_442] {strides = array<i32>} : memref<128x129xf32, #tpu.memory_space<vmem>>, vector<16xf32>,
        tpu.vector_store %arg10[%swap3A_441, %swap3A_442], %mul3A_439 {strides = array<i32>} : memref<128x129xf32, #tpu.memory_space<vmem>>, vector<16xf32>,
        %get3A_444 = arith.index_cast %add3A_422 : i32 to index
        %get3A_445 = arith.constant 16 : index
        %get3A_446 = tpu.vector_load %arg8[%get3A_444, %get3A_445] {strides = array<i32>} : memref<256x64xf32, #tpu.memory_space<vmem>>, vector<16xf32>,
        %mul3A_447 = arith.constant 64 : i32
        %mul3A_448 = arith.muli %shift_right_logical3A_424, %mul3A_447 : i32
        %add3A_449 = arith.constant 16 : i32
        %add3A_450 = arith.addi %mul3A_448, %add3A_449 : i32
        %add3A_451 = vector.broadcast %add3A_450 : i32 to vector<16xi32>
        %add3A_452 = arith.addi %add3A_451, %iota3A : vector<16xi32>
        %mul3A_453 = arith.constant 8.000000e+00 : f32
        %mul3A_454 = vector.broadcast %mul3A_453 : f32 to vector<16xf32>
        %mul3A_455 = arith.mulf %get3A_446, %mul3A_454 : vector<16xf32>
        %swap3A_456 = arith.constant 1 : i32
        %swap3A_457 = arith.index_cast %swap3A_456 : i32 to index
        %swap3A_458 = arith.constant 0 : index
        %swap3A_459 = tpu.vector_load %arg10[%swap3A_457, %swap3A_458] {strides = array<i32>} : memref<128x129xf32, #tpu.memory_space<vmem>>, vector<16xf32>,
        tpu.vector_store %arg10[%swap3A_457, %swap3A_458], %mul3A_455 {strides = array<i32>} : memref<128x129xf32, #tpu.memory_space<vmem>>, vector<16xf32>,
        %get3A_460 = arith.index_cast %add3A_422 : i32 to index
        %get3A_461 = arith.constant 32 : index
        %get3A_462 = tpu.vector_load %arg8[%get3A_460, %get3A_461] {strides = array<i32>} : memref<256x64xf32, #tpu.memory_space<vmem>>, vector<16xf32>,
        %mul3A_463 = arith.constant 64 : i32
        %mul3A_464 = arith.muli %shift_right_logical3A_424, %mul3A_463 : i32
        %add3A_465 = arith.constant 32 : i32
        %add3A_466 = arith.addi %mul3A_464, %add3A_465 : i32
        %add3A_467 = vector.broadcast %add3A_466 : i32 to vector<16xi32>
        %add3A_468 = arith.addi %add3A_467, %iota3A : vector<16xi32>
        %mul3A_469 = arith.constant 8.000000e+00 : f32
        %mul3A_470 = vector.broadcast %mul3A_469 : f32 to vector<16xf32>
        %mul3A_471 = arith.mulf %get3A_462, %mul3A_470 : vector<16xf32>
        %swap3A_472 = arith.constant 2 : i32
        %swap3A_473 = arith.index_cast %swap3A_472 : i32 to index
        %swap3A_474 = arith.constant 0 : index
        %swap3A_475 = tpu.vector_load %arg10[%swap3A_473, %swap3A_474] {strides = array<i32>} : memref<128x129xf32, #tpu.memory_space<vmem>>, vector<16xf32>,
        tpu.vector_store %arg10[%swap3A_473, %swap3A_474], %mul3A_471 {strides = array<i32>} : memref<128x129xf32, #tpu.memory_space<vmem>>, vector<16xf32>,
        %get3A_476 = arith.index_cast %add3A_422 : i32 to index
        %get3A_477 = arith.constant 48 : index
        %get3A_478 = tpu.vector_load %arg8[%get3A_476, %get3A_477] {strides = array<i32>} : memref<256x64xf32, #tpu.memory_space<vmem>>, vector<16xf32>,
        %mul3A_479 = arith.constant 64 : i32
        %mul3A_480 = arith.muli %shift_right_logical3A_424, %mul3A_479 : i32
        %add3A_481 = arith.constant 48 : i32
        %add3A_482 = arith.addi %mul3A_480, %add3A_481 : i32
        %add3A_483 = vector.broadcast %add3A_482 : i32 to vector<16xi32>
        %add3A_484 = arith.addi %add3A_483, %iota3A : vector<16xi32>
        %mul3A_485 = arith.constant 8.000000e+00 : f32
        %mul3A_486 = vector.broadcast %mul3A_485 : f32 to vector<16xf32>
        %mul3A_487 = arith.mulf %get3A_478, %mul3A_486 : vector<16xf32>
        %swap3A_488 = arith.constant 3 : i32
        %swap3A_489 = arith.index_cast %swap3A_488 : i32 to index
        %swap3A_490 = arith.constant 0 : index
        %swap3A_491 = tpu.vector_load %arg10[%swap3A_489, %swap3A_490] {strides = array<i32>} : memref<128x129xf32, #tpu.memory_space<vmem>>, vector<16xf32>,
        tpu.vector_store %arg10[%swap3A_489, %swap3A_490], %mul3A_487 {strides = array<i32>} : memref<128x129xf32, #tpu.memory_space<vmem>>, vector<16xf32>,
        %scan3A_492 = arith.constant 4 : i32
        %scan3A_493 = arith.addi %scan3A_198, %scan3A_492 : i32
        %mul3A_494 = arith.constant 1 : i32
        %mul3A_495 = arith.muli %scan3A_493, %mul3A_494 : i32
        %add3A_496 = arith.constant 0 : i32
        %add3A_497 = arith.addi %add3A_496, %mul3A_495 : i32
        %shift_right_logical3A_498 = arith.constant 7 : i32
        %shift_right_logical3A_499 = arith.shrui %add3A_497, %shift_right_logical3A_498 : i32
        %and3A_500 = arith.constant 127 : i32
        %and3A_501 = arith.andi %add3A_497, %and3A_500 : i32
        %broadcast_in_dim3A_502 = vector.broadcast %and3A_501 : i32 to vector<16xi32>
        %get3A_503 = arith.index_cast %add3A_497 : i32 to index
        %get3A_504 = arith.constant 0 : index
        %get3A_505 = tpu.vector_load %arg8[%get3A_503, %get3A_504] {strides = array<i32>} : memref<256x64xf32, #tpu.memory_space<vmem>>, vector<16xf32>,
        %mul3A_506 = arith.constant 64 : i32
        %mul3A_507 = arith.muli %shift_right_logical3A_499, %mul3A_506 : i32
        %add3A_508 = arith.constant 0 : i32
        %add3A_509 = arith.addi %mul3A_507, %add3A_508 : i32
        %add3A_510 = vector.broadcast %add3A_509 : i32 to vector<16xi32>
        %add3A_511 = arith.addi %add3A_510, %iota3A : vector<16xi32>
        %mul3A_512 = arith.constant 8.000000e+00 : f32
        %mul3A_513 = vector.broadcast %mul3A_512 : f32 to vector<16xf32>
        %mul3A_514 = arith.mulf %get3A_505, %mul3A_513 : vector<16xf32>
        %swap3A_515 = arith.constant 0 : i32
        %swap3A_516 = arith.index_cast %swap3A_515 : i32 to index
        %swap3A_517 = arith.constant 0 : index
        %swap3A_518 = tpu.vector_load %arg10[%swap3A_516, %swap3A_517] {strides = array<i32>} : memref<128x129xf32, #tpu.memory_space<vmem>>, vector<16xf32>,
        tpu.vector_store %arg10[%swap3A_516, %swap3A_517], %mul3A_514 {strides = array<i32>} : memref<128x129xf32, #tpu.memory_space<vmem>>, vector<16xf32>,
        %get3A_519 = arith.index_cast %add3A_497 : i32 to index
        %get3A_520 = arith.constant 16 : index
        %get3A_521 = tpu.vector_load %arg8[%get3A_519, %get3A_520] {strides = array<i32>} : memref<256x64xf32, #tpu.memory_space<vmem>>, vector<16xf32>,
        %mul3A_522 = arith.constant 64 : i32
        %mul3A_523 = arith.muli %shift_right_logical3A_499, %mul3A_522 : i32
        %add3A_524 = arith.constant 16 : i32
        %add3A_525 = arith.addi %mul3A_523, %add3A_524 : i32
        %add3A_526 = vector.broadcast %add3A_525 : i32 to vector<16xi32>
        %add3A_527 = arith.addi %add3A_526, %iota3A : vector<16xi32>
        %mul3A_528 = arith.constant 8.000000e+00 : f32
        %mul3A_529 = vector.broadcast %mul3A_528 : f32 to vector<16xf32>
        %mul3A_530 = arith.mulf %get3A_521, %mul3A_529 : vector<16xf32>
        %swap3A_531 = arith.constant 1 : i32
        %swap3A_532 = arith.index_cast %swap3A_531 : i32 to index
        %swap3A_533 = arith.constant 0 : index
        %swap3A_534 = tpu.vector_load %arg10[%swap3A_532, %swap3A_533] {strides = array<i32>} : memref<128x129xf32, #tpu.memory_space<vmem>>, vector<16xf32>,
        tpu.vector_store %arg10[%swap3A_532, %swap3A_533], %mul3A_530 {strides = array<i32>} : memref<128x129xf32, #tpu.memory_space<vmem>>, vector<16xf32>,
        %get3A_535 = arith.index_cast %add3A_497 : i32 to index
        %get3A_536 = arith.constant 32 : index
        %get3A_537 = tpu.vector_load %arg8[%get3A_535, %get3A_536] {strides = array<i32>} : memref<256x64xf32, #tpu.memory_space<vmem>>, vector<16xf32>,
        %mul3A_538 = arith.constant 64 : i32
        %mul3A_539 = arith.muli %shift_right_logical3A_499, %mul3A_538 : i32
        %add3A_540 = arith.constant 32 : i32
        %add3A_541 = arith.addi %mul3A_539, %add3A_540 : i32
        %add3A_542 = vector.broadcast %add3A_541 : i32 to vector<16xi32>
        %add3A_543 = arith.addi %add3A_542, %iota3A : vector<16xi32>
        %mul3A_544 = arith.constant 8.000000e+00 : f32
        %mul3A_545 = vector.broadcast %mul3A_544 : f32 to vector<16xf32>
        %mul3A_546 = arith.mulf %get3A_537, %mul3A_545 : vector<16xf32>
        %swap3A_547 = arith.constant 2 : i32
        %swap3A_548 = arith.index_cast %swap3A_547 : i32 to index
        %swap3A_549 = arith.constant 0 : index
        %swap3A_550 = tpu.vector_load %arg10[%swap3A_548, %swap3A_549] {strides = array<i32>} : memref<128x129xf32, #tpu.memory_space<vmem>>, vector<16xf32>,
        tpu.vector_store %arg10[%swap3A_548, %swap3A_549], %mul3A_546 {strides = array<i32>} : memref<128x129xf32, #tpu.memory_space<vmem>>, vector<16xf32>,
        %get3A_551 = arith.index_cast %add3A_497 : i32 to index
        %get3A_552 = arith.constant 48 : index
        %get3A_553 = tpu.vector_load %arg8[%get3A_551, %get3A_552] {strides = array<i32>} : memref<256x64xf32, #tpu.memory_space<vmem>>, vector<16xf32>,
        %mul3A_554 = arith.constant 64 : i32
        %mul3A_555 = arith.muli %shift_right_logical3A_499, %mul3A_554 : i32
        %add3A_556 = arith.constant 48 : i32
        %add3A_557 = arith.addi %mul3A_555, %add3A_556 : i32
        %add3A_558 = vector.broadcast %add3A_557 : i32 to vector<16xi32>
        %add3A_559 = arith.addi %add3A_558, %iota3A : vector<16xi32>
        %mul3A_560 = arith.constant 8.000000e+00 : f32
        %mul3A_561 = vector.broadcast %mul3A_560 : f32 to vector<16xf32>
        %mul3A_562 = arith.mulf %get3A_553, %mul3A_561 : vector<16xf32>
        %swap3A_563 = arith.constant 3 : i32
        %swap3A_564 = arith.index_cast %swap3A_563 : i32 to index
        %swap3A_565 = arith.constant 0 : index
        %swap3A_566 = tpu.vector_load %arg10[%swap3A_564, %swap3A_565] {strides = array<i32>} : memref<128x129xf32, #tpu.memory_space<vmem>>, vector<16xf32>,
        tpu.vector_store %arg10[%swap3A_564, %swap3A_565], %mul3A_562 {strides = array<i32>} : memref<128x129xf32, #tpu.memory_space<vmem>>, vector<16xf32>,
        %scan3A_567 = arith.constant 5 : i32
        %scan3A_568 = arith.addi %scan3A_198, %scan3A_567 : i32
        %mul3A_569 = arith.constant 1 : i32
        %mul3A_570 = arith.muli %scan3A_568, %mul3A_569 : i32
        %add3A_571 = arith.constant 0 : i32
        %add3A_572 = arith.addi %add3A_571, %mul3A_570 : i32
        %shift_right_logical3A_573 = arith.constant 7 : i32
        %shift_right_logical3A_574 = arith.shrui %add3A_572, %shift_right_logical3A_573 : i32
        %and3A_575 = arith.constant 127 : i32
        %and3A_576 = arith.andi %add3A_572, %and3A_575 : i32
        %broadcast_in_dim3A_577 = vector.broadcast %and3A_576 : i32 to vector<16xi32>
        %get3A_578 = arith.index_cast %add3A_572 : i32 to index
        %get3A_579 = arith.constant 0 : index
        %get3A_580 = tpu.vector_load %arg8[%get3A_578, %get3A_579] {strides = array<i32>} : memref<256x64xf32, #tpu.memory_space<vmem>>, vector<16xf32>,
        %mul3A_581 = arith.constant 64 : i32
        %mul3A_582 = arith.muli %shift_right_logical3A_574, %mul3A_581 : i32
        %add3A_583 = arith.constant 0 : i32
        %add3A_584 = arith.addi %mul3A_582, %add3A_583 : i32
        %add3A_585 = vector.broadcast %add3A_584 : i32 to vector<16xi32>
        %add3A_586 = arith.addi %add3A_585, %iota3A : vector<16xi32>
        %mul3A_587 = arith.constant 8.000000e+00 : f32
        %mul3A_588 = vector.broadcast %mul3A_587 : f32 to vector<16xf32>
        %mul3A_589 = arith.mulf %get3A_580, %mul3A_588 : vector<16xf32>
        %swap3A_590 = arith.constant 0 : i32
        %swap3A_591 = arith.index_cast %swap3A_590 : i32 to index
        %swap3A_592 = arith.constant 0 : index
        %swap3A_593 = tpu.vector_load %arg10[%swap3A_591, %swap3A_592] {strides = array<i32>} : memref<128x129xf32, #tpu.memory_space<vmem>>, vector<16xf32>,
        tpu.vector_store %arg10[%swap3A_591, %swap3A_592], %mul3A_589 {strides = array<i32>} : memref<128x129xf32, #tpu.memory_space<vmem>>, vector<16xf32>,
        %get3A_594 = arith.index_cast %add3A_572 : i32 to index
        %get3A_595 = arith.constant 16 : index
        %get3A_596 = tpu.vector_load %arg8[%get3A_594, %get3A_595] {strides = array<i32>} : memref<256x64xf32, #tpu.memory_space<vmem>>, vector<16xf32>,
        %mul3A_597 = arith.constant 64 : i32
        %mul3A_598 = arith.muli %shift_right_logical3A_574, %mul3A_597 : i32
        %add3A_599 = arith.constant 16 : i32
        %add3A_600 = arith.addi %mul3A_598, %add3A_599 : i32
        %add3A_601 = vector.broadcast %add3A_600 : i32 to vector<16xi32>
        %add3A_602 = arith.addi %add3A_601, %iota3A : vector<16xi32>
        %mul3A_603 = arith.constant 8.000000e+00 : f32
        %mul3A_604 = vector.broadcast %mul3A_603 : f32 to vector<16xf32>
        %mul3A_605 = arith.mulf %get3A_596, %mul3A_604 : vector<16xf32>
        %swap3A_606 = arith.constant 1 : i32
        %swap3A_607 = arith.index_cast %swap3A_606 : i32 to index
        %swap3A_608 = arith.constant 0 : index
        %swap3A_609 = tpu.vector_load %arg10[%swap3A_607, %swap3A_608] {strides = array<i32>} : memref<128x129xf32, #tpu.memory_space<vmem>>, vector<16xf32>,
        tpu.vector_store %arg10[%swap3A_607, %swap3A_608], %mul3A_605 {strides = array<i32>} : memref<128x129xf32, #tpu.memory_space<vmem>>, vector<16xf32>,
        %get3A_610 = arith.index_cast %add3A_572 : i32 to index
        %get3A_611 = arith.constant 32 : index
        %get3A_612 = tpu.vector_load %arg8[%get3A_610, %get3A_611] {strides = array<i32>} : memref<256x64xf32, #tpu.memory_space<vmem>>, vector<16xf32>,
        %mul3A_613 = arith.constant 64 : i32
        %mul3A_614 = arith.muli %shift_right_logical3A_574, %mul3A_613 : i32
        %add3A_615 = arith.constant 32 : i32
        %add3A_616 = arith.addi %mul3A_614, %add3A_615 : i32
        %add3A_617 = vector.broadcast %add3A_616 : i32 to vector<16xi32>
        %add3A_618 = arith.addi %add3A_617, %iota3A : vector<16xi32>
        %mul3A_619 = arith.constant 8.000000e+00 : f32
        %mul3A_620 = vector.broadcast %mul3A_619 : f32 to vector<16xf32>
        %mul3A_621 = arith.mulf %get3A_612, %mul3A_620 : vector<16xf32>
        %swap3A_622 = arith.constant 2 : i32
        %swap3A_623 = arith.index_cast %swap3A_622 : i32 to index
        %swap3A_624 = arith.constant 0 : index
        %swap3A_625 = tpu.vector_load %arg10[%swap3A_623, %swap3A_624] {strides = array<i32>} : memref<128x129xf32, #tpu.memory_space<vmem>>, vector<16xf32>,
        tpu.vector_store %arg10[%swap3A_623, %swap3A_624], %mul3A_621 {strides = array<i32>} : memref<128x129xf32, #tpu.memory_space<vmem>>, vector<16xf32>,
        %get3A_626 = arith.index_cast %add3A_572 : i32 to index
        %get3A_627 = arith.constant 48 : index
        %get3A_628 = tpu.vector_load %arg8[%get3A_626, %get3A_627] {strides = array<i32>} : memref<256x64xf32, #tpu.memory_space<vmem>>, vector<16xf32>,
        %mul3A_629 = arith.constant 64 : i32
        %mul3A_630 = arith.muli %shift_right_logical3A_574, %mul3A_629 : i32
        %add3A_631 = arith.constant 48 : i32
        %add3A_632 = arith.addi %mul3A_630, %add3A_631 : i32
        %add3A_633 = vector.broadcast %add3A_632 : i32 to vector<16xi32>
        %add3A_634 = arith.addi %add3A_633, %iota3A : vector<16xi32>
        %mul3A_635 = arith.constant 8.000000e+00 : f32
        %mul3A_636 = vector.broadcast %mul3A_635 : f32 to vector<16xf32>
        %mul3A_637 = arith.mulf %get3A_628, %mul3A_636 : vector<16xf32>
        %swap3A_638 = arith.constant 3 : i32
        %swap3A_639 = arith.index_cast %swap3A_638 : i32 to index
        %swap3A_640 = arith.constant 0 : index
        %swap3A_641 = tpu.vector_load %arg10[%swap3A_639, %swap3A_640] {strides = array<i32>} : memref<128x129xf32, #tpu.memory_space<vmem>>, vector<16xf32>,
        tpu.vector_store %arg10[%swap3A_639, %swap3A_640], %mul3A_637 {strides = array<i32>} : memref<128x129xf32, #tpu.memory_space<vmem>>, vector<16xf32>,
        %scan3A_642 = arith.constant 6 : i32
        %scan3A_643 = arith.addi %scan3A_198, %scan3A_642 : i32
        %mul3A_644 = arith.constant 1 : i32
        %mul3A_645 = arith.muli %scan3A_643, %mul3A_644 : i32
        %add3A_646 = arith.constant 0 : i32
        %add3A_647 = arith.addi %add3A_646, %mul3A_645 : i32
        %shift_right_logical3A_648 = arith.constant 7 : i32
        %shift_right_logical3A_649 = arith.shrui %add3A_647, %shift_right_logical3A_648 : i32
        %and3A_650 = arith.constant 127 : i32
        %and3A_651 = arith.andi %add3A_647, %and3A_650 : i32
        %broadcast_in_dim3A_652 = vector.broadcast %and3A_651 : i32 to vector<16xi32>
        %get3A_653 = arith.index_cast %add3A_647 : i32 to index
        %get3A_654 = arith.constant 0 : index
        %get3A_655 = tpu.vector_load %arg8[%get3A_653, %get3A_654] {strides = array<i32>} : memref<256x64xf32, #tpu.memory_space<vmem>>, vector<16xf32>,
        %mul3A_656 = arith.constant 64 : i32
        %mul3A_657 = arith.muli %shift_right_logical3A_649, %mul3A_656 : i32
        %add3A_658 = arith.constant 0 : i32
        %add3A_659 = arith.addi %mul3A_657, %add3A_658 : i32
        %add3A_660 = vector.broadcast %add3A_659 : i32 to vector<16xi32>
        %add3A_661 = arith.addi %add3A_660, %iota3A : vector<16xi32>
        %mul3A_662 = arith.constant 8.000000e+00 : f32
        %mul3A_663 = vector.broadcast %mul3A_662 : f32 to vector<16xf32>
        %mul3A_664 = arith.mulf %get3A_655, %mul3A_663 : vector<16xf32>
        %swap3A_665 = arith.constant 0 : i32
        %swap3A_666 = arith.index_cast %swap3A_665 : i32 to index
        %swap3A_667 = arith.constant 0 : index
        %swap3A_668 = tpu.vector_load %arg10[%swap3A_666, %swap3A_667] {strides = array<i32>} : memref<128x129xf32, #tpu.memory_space<vmem>>, vector<16xf32>,
        tpu.vector_store %arg10[%swap3A_666, %swap3A_667], %mul3A_664 {strides = array<i32>} : memref<128x129xf32, #tpu.memory_space<vmem>>, vector<16xf32>,
        %get3A_669 = arith.index_cast %add3A_647 : i32 to index
        %get3A_670 = arith.constant 16 : index
        %get3A_671 = tpu.vector_load %arg8[%get3A_669, %get3A_670] {strides = array<i32>} : memref<256x64xf32, #tpu.memory_space<vmem>>, vector<16xf32>,
        %mul3A_672 = arith.constant 64 : i32
        %mul3A_673 = arith.muli %shift_right_logical3A_649, %mul3A_672 : i32
        %add3A_674 = arith.constant 16 : i32
        %add3A_675 = arith.addi %mul3A_673, %add3A_674 : i32
        %add3A_676 = vector.broadcast %add3A_675 : i32 to vector<16xi32>
        %add3A_677 = arith.addi %add3A_676, %iota3A : vector<16xi32>
        %mul3A_678 = arith.constant 8.000000e+00 : f32
        %mul3A_679 = vector.broadcast %mul3A_678 : f32 to vector<16xf32>
        %mul3A_680 = arith.mulf %get3A_671, %mul3A_679 : vector<16xf32>
        %swap3A_681 = arith.constant 1 : i32
        %swap3A_682 = arith.index_cast %swap3A_681 : i32 to index
        %swap3A_683 = arith.constant 0 : index
        %swap3A_684 = tpu.vector_load %arg10[%swap3A_682, %swap3A_683] {strides = array<i32>} : memref<128x129xf32, #tpu.memory_space<vmem>>, vector<16xf32>,
        tpu.vector_store %arg10[%swap3A_682, %swap3A_683], %mul3A_680 {strides = array<i32>} : memref<128x129xf32, #tpu.memory_space<vmem>>, vector<16xf32>,
        %get3A_685 = arith.index_cast %add3A_647 : i32 to index
        %get3A_686 = arith.constant 32 : index
        %get3A_687 = tpu.vector_load %arg8[%get3A_685, %get3A_686] {strides = array<i32>} : memref<256x64xf32, #tpu.memory_space<vmem>>, vector<16xf32>,
        %mul3A_688 = arith.constant 64 : i32
        %mul3A_689 = arith.muli %shift_right_logical3A_649, %mul3A_688 : i32
        %add3A_690 = arith.constant 32 : i32
        %add3A_691 = arith.addi %mul3A_689, %add3A_690 : i32
        %add3A_692 = vector.broadcast %add3A_691 : i32 to vector<16xi32>
        %add3A_693 = arith.addi %add3A_692, %iota3A : vector<16xi32>
        %mul3A_694 = arith.constant 8.000000e+00 : f32
        %mul3A_695 = vector.broadcast %mul3A_694 : f32 to vector<16xf32>
        %mul3A_696 = arith.mulf %get3A_687, %mul3A_695 : vector<16xf32>
        %swap3A_697 = arith.constant 2 : i32
        %swap3A_698 = arith.index_cast %swap3A_697 : i32 to index
        %swap3A_699 = arith.constant 0 : index
        %swap3A_700 = tpu.vector_load %arg10[%swap3A_698, %swap3A_699] {strides = array<i32>} : memref<128x129xf32, #tpu.memory_space<vmem>>, vector<16xf32>,
        tpu.vector_store %arg10[%swap3A_698, %swap3A_699], %mul3A_696 {strides = array<i32>} : memref<128x129xf32, #tpu.memory_space<vmem>>, vector<16xf32>,
        %get3A_701 = arith.index_cast %add3A_647 : i32 to index
        %get3A_702 = arith.constant 48 : index
        %get3A_703 = tpu.vector_load %arg8[%get3A_701, %get3A_702] {strides = array<i32>} : memref<256x64xf32, #tpu.memory_space<vmem>>, vector<16xf32>,
        %mul3A_704 = arith.constant 64 : i32
        %mul3A_705 = arith.muli %shift_right_logical3A_649, %mul3A_704 : i32
        %add3A_706 = arith.constant 48 : i32
        %add3A_707 = arith.addi %mul3A_705, %add3A_706 : i32
        %add3A_708 = vector.broadcast %add3A_707 : i32 to vector<16xi32>
        %add3A_709 = arith.addi %add3A_708, %iota3A : vector<16xi32>
        %mul3A_710 = arith.constant 8.000000e+00 : f32
        %mul3A_711 = vector.broadcast %mul3A_710 : f32 to vector<16xf32>
        %mul3A_712 = arith.mulf %get3A_703, %mul3A_711 : vector<16xf32>
        %swap3A_713 = arith.constant 3 : i32
        %swap3A_714 = arith.index_cast %swap3A_713 : i32 to index
        %swap3A_715 = arith.constant 0 : index
        %swap3A_716 = tpu.vector_load %arg10[%swap3A_714, %swap3A_715] {strides = array<i32>} : memref<128x129xf32, #tpu.memory_space<vmem>>, vector<16xf32>,
        tpu.vector_store %arg10[%swap3A_714, %swap3A_715], %mul3A_712 {strides = array<i32>} : memref<128x129xf32, #tpu.memory_space<vmem>>, vector<16xf32>,
        %scan3A_717 = arith.constant 7 : i32
        %scan3A_718 = arith.addi %scan3A_198, %scan3A_717 : i32
        %mul3A_719 = arith.constant 1 : i32
        %mul3A_720 = arith.muli %scan3A_718, %mul3A_719 : i32
        %add3A_721 = arith.constant 0 : i32
        %add3A_722 = arith.addi %add3A_721, %mul3A_720 : i32
        %shift_right_logical3A_723 = arith.constant 7 : i32
        %shift_right_logical3A_724 = arith.shrui %add3A_722, %shift_right_logical3A_723 : i32
        %and3A_725 = arith.constant 127 : i32
        %and3A_726 = arith.andi %add3A_722, %and3A_725 : i32
        %broadcast_in_dim3A_727 = vector.broadcast %and3A_726 : i32 to vector<16xi32>
        %get3A_728 = arith.index_cast %add3A_722 : i32 to index
        %get3A_729 = arith.constant 0 : index
        %get3A_730 = tpu.vector_load %arg8[%get3A_728, %get3A_729] {strides = array<i32>} : memref<256x64xf32, #tpu.memory_space<vmem>>, vector<16xf32>,
        %mul3A_731 = arith.constant 64 : i32
        %mul3A_732 = arith.muli %shift_right_logical3A_724, %mul3A_731 : i32
        %add3A_733 = arith.constant 0 : i32
        %add3A_734 = arith.addi %mul3A_732, %add3A_733 : i32
        %add3A_735 = vector.broadcast %add3A_734 : i32 to vector<16xi32>
        %add3A_736 = arith.addi %add3A_735, %iota3A : vector<16xi32>
        %mul3A_737 = arith.constant 8.000000e+00 : f32
        %mul3A_738 = vector.broadcast %mul3A_737 : f32 to vector<16xf32>
        %mul3A_739 = arith.mulf %get3A_730, %mul3A_738 : vector<16xf32>
        %swap3A_740 = arith.constant 0 : i32
        %swap3A_741 = arith.index_cast %swap3A_740 : i32 to index
        %swap3A_742 = arith.constant 0 : index
        %swap3A_743 = tpu.vector_load %arg10[%swap3A_741, %swap3A_742] {strides = array<i32>} : memref<128x129xf32, #tpu.memory_space<vmem>>, vector<16xf32>,
        tpu.vector_store %arg10[%swap3A_741, %swap3A_742], %mul3A_739 {strides = array<i32>} : memref<128x129xf32, #tpu.memory_space<vmem>>, vector<16xf32>,
        %get3A_744 = arith.index_cast %add3A_722 : i32 to index
        %get3A_745 = arith.constant 16 : index
        %get3A_746 = tpu.vector_load %arg8[%get3A_744, %get3A_745] {strides = array<i32>} : memref<256x64xf32, #tpu.memory_space<vmem>>, vector<16xf32>,
        %mul3A_747 = arith.constant 64 : i32
        %mul3A_748 = arith.muli %shift_right_logical3A_724, %mul3A_747 : i32
        %add3A_749 = arith.constant 16 : i32
        %add3A_750 = arith.addi %mul3A_748, %add3A_749 : i32
        %add3A_751 = vector.broadcast %add3A_750 : i32 to vector<16xi32>
        %add3A_752 = arith.addi %add3A_751, %iota3A : vector<16xi32>
        %mul3A_753 = arith.constant 8.000000e+00 : f32
        %mul3A_754 = vector.broadcast %mul3A_753 : f32 to vector<16xf32>
        %mul3A_755 = arith.mulf %get3A_746, %mul3A_754 : vector<16xf32>
        %swap3A_756 = arith.constant 1 : i32
        %swap3A_757 = arith.index_cast %swap3A_756 : i32 to index
        %swap3A_758 = arith.constant 0 : index
        %swap3A_759 = tpu.vector_load %arg10[%swap3A_757, %swap3A_758] {strides = array<i32>} : memref<128x129xf32, #tpu.memory_space<vmem>>, vector<16xf32>,
        tpu.vector_store %arg10[%swap3A_757, %swap3A_758], %mul3A_755 {strides = array<i32>} : memref<128x129xf32, #tpu.memory_space<vmem>>, vector<16xf32>,
        %get3A_760 = arith.index_cast %add3A_722 : i32 to index
        %get3A_761 = arith.constant 32 : index
        %get3A_762 = tpu.vector_load %arg8[%get3A_760, %get3A_761] {strides = array<i32>} : memref<256x64xf32, #tpu.memory_space<vmem>>, vector<16xf32>,
        %mul3A_763 = arith.constant 64 : i32
        %mul3A_764 = arith.muli %shift_right_logical3A_724, %mul3A_763 : i32
        %add3A_765 = arith.constant 32 : i32
        %add3A_766 = arith.addi %mul3A_764, %add3A_765 : i32
        %add3A_767 = vector.broadcast %add3A_766 : i32 to vector<16xi32>
        %add3A_768 = arith.addi %add3A_767, %iota3A : vector<16xi32>
        %mul3A_769 = arith.constant 8.000000e+00 : f32
        %mul3A_770 = vector.broadcast %mul3A_769 : f32 to vector<16xf32>
        %mul3A_771 = arith.mulf %get3A_762, %mul3A_770 : vector<16xf32>
        %swap3A_772 = arith.constant 2 : i32
        %swap3A_773 = arith.index_cast %swap3A_772 : i32 to index
        %swap3A_774 = arith.constant 0 : index
        %swap3A_775 = tpu.vector_load %arg10[%swap3A_773, %swap3A_774] {strides = array<i32>} : memref<128x129xf32, #tpu.memory_space<vmem>>, vector<16xf32>,
        tpu.vector_store %arg10[%swap3A_773, %swap3A_774], %mul3A_771 {strides = array<i32>} : memref<128x129xf32, #tpu.memory_space<vmem>>, vector<16xf32>,
        %get3A_776 = arith.index_cast %add3A_722 : i32 to index
        %get3A_777 = arith.constant 48 : index
        %get3A_778 = tpu.vector_load %arg8[%get3A_776, %get3A_777] {strides = array<i32>} : memref<256x64xf32, #tpu.memory_space<vmem>>, vector<16xf32>,
        %mul3A_779 = arith.constant 64 : i32
        %mul3A_780 = arith.muli %shift_right_logical3A_724, %mul3A_779 : i32
        %add3A_781 = arith.constant 48 : i32
        %add3A_782 = arith.addi %mul3A_780, %add3A_781 : i32
        %add3A_783 = vector.broadcast %add3A_782 : i32 to vector<16xi32>
        %add3A_784 = arith.addi %add3A_783, %iota3A : vector<16xi32>
        %mul3A_785 = arith.constant 8.000000e+00 : f32
        %mul3A_786 = vector.broadcast %mul3A_785 : f32 to vector<16xf32>
        %mul3A_787 = arith.mulf %get3A_778, %mul3A_786 : vector<16xf32>
        %swap3A_788 = arith.constant 3 : i32
        %swap3A_789 = arith.index_cast %swap3A_788 : i32 to index
        %swap3A_790 = arith.constant 0 : index
        %swap3A_791 = tpu.vector_load %arg10[%swap3A_789, %swap3A_790] {strides = array<i32>} : memref<128x129xf32, #tpu.memory_space<vmem>>, vector<16xf32>,
        tpu.vector_store %arg10[%swap3A_789, %swap3A_790], %mul3A_787 {strides = array<i32>} : memref<128x129xf32, #tpu.memory_space<vmem>>, vector<16xf32>,
      }
      %scan3A_138 = arith.constant 256 : i32
      %mul3A_139 = arith.constant 2 : i32
      %mul3A_140 = arith.muli %add3A_123, %mul3A_139 : i32
      %mul3A_141 = arith.constant 64 : i32
      %mul3A_142 = arith.muli %mul3A_140, %mul3A_141 : i32
      %dma_start3A_143 = arith.constant 0 : i32
      %dma_start3A_144 = arith.constant 0 : i32
      %dma_start3A_145 = tpu.memref_slice %arg10[%dma_start3A_143, %dma_start3A_144] : memref<128x129xf32, #tpu.memory_space<vmem>> -> memref<1x128xf32, #tpu.memory_space<vmem>>
      %dma_start3A_146 = tpu.memref_slice %arg4[%mul3A_142, %mul3A_4] : memref<12800x4096xf32, #tpu.memory_space<hbm>> -> memref<1x128xf32, #tpu.memory_space<hbm>>
      %dma_start3A_147 = tpu.memref_slice %arg4[%mul3A_142, %mul3A_4] : memref<12800x4096xf32, #tpu.memory_space<hbm>> -> memref<1x128xf32, #tpu.memory_space<hbm>>
      %dma_start3A_148 = arith.constant 0 : i32
      %dma_start3A_149 = arith.constant 0 : i32
      %dma_start3A_150 = tpu.memref_slice %arg10[%dma_start3A_148, %dma_start3A_149] : memref<128x129xf32, #tpu.memory_space<vmem>> -> memref<1x128xf32, #tpu.memory_space<vmem>>
      tpu.enqueue_dma source(%dma_start3A_150 : memref<1x128xf32, #tpu.memory_space<vmem>>) target(%dma_start3A_147 : memref<1x128xf32, #tpu.memory_space<hbm>>) target_semaphore(%arg16 : memref<!tpu.dma_semaphore, #tpu.memory_space<semaphore_mem>>)
      %add3A_151 = arith.constant 4 : i32
      %add3A_152 = arith.addi %add3A_123, %add3A_151 : i32
      %sub3A_153 = arith.constant 1 : i32
      %sub3A_154 = arith.subi %add3A_152, %sub3A_153 : i32
      %lt3A_155 = arith.constant 100 : i32
      %lt3A_156 = arith.cmpi slt, %sub3A_154, %lt3A_155 : i32
      %convert_element_type3A_157 = arith.extui %lt3A_156 : i1 to i32
      %cond3A_158 = arith.constant 0 : i32
      %cond3A_159 = arith.cmpi ne, %convert_element_type3A_157, %cond3A_158 : i32
      scf.if %cond3A_159 {
        %add3A_198 = arith.constant 4 : i32
        %add3A_199 = arith.addi %add3A_123, %add3A_198 : i32
        %sub3A_200 = arith.constant 1 : i32
        %sub3A_201 = arith.subi %add3A_199, %sub3A_200 : i32
        %mul3A_202 = arith.constant 256 : i32
        %mul3A_203 = arith.muli %sub3A_201, %mul3A_202 : i32
        %dma_start3A_204 = tpu.memref_slice %arg5[%mul3A_203] : memref<25600xi32, #tpu.memory_space<vmem>> -> memref<256xi32, #tpu.memory_space<vmem>>
        %dma_start3A_205 = arith.constant 0 : i32
        %dma_start3A_206 = arith.constant 0 : i32
        %dma_start3A_207 = tpu.memref_slice %arg3[%dma_start3A_205, %dma_start3A_206] : memref<1000000x64xf32, #tpu.memory_space<hbm>> -> memref<1000000x64xf32, #tpu.memory_space<hbm>>
        tpu.enqueue_indirect_dma source(%dma_start3A_207 : memref<1000000x64xf32, #tpu.memory_space<hbm>>) target(%arg7 : memref<256x64xf32, #tpu.memory_space<vmem>>) offsets(%dma_start3A_204 : memref<256xi32, #tpu.memory_space<vmem>>) semaphore(%arg13 : memref<!tpu.dma_semaphore, #tpu.memory_space<semaphore_mem>>)
      } else {
      }
      %add3A_160 = arith.constant 3 : i32
      %add3A_161 = arith.addi %add3A_50, %add3A_160 : i32
      %dma_wait3A_162 = arith.constant 0 : i32
      %dma_wait3A_163 = tpu.memref_slice %arg5[%dma_wait3A_162] : memref<25600xi32, #tpu.memory_space<vmem>> -> memref<256xi32, #tpu.memory_space<vmem>>
      %dma_wait3A_164 = arith.constant 0 : i32
      %dma_wait3A_165 = arith.constant 0 : i32
      %dma_wait3A_166 = tpu.memref_slice %arg3[%dma_wait3A_164, %dma_wait3A_165] : memref<1000000x64xf32, #tpu.memory_space<hbm>> -> memref<1000000x64xf32, #tpu.memory_space<hbm>>
      tpu.wait_indirect_dma semaphore(%arg15 : memref<!tpu.dma_semaphore, #tpu.memory_space<semaphore_mem>>) src(%dma_wait3A_166 : memref<1000000x64xf32, #tpu.memory_space<hbm>>) dst(%arg9 : memref<256x64xf32, #tpu.memory_space<vmem>>)
      %ge3A_167 = arith.constant 2 : i32
      %ge3A_168 = arith.cmpi sge, %add3A_161, %ge3A_167 : i32
      %convert_element_type3A_169 = arith.extui %ge3A_168 : i1 to i32
      %cond3A_170 = arith.constant 0 : i32
      %cond3A_171 = arith.cmpi ne, %convert_element_type3A_169, %cond3A_170 : i32
      scf.if %cond3A_171 {
        %dma_wait3A_198 = arith.constant 0 : i32
        %dma_wait3A_199 = arith.constant 0 : i32
        %dma_wait3A_200 = tpu.memref_slice %arg11[%dma_wait3A_198, %dma_wait3A_199] : memref<128x129xf32, #tpu.memory_space<vmem>> -> memref<1x128xf32, #tpu.memory_space<vmem>>
        %dma_wait3A_201 = arith.constant 0 : i32
        %dma_wait3A_202 = arith.constant 0 : i32
        %dma_wait3A_203 = tpu.memref_slice %arg4[%dma_wait3A_201, %dma_wait3A_202] : memref<12800x4096xf32, #tpu.memory_space<hbm>> -> memref<1x128xf32, #tpu.memory_space<hbm>>
        %dma_wait3A_204 = arith.constant 0 : i32
        %dma_wait3A_205 = arith.constant 0 : i32
        %dma_wait3A_206 = tpu.memref_slice %arg4[%dma_wait3A_204, %dma_wait3A_205] : memref<12800x4096xf32, #tpu.memory_space<hbm>> -> memref<1x128xf32, #tpu.memory_space<hbm>>
        %dma_wait3A_207 = arith.constant 0 : i32
        %dma_wait3A_208 = arith.constant 0 : i32
        %dma_wait3A_209 = tpu.memref_slice %arg11[%dma_wait3A_207, %dma_wait3A_208] : memref<128x129xf32, #tpu.memory_space<vmem>> -> memref<1x128xf32, #tpu.memory_space<vmem>>
        tpu.wait_dma2 semaphore(%arg17 : memref<!tpu.dma_semaphore, #tpu.memory_space<semaphore_mem>>) src(%dma_wait3A_209 : memref<1x128xf32, #tpu.memory_space<vmem>>) dst(%dma_wait3A_206 : memref<1x128xf32, #tpu.memory_space<hbm>>)
      } else {
      }
      %scan3A_172 = arith.constant 0 : i32
      %scan3A_173 = arith.constant 256 : i32
      %scan3A_174 = arith.addi %scan3A_172, %scan3A_173 : i32
      %scan3A_175 = arith.constant 8 : i32
      scf.for %scan3A_198 = %scan3A_172 to %scan3A_174 step %scan3A_175  : i32 {
        %mul3A_199 = arith.constant 1 : i32
        %mul3A_200 = arith.muli %scan3A_198, %mul3A_199 : i32
        %add3A_201 = arith.constant 0 : i32
        %add3A_202 = arith.addi %add3A_201, %mul3A_200 : i32
        %shift_right_logical3A = arith.constant 7 : i32
        %shift_right_logical3A_203 = arith.shrui %add3A_202, %shift_right_logical3A : i32
        %and3A = arith.constant 127 : i32
        %and3A_204 = arith.andi %add3A_202, %and3A : i32
        %broadcast_in_dim3A = vector.broadcast %and3A_204 : i32 to vector<16xi32>
        %get3A = arith.index_cast %add3A_202 : i32 to index
        %get3A_205 = arith.constant 0 : index
        %get3A_206 = tpu.vector_load %arg9[%get3A, %get3A_205] {strides = array<i32>} : memref<256x64xf32, #tpu.memory_space<vmem>>, vector<16xf32>,
        %mul3A_207 = arith.constant 64 : i32
        %mul3A_208 = arith.muli %shift_right_logical3A_203, %mul3A_207 : i32
        %add3A_209 = arith.constant 0 : i32
        %add3A_210 = arith.addi %mul3A_208, %add3A_209 : i32
        %add3A_211 = vector.broadcast %add3A_210 : i32 to vector<16xi32>
        %add3A_212 = arith.addi %add3A_211, %iota3A : vector<16xi32>
        %mul3A_213 = arith.constant 8.000000e+00 : f32
        %mul3A_214 = vector.broadcast %mul3A_213 : f32 to vector<16xf32>
        %mul3A_215 = arith.mulf %get3A_206, %mul3A_214 : vector<16xf32>
        %swap3A = arith.constant 0 : i32
        %swap3A_216 = arith.index_cast %swap3A : i32 to index
        %swap3A_217 = arith.constant 0 : index
        %swap3A_218 = tpu.vector_load %arg11[%swap3A_216, %swap3A_217] {strides = array<i32>} : memref<128x129xf32, #tpu.memory_space<vmem>>, vector<16xf32>,
        tpu.vector_store %arg11[%swap3A_216, %swap3A_217], %mul3A_215 {strides = array<i32>} : memref<128x129xf32, #tpu.memory_space<vmem>>, vector<16xf32>,
        %get3A_219 = arith.index_cast %add3A_202 : i32 to index
        %get3A_220 = arith.constant 16 : index
        %get3A_221 = tpu.vector_load %arg9[%get3A_219, %get3A_220] {strides = array<i32>} : memref<256x64xf32, #tpu.memory_space<vmem>>, vector<16xf32>,
        %mul3A_222 = arith.constant 64 : i32
        %mul3A_223 = arith.muli %shift_right_logical3A_203, %mul3A_222 : i32
        %add3A_224 = arith.constant 16 : i32
        %add3A_225 = arith.addi %mul3A_223, %add3A_224 : i32
        %add3A_226 = vector.broadcast %add3A_225 : i32 to vector<16xi32>
        %add3A_227 = arith.addi %add3A_226, %iota3A : vector<16xi32>
        %mul3A_228 = arith.constant 8.000000e+00 : f32
        %mul3A_229 = vector.broadcast %mul3A_228 : f32 to vector<16xf32>
        %mul3A_230 = arith.mulf %get3A_221, %mul3A_229 : vector<16xf32>
        %swap3A_231 = arith.constant 1 : i32
        %swap3A_232 = arith.index_cast %swap3A_231 : i32 to index
        %swap3A_233 = arith.constant 0 : index
        %swap3A_234 = tpu.vector_load %arg11[%swap3A_232, %swap3A_233] {strides = array<i32>} : memref<128x129xf32, #tpu.memory_space<vmem>>, vector<16xf32>,
        tpu.vector_store %arg11[%swap3A_232, %swap3A_233], %mul3A_230 {strides = array<i32>} : memref<128x129xf32, #tpu.memory_space<vmem>>, vector<16xf32>,
        %get3A_235 = arith.index_cast %add3A_202 : i32 to index
        %get3A_236 = arith.constant 32 : index
        %get3A_237 = tpu.vector_load %arg9[%get3A_235, %get3A_236] {strides = array<i32>} : memref<256x64xf32, #tpu.memory_space<vmem>>, vector<16xf32>,
        %mul3A_238 = arith.constant 64 : i32
        %mul3A_239 = arith.muli %shift_right_logical3A_203, %mul3A_238 : i32
        %add3A_240 = arith.constant 32 : i32
        %add3A_241 = arith.addi %mul3A_239, %add3A_240 : i32
        %add3A_242 = vector.broadcast %add3A_241 : i32 to vector<16xi32>
        %add3A_243 = arith.addi %add3A_242, %iota3A : vector<16xi32>
        %mul3A_244 = arith.constant 8.000000e+00 : f32
        %mul3A_245 = vector.broadcast %mul3A_244 : f32 to vector<16xf32>
        %mul3A_246 = arith.mulf %get3A_237, %mul3A_245 : vector<16xf32>
        %swap3A_247 = arith.constant 2 : i32
        %swap3A_248 = arith.index_cast %swap3A_247 : i32 to index
        %swap3A_249 = arith.constant 0 : index
        %swap3A_250 = tpu.vector_load %arg11[%swap3A_248, %swap3A_249] {strides = array<i32>} : memref<128x129xf32, #tpu.memory_space<vmem>>, vector<16xf32>,
        tpu.vector_store %arg11[%swap3A_248, %swap3A_249], %mul3A_246 {strides = array<i32>} : memref<128x129xf32, #tpu.memory_space<vmem>>, vector<16xf32>,
        %get3A_251 = arith.index_cast %add3A_202 : i32 to index
        %get3A_252 = arith.constant 48 : index
        %get3A_253 = tpu.vector_load %arg9[%get3A_251, %get3A_252] {strides = array<i32>} : memref<256x64xf32, #tpu.memory_space<vmem>>, vector<16xf32>,
        %mul3A_254 = arith.constant 64 : i32
        %mul3A_255 = arith.muli %shift_right_logical3A_203, %mul3A_254 : i32
        %add3A_256 = arith.constant 48 : i32
        %add3A_257 = arith.addi %mul3A_255, %add3A_256 : i32
        %add3A_258 = vector.broadcast %add3A_257 : i32 to vector<16xi32>
        %add3A_259 = arith.addi %add3A_258, %iota3A : vector<16xi32>
        %mul3A_260 = arith.constant 8.000000e+00 : f32
        %mul3A_261 = vector.broadcast %mul3A_260 : f32 to vector<16xf32>
        %mul3A_262 = arith.mulf %get3A_253, %mul3A_261 : vector<16xf32>
        %swap3A_263 = arith.constant 3 : i32
        %swap3A_264 = arith.index_cast %swap3A_263 : i32 to index
        %swap3A_265 = arith.constant 0 : index
        %swap3A_266 = tpu.vector_load %arg11[%swap3A_264, %swap3A_265] {strides = array<i32>} : memref<128x129xf32, #tpu.memory_space<vmem>>, vector<16xf32>,
        tpu.vector_store %arg11[%swap3A_264, %swap3A_265], %mul3A_262 {strides = array<i32>} : memref<128x129xf32, #tpu.memory_space<vmem>>, vector<16xf32>,
        %scan3A_267 = arith.constant 1 : i32
        %scan3A_268 = arith.addi %scan3A_198, %scan3A_267 : i32
        %mul3A_269 = arith.constant 1 : i32
        %mul3A_270 = arith.muli %scan3A_268, %mul3A_269 : i32
        %add3A_271 = arith.constant 0 : i32
        %add3A_272 = arith.addi %add3A_271, %mul3A_270 : i32
        %shift_right_logical3A_273 = arith.constant 7 : i32
        %shift_right_logical3A_274 = arith.shrui %add3A_272, %shift_right_logical3A_273 : i32
        %and3A_275 = arith.constant 127 : i32
        %and3A_276 = arith.andi %add3A_272, %and3A_275 : i32
        %broadcast_in_dim3A_277 = vector.broadcast %and3A_276 : i32 to vector<16xi32>
        %get3A_278 = arith.index_cast %add3A_272 : i32 to index
        %get3A_279 = arith.constant 0 : index
        %get3A_280 = tpu.vector_load %arg9[%get3A_278, %get3A_279] {strides = array<i32>} : memref<256x64xf32, #tpu.memory_space<vmem>>, vector<16xf32>,
        %mul3A_281 = arith.constant 64 : i32
        %mul3A_282 = arith.muli %shift_right_logical3A_274, %mul3A_281 : i32
        %add3A_283 = arith.constant 0 : i32
        %add3A_284 = arith.addi %mul3A_282, %add3A_283 : i32
        %add3A_285 = vector.broadcast %add3A_284 : i32 to vector<16xi32>
        %add3A_286 = arith.addi %add3A_285, %iota3A : vector<16xi32>
        %mul3A_287 = arith.constant 8.000000e+00 : f32
        %mul3A_288 = vector.broadcast %mul3A_287 : f32 to vector<16xf32>
        %mul3A_289 = arith.mulf %get3A_280, %mul3A_288 : vector<16xf32>
        %swap3A_290 = arith.constant 0 : i32
        %swap3A_291 = arith.index_cast %swap3A_290 : i32 to index
        %swap3A_292 = arith.constant 0 : index
        %swap3A_293 = tpu.vector_load %arg11[%swap3A_291, %swap3A_292] {strides = array<i32>} : memref<128x129xf32, #tpu.memory_space<vmem>>, vector<16xf32>,
        tpu.vector_store %arg11[%swap3A_291, %swap3A_292], %mul3A_289 {strides = array<i32>} : memref<128x129xf32, #tpu.memory_space<vmem>>, vector<16xf32>,
        %get3A_294 = arith.index_cast %add3A_272 : i32 to index
        %get3A_295 = arith.constant 16 : index
        %get3A_296 = tpu.vector_load %arg9[%get3A_294, %get3A_295] {strides = array<i32>} : memref<256x64xf32, #tpu.memory_space<vmem>>, vector<16xf32>,
        %mul3A_297 = arith.constant 64 : i32
        %mul3A_298 = arith.muli %shift_right_logical3A_274, %mul3A_297 : i32
        %add3A_299 = arith.constant 16 : i32
        %add3A_300 = arith.addi %mul3A_298, %add3A_299 : i32
        %add3A_301 = vector.broadcast %add3A_300 : i32 to vector<16xi32>
        %add3A_302 = arith.addi %add3A_301, %iota3A : vector<16xi32>
        %mul3A_303 = arith.constant 8.000000e+00 : f32
        %mul3A_304 = vector.broadcast %mul3A_303 : f32 to vector<16xf32>
        %mul3A_305 = arith.mulf %get3A_296, %mul3A_304 : vector<16xf32>
        %swap3A_306 = arith.constant 1 : i32
        %swap3A_307 = arith.index_cast %swap3A_306 : i32 to index
        %swap3A_308 = arith.constant 0 : index
        %swap3A_309 = tpu.vector_load %arg11[%swap3A_307, %swap3A_308] {strides = array<i32>} : memref<128x129xf32, #tpu.memory_space<vmem>>, vector<16xf32>,
        tpu.vector_store %arg11[%swap3A_307, %swap3A_308], %mul3A_305 {strides = array<i32>} : memref<128x129xf32, #tpu.memory_space<vmem>>, vector<16xf32>,
        %get3A_310 = arith.index_cast %add3A_272 : i32 to index
        %get3A_311 = arith.constant 32 : index
        %get3A_312 = tpu.vector_load %arg9[%get3A_310, %get3A_311] {strides = array<i32>} : memref<256x64xf32, #tpu.memory_space<vmem>>, vector<16xf32>,
        %mul3A_313 = arith.constant 64 : i32
        %mul3A_314 = arith.muli %shift_right_logical3A_274, %mul3A_313 : i32
        %add3A_315 = arith.constant 32 : i32
        %add3A_316 = arith.addi %mul3A_314, %add3A_315 : i32
        %add3A_317 = vector.broadcast %add3A_316 : i32 to vector<16xi32>
        %add3A_318 = arith.addi %add3A_317, %iota3A : vector<16xi32>
        %mul3A_319 = arith.constant 8.000000e+00 : f32
        %mul3A_320 = vector.broadcast %mul3A_319 : f32 to vector<16xf32>
        %mul3A_321 = arith.mulf %get3A_312, %mul3A_320 : vector<16xf32>
        %swap3A_322 = arith.constant 2 : i32
        %swap3A_323 = arith.index_cast %swap3A_322 : i32 to index
        %swap3A_324 = arith.constant 0 : index
        %swap3A_325 = tpu.vector_load %arg11[%swap3A_323, %swap3A_324] {strides = array<i32>} : memref<128x129xf32, #tpu.memory_space<vmem>>, vector<16xf32>,
        tpu.vector_store %arg11[%swap3A_323, %swap3A_324], %mul3A_321 {strides = array<i32>} : memref<128x129xf32, #tpu.memory_space<vmem>>, vector<16xf32>,
        %get3A_326 = arith.index_cast %add3A_272 : i32 to index
        %get3A_327 = arith.constant 48 : index
        %get3A_328 = tpu.vector_load %arg9[%get3A_326, %get3A_327] {strides = array<i32>} : memref<256x64xf32, #tpu.memory_space<vmem>>, vector<16xf32>,
        %mul3A_329 = arith.constant 64 : i32
        %mul3A_330 = arith.muli %shift_right_logical3A_274, %mul3A_329 : i32
        %add3A_331 = arith.constant 48 : i32
        %add3A_332 = arith.addi %mul3A_330, %add3A_331 : i32
        %add3A_333 = vector.broadcast %add3A_332 : i32 to vector<16xi32>
        %add3A_334 = arith.addi %add3A_333, %iota3A : vector<16xi32>
        %mul3A_335 = arith.constant 8.000000e+00 : f32
        %mul3A_336 = vector.broadcast %mul3A_335 : f32 to vector<16xf32>
        %mul3A_337 = arith.mulf %get3A_328, %mul3A_336 : vector<16xf32>
        %swap3A_338 = arith.constant 3 : i32
        %swap3A_339 = arith.index_cast %swap3A_338 : i32 to index
        %swap3A_340 = arith.constant 0 : index
        %swap3A_341 = tpu.vector_load %arg11[%swap3A_339, %swap3A_340] {strides = array<i32>} : memref<128x129xf32, #tpu.memory_space<vmem>>, vector<16xf32>,
        tpu.vector_store %arg11[%swap3A_339, %swap3A_340], %mul3A_337 {strides = array<i32>} : memref<128x129xf32, #tpu.memory_space<vmem>>, vector<16xf32>,
        %scan3A_342 = arith.constant 2 : i32
        %scan3A_343 = arith.addi %scan3A_198, %scan3A_342 : i32
        %mul3A_344 = arith.constant 1 : i32
        %mul3A_345 = arith.muli %scan3A_343, %mul3A_344 : i32
        %add3A_346 = arith.constant 0 : i32
        %add3A_347 = arith.addi %add3A_346, %mul3A_345 : i32
        %shift_right_logical3A_348 = arith.constant 7 : i32
        %shift_right_logical3A_349 = arith.shrui %add3A_347, %shift_right_logical3A_348 : i32
        %and3A_350 = arith.constant 127 : i32
        %and3A_351 = arith.andi %add3A_347, %and3A_350 : i32
        %broadcast_in_dim3A_352 = vector.broadcast %and3A_351 : i32 to vector<16xi32>
        %get3A_353 = arith.index_cast %add3A_347 : i32 to index
        %get3A_354 = arith.constant 0 : index
        %get3A_355 = tpu.vector_load %arg9[%get3A_353, %get3A_354] {strides = array<i32>} : memref<256x64xf32, #tpu.memory_space<vmem>>, vector<16xf32>,
        %mul3A_356 = arith.constant 64 : i32
        %mul3A_357 = arith.muli %shift_right_logical3A_349, %mul3A_356 : i32
        %add3A_358 = arith.constant 0 : i32
        %add3A_359 = arith.addi %mul3A_357, %add3A_358 : i32
        %add3A_360 = vector.broadcast %add3A_359 : i32 to vector<16xi32>
        %add3A_361 = arith.addi %add3A_360, %iota3A : vector<16xi32>
        %mul3A_362 = arith.constant 8.000000e+00 : f32
        %mul3A_363 = vector.broadcast %mul3A_362 : f32 to vector<16xf32>
        %mul3A_364 = arith.mulf %get3A_355, %mul3A_363 : vector<16xf32>
        %swap3A_365 = arith.constant 0 : i32
        %swap3A_366 = arith.index_cast %swap3A_365 : i32 to index
        %swap3A_367 = arith.constant 0 : index
        %swap3A_368 = tpu.vector_load %arg11[%swap3A_366, %swap3A_367] {strides = array<i32>} : memref<128x129xf32, #tpu.memory_space<vmem>>, vector<16xf32>,
        tpu.vector_store %arg11[%swap3A_366, %swap3A_367], %mul3A_364 {strides = array<i32>} : memref<128x129xf32, #tpu.memory_space<vmem>>, vector<16xf32>,
        %get3A_369 = arith.index_cast %add3A_347 : i32 to index
        %get3A_370 = arith.constant 16 : index
        %get3A_371 = tpu.vector_load %arg9[%get3A_369, %get3A_370] {strides = array<i32>} : memref<256x64xf32, #tpu.memory_space<vmem>>, vector<16xf32>,
        %mul3A_372 = arith.constant 64 : i32
        %mul3A_373 = arith.muli %shift_right_logical3A_349, %mul3A_372 : i32
        %add3A_374 = arith.constant 16 : i32
        %add3A_375 = arith.addi %mul3A_373, %add3A_374 : i32
        %add3A_376 = vector.broadcast %add3A_375 : i32 to vector<16xi32>
        %add3A_377 = arith.addi %add3A_376, %iota3A : vector<16xi32>
        %mul3A_378 = arith.constant 8.000000e+00 : f32
        %mul3A_379 = vector.broadcast %mul3A_378 : f32 to vector<16xf32>
        %mul3A_380 = arith.mulf %get3A_371, %mul3A_379 : vector<16xf32>
        %swap3A_381 = arith.constant 1 : i32
        %swap3A_382 = arith.index_cast %swap3A_381 : i32 to index
        %swap3A_383 = arith.constant 0 : index
        %swap3A_384 = tpu.vector_load %arg11[%swap3A_382, %swap3A_383] {strides = array<i32>} : memref<128x129xf32, #tpu.memory_space<vmem>>, vector<16xf32>,
        tpu.vector_store %arg11[%swap3A_382, %swap3A_383], %mul3A_380 {strides = array<i32>} : memref<128x129xf32, #tpu.memory_space<vmem>>, vector<16xf32>,
        %get3A_385 = arith.index_cast %add3A_347 : i32 to index
        %get3A_386 = arith.constant 32 : index
        %get3A_387 = tpu.vector_load %arg9[%get3A_385, %get3A_386] {strides = array<i32>} : memref<256x64xf32, #tpu.memory_space<vmem>>, vector<16xf32>,
        %mul3A_388 = arith.constant 64 : i32
        %mul3A_389 = arith.muli %shift_right_logical3A_349, %mul3A_388 : i32
        %add3A_390 = arith.constant 32 : i32
        %add3A_391 = arith.addi %mul3A_389, %add3A_390 : i32
        %add3A_392 = vector.broadcast %add3A_391 : i32 to vector<16xi32>
        %add3A_393 = arith.addi %add3A_392, %iota3A : vector<16xi32>
        %mul3A_394 = arith.constant 8.000000e+00 : f32
        %mul3A_395 = vector.broadcast %mul3A_394 : f32 to vector<16xf32>
        %mul3A_396 = arith.mulf %get3A_387, %mul3A_395 : vector<16xf32>
        %swap3A_397 = arith.constant 2 : i32
        %swap3A_398 = arith.index_cast %swap3A_397 : i32 to index
        %swap3A_399 = arith.constant 0 : index
        %swap3A_400 = tpu.vector_load %arg11[%swap3A_398, %swap3A_399] {strides = array<i32>} : memref<128x129xf32, #tpu.memory_space<vmem>>, vector<16xf32>,
        tpu.vector_store %arg11[%swap3A_398, %swap3A_399], %mul3A_396 {strides = array<i32>} : memref<128x129xf32, #tpu.memory_space<vmem>>, vector<16xf32>,
        %get3A_401 = arith.index_cast %add3A_347 : i32 to index
        %get3A_402 = arith.constant 48 : index
        %get3A_403 = tpu.vector_load %arg9[%get3A_401, %get3A_402] {strides = array<i32>} : memref<256x64xf32, #tpu.memory_space<vmem>>, vector<16xf32>,
        %mul3A_404 = arith.constant 64 : i32
        %mul3A_405 = arith.muli %shift_right_logical3A_349, %mul3A_404 : i32
        %add3A_406 = arith.constant 48 : i32
        %add3A_407 = arith.addi %mul3A_405, %add3A_406 : i32
        %add3A_408 = vector.broadcast %add3A_407 : i32 to vector<16xi32>
        %add3A_409 = arith.addi %add3A_408, %iota3A : vector<16xi32>
        %mul3A_410 = arith.constant 8.000000e+00 : f32
        %mul3A_411 = vector.broadcast %mul3A_410 : f32 to vector<16xf32>
        %mul3A_412 = arith.mulf %get3A_403, %mul3A_411 : vector<16xf32>
        %swap3A_413 = arith.constant 3 : i32
        %swap3A_414 = arith.index_cast %swap3A_413 : i32 to index
        %swap3A_415 = arith.constant 0 : index
        %swap3A_416 = tpu.vector_load %arg11[%swap3A_414, %swap3A_415] {strides = array<i32>} : memref<128x129xf32, #tpu.memory_space<vmem>>, vector<16xf32>,
        tpu.vector_store %arg11[%swap3A_414, %swap3A_415], %mul3A_412 {strides = array<i32>} : memref<128x129xf32, #tpu.memory_space<vmem>>, vector<16xf32>,
        %scan3A_417 = arith.constant 3 : i32
        %scan3A_418 = arith.addi %scan3A_198, %scan3A_417 : i32
        %mul3A_419 = arith.constant 1 : i32
        %mul3A_420 = arith.muli %scan3A_418, %mul3A_419 : i32
        %add3A_421 = arith.constant 0 : i32
        %add3A_422 = arith.addi %add3A_421, %mul3A_420 : i32
        %shift_right_logical3A_423 = arith.constant 7 : i32
        %shift_right_logical3A_424 = arith.shrui %add3A_422, %shift_right_logical3A_423 : i32
        %and3A_425 = arith.constant 127 : i32
        %and3A_426 = arith.andi %add3A_422, %and3A_425 : i32
        %broadcast_in_dim3A_427 = vector.broadcast %and3A_426 : i32 to vector<16xi32>
        %get3A_428 = arith.index_cast %add3A_422 : i32 to index
        %get3A_429 = arith.constant 0 : index
        %get3A_430 = tpu.vector_load %arg9[%get3A_428, %get3A_429] {strides = array<i32>} : memref<256x64xf32, #tpu.memory_space<vmem>>, vector<16xf32>,
        %mul3A_431 = arith.constant 64 : i32
        %mul3A_432 = arith.muli %shift_right_logical3A_424, %mul3A_431 : i32
        %add3A_433 = arith.constant 0 : i32
        %add3A_434 = arith.addi %mul3A_432, %add3A_433 : i32
        %add3A_435 = vector.broadcast %add3A_434 : i32 to vector<16xi32>
        %add3A_436 = arith.addi %add3A_435, %iota3A : vector<16xi32>
        %mul3A_437 = arith.constant 8.000000e+00 : f32
        %mul3A_438 = vector.broadcast %mul3A_437 : f32 to vector<16xf32>
        %mul3A_439 = arith.mulf %get3A_430, %mul3A_438 : vector<16xf32>
        %swap3A_440 = arith.constant 0 : i32
        %swap3A_441 = arith.index_cast %swap3A_440 : i32 to index
        %swap3A_442 = arith.constant 0 : index
        %swap3A_443 = tpu.vector_load %arg11[%swap3A_441, %swap3A_442] {strides = array<i32>} : memref<128x129xf32, #tpu.memory_space<vmem>>, vector<16xf32>,
        tpu.vector_store %arg11[%swap3A_441, %swap3A_442], %mul3A_439 {strides = array<i32>} : memref<128x129xf32, #tpu.memory_space<vmem>>, vector<16xf32>,
        %get3A_444 = arith.index_cast %add3A_422 : i32 to index
        %get3A_445 = arith.constant 16 : index
        %get3A_446 = tpu.vector_load %arg9[%get3A_444, %get3A_445] {strides = array<i32>} : memref<256x64xf32, #tpu.memory_space<vmem>>, vector<16xf32>,
        %mul3A_447 = arith.constant 64 : i32
        %mul3A_448 = arith.muli %shift_right_logical3A_424, %mul3A_447 : i32
        %add3A_449 = arith.constant 16 : i32
        %add3A_450 = arith.addi %mul3A_448, %add3A_449 : i32
        %add3A_451 = vector.broadcast %add3A_450 : i32 to vector<16xi32>
        %add3A_452 = arith.addi %add3A_451, %iota3A : vector<16xi32>
        %mul3A_453 = arith.constant 8.000000e+00 : f32
        %mul3A_454 = vector.broadcast %mul3A_453 : f32 to vector<16xf32>
        %mul3A_455 = arith.mulf %get3A_446, %mul3A_454 : vector<16xf32>
        %swap3A_456 = arith.constant 1 : i32
        %swap3A_457 = arith.index_cast %swap3A_456 : i32 to index
        %swap3A_458 = arith.constant 0 : index
        %swap3A_459 = tpu.vector_load %arg11[%swap3A_457, %swap3A_458] {strides = array<i32>} : memref<128x129xf32, #tpu.memory_space<vmem>>, vector<16xf32>,
        tpu.vector_store %arg11[%swap3A_457, %swap3A_458], %mul3A_455 {strides = array<i32>} : memref<128x129xf32, #tpu.memory_space<vmem>>, vector<16xf32>,
        %get3A_460 = arith.index_cast %add3A_422 : i32 to index
        %get3A_461 = arith.constant 32 : index
        %get3A_462 = tpu.vector_load %arg9[%get3A_460, %get3A_461] {strides = array<i32>} : memref<256x64xf32, #tpu.memory_space<vmem>>, vector<16xf32>,
        %mul3A_463 = arith.constant 64 : i32
        %mul3A_464 = arith.muli %shift_right_logical3A_424, %mul3A_463 : i32
        %add3A_465 = arith.constant 32 : i32
        %add3A_466 = arith.addi %mul3A_464, %add3A_465 : i32
        %add3A_467 = vector.broadcast %add3A_466 : i32 to vector<16xi32>
        %add3A_468 = arith.addi %add3A_467, %iota3A : vector<16xi32>
        %mul3A_469 = arith.constant 8.000000e+00 : f32
        %mul3A_470 = vector.broadcast %mul3A_469 : f32 to vector<16xf32>
        %mul3A_471 = arith.mulf %get3A_462, %mul3A_470 : vector<16xf32>
        %swap3A_472 = arith.constant 2 : i32
        %swap3A_473 = arith.index_cast %swap3A_472 : i32 to index
        %swap3A_474 = arith.constant 0 : index
        %swap3A_475 = tpu.vector_load %arg11[%swap3A_473, %swap3A_474] {strides = array<i32>} : memref<128x129xf32, #tpu.memory_space<vmem>>, vector<16xf32>,
        tpu.vector_store %arg11[%swap3A_473, %swap3A_474], %mul3A_471 {strides = array<i32>} : memref<128x129xf32, #tpu.memory_space<vmem>>, vector<16xf32>,
        %get3A_476 = arith.index_cast %add3A_422 : i32 to index
        %get3A_477 = arith.constant 48 : index
        %get3A_478 = tpu.vector_load %arg9[%get3A_476, %get3A_477] {strides = array<i32>} : memref<256x64xf32, #tpu.memory_space<vmem>>, vector<16xf32>,
        %mul3A_479 = arith.constant 64 : i32
        %mul3A_480 = arith.muli %shift_right_logical3A_424, %mul3A_479 : i32
        %add3A_481 = arith.constant 48 : i32
        %add3A_482 = arith.addi %mul3A_480, %add3A_481 : i32
        %add3A_483 = vector.broadcast %add3A_482 : i32 to vector<16xi32>
        %add3A_484 = arith.addi %add3A_483, %iota3A : vector<16xi32>
        %mul3A_485 = arith.constant 8.000000e+00 : f32
        %mul3A_486 = vector.broadcast %mul3A_485 : f32 to vector<16xf32>
        %mul3A_487 = arith.mulf %get3A_478, %mul3A_486 : vector<16xf32>
        %swap3A_488 = arith.constant 3 : i32
        %swap3A_489 = arith.index_cast %swap3A_488 : i32 to index
        %swap3A_490 = arith.constant 0 : index
        %swap3A_491 = tpu.vector_load %arg11[%swap3A_489, %swap3A_490] {strides = array<i32>} : memref<128x129xf32, #tpu.memory_space<vmem>>, vector<16xf32>,
        tpu.vector_store %arg11[%swap3A_489, %swap3A_490], %mul3A_487 {strides = array<i32>} : memref<128x129xf32, #tpu.memory_space<vmem>>, vector<16xf32>,
        %scan3A_492 = arith.constant 4 : i32
        %scan3A_493 = arith.addi %scan3A_198, %scan3A_492 : i32
        %mul3A_494 = arith.constant 1 : i32
        %mul3A_495 = arith.muli %scan3A_493, %mul3A_494 : i32
        %add3A_496 = arith.constant 0 : i32
        %add3A_497 = arith.addi %add3A_496, %mul3A_495 : i32
        %shift_right_logical3A_498 = arith.constant 7 : i32
        %shift_right_logical3A_499 = arith.shrui %add3A_497, %shift_right_logical3A_498 : i32
        %and3A_500 = arith.constant 127 : i32
        %and3A_501 = arith.andi %add3A_497, %and3A_500 : i32
        %broadcast_in_dim3A_502 = vector.broadcast %and3A_501 : i32 to vector<16xi32>
        %get3A_503 = arith.index_cast %add3A_497 : i32 to index
        %get3A_504 = arith.constant 0 : index
        %get3A_505 = tpu.vector_load %arg9[%get3A_503, %get3A_504] {strides = array<i32>} : memref<256x64xf32, #tpu.memory_space<vmem>>, vector<16xf32>,
        %mul3A_506 = arith.constant 64 : i32
        %mul3A_507 = arith.muli %shift_right_logical3A_499, %mul3A_506 : i32
        %add3A_508 = arith.constant 0 : i32
        %add3A_509 = arith.addi %mul3A_507, %add3A_508 : i32
        %add3A_510 = vector.broadcast %add3A_509 : i32 to vector<16xi32>
        %add3A_511 = arith.addi %add3A_510, %iota3A : vector<16xi32>
        %mul3A_512 = arith.constant 8.000000e+00 : f32
        %mul3A_513 = vector.broadcast %mul3A_512 : f32 to vector<16xf32>
        %mul3A_514 = arith.mulf %get3A_505, %mul3A_513 : vector<16xf32>
        %swap3A_515 = arith.constant 0 : i32
        %swap3A_516 = arith.index_cast %swap3A_515 : i32 to index
        %swap3A_517 = arith.constant 0 : index
        %swap3A_518 = tpu.vector_load %arg11[%swap3A_516, %swap3A_517] {strides = array<i32>} : memref<128x129xf32, #tpu.memory_space<vmem>>, vector<16xf32>,
        tpu.vector_store %arg11[%swap3A_516, %swap3A_517], %mul3A_514 {strides = array<i32>} : memref<128x129xf32, #tpu.memory_space<vmem>>, vector<16xf32>,
        %get3A_519 = arith.index_cast %add3A_497 : i32 to index
        %get3A_520 = arith.constant 16 : index
        %get3A_521 = tpu.vector_load %arg9[%get3A_519, %get3A_520] {strides = array<i32>} : memref<256x64xf32, #tpu.memory_space<vmem>>, vector<16xf32>,
        %mul3A_522 = arith.constant 64 : i32
        %mul3A_523 = arith.muli %shift_right_logical3A_499, %mul3A_522 : i32
        %add3A_524 = arith.constant 16 : i32
        %add3A_525 = arith.addi %mul3A_523, %add3A_524 : i32
        %add3A_526 = vector.broadcast %add3A_525 : i32 to vector<16xi32>
        %add3A_527 = arith.addi %add3A_526, %iota3A : vector<16xi32>
        %mul3A_528 = arith.constant 8.000000e+00 : f32
        %mul3A_529 = vector.broadcast %mul3A_528 : f32 to vector<16xf32>
        %mul3A_530 = arith.mulf %get3A_521, %mul3A_529 : vector<16xf32>
        %swap3A_531 = arith.constant 1 : i32
        %swap3A_532 = arith.index_cast %swap3A_531 : i32 to index
        %swap3A_533 = arith.constant 0 : index
        %swap3A_534 = tpu.vector_load %arg11[%swap3A_532, %swap3A_533] {strides = array<i32>} : memref<128x129xf32, #tpu.memory_space<vmem>>, vector<16xf32>,
        tpu.vector_store %arg11[%swap3A_532, %swap3A_533], %mul3A_530 {strides = array<i32>} : memref<128x129xf32, #tpu.memory_space<vmem>>, vector<16xf32>,
        %get3A_535 = arith.index_cast %add3A_497 : i32 to index
        %get3A_536 = arith.constant 32 : index
        %get3A_537 = tpu.vector_load %arg9[%get3A_535, %get3A_536] {strides = array<i32>} : memref<256x64xf32, #tpu.memory_space<vmem>>, vector<16xf32>,
        %mul3A_538 = arith.constant 64 : i32
        %mul3A_539 = arith.muli %shift_right_logical3A_499, %mul3A_538 : i32
        %add3A_540 = arith.constant 32 : i32
        %add3A_541 = arith.addi %mul3A_539, %add3A_540 : i32
        %add3A_542 = vector.broadcast %add3A_541 : i32 to vector<16xi32>
        %add3A_543 = arith.addi %add3A_542, %iota3A : vector<16xi32>
        %mul3A_544 = arith.constant 8.000000e+00 : f32
        %mul3A_545 = vector.broadcast %mul3A_544 : f32 to vector<16xf32>
        %mul3A_546 = arith.mulf %get3A_537, %mul3A_545 : vector<16xf32>
        %swap3A_547 = arith.constant 2 : i32
        %swap3A_548 = arith.index_cast %swap3A_547 : i32 to index
        %swap3A_549 = arith.constant 0 : index
        %swap3A_550 = tpu.vector_load %arg11[%swap3A_548, %swap3A_549] {strides = array<i32>} : memref<128x129xf32, #tpu.memory_space<vmem>>, vector<16xf32>,
        tpu.vector_store %arg11[%swap3A_548, %swap3A_549], %mul3A_546 {strides = array<i32>} : memref<128x129xf32, #tpu.memory_space<vmem>>, vector<16xf32>,
        %get3A_551 = arith.index_cast %add3A_497 : i32 to index
        %get3A_552 = arith.constant 48 : index
        %get3A_553 = tpu.vector_load %arg9[%get3A_551, %get3A_552] {strides = array<i32>} : memref<256x64xf32, #tpu.memory_space<vmem>>, vector<16xf32>,
        %mul3A_554 = arith.constant 64 : i32
        %mul3A_555 = arith.muli %shift_right_logical3A_499, %mul3A_554 : i32
        %add3A_556 = arith.constant 48 : i32
        %add3A_557 = arith.addi %mul3A_555, %add3A_556 : i32
        %add3A_558 = vector.broadcast %add3A_557 : i32 to vector<16xi32>
        %add3A_559 = arith.addi %add3A_558, %iota3A : vector<16xi32>
        %mul3A_560 = arith.constant 8.000000e+00 : f32
        %mul3A_561 = vector.broadcast %mul3A_560 : f32 to vector<16xf32>
        %mul3A_562 = arith.mulf %get3A_553, %mul3A_561 : vector<16xf32>
        %swap3A_563 = arith.constant 3 : i32
        %swap3A_564 = arith.index_cast %swap3A_563 : i32 to index
        %swap3A_565 = arith.constant 0 : index
        %swap3A_566 = tpu.vector_load %arg11[%swap3A_564, %swap3A_565] {strides = array<i32>} : memref<128x129xf32, #tpu.memory_space<vmem>>, vector<16xf32>,
        tpu.vector_store %arg11[%swap3A_564, %swap3A_565], %mul3A_562 {strides = array<i32>} : memref<128x129xf32, #tpu.memory_space<vmem>>, vector<16xf32>,
        %scan3A_567 = arith.constant 5 : i32
        %scan3A_568 = arith.addi %scan3A_198, %scan3A_567 : i32
        %mul3A_569 = arith.constant 1 : i32
        %mul3A_570 = arith.muli %scan3A_568, %mul3A_569 : i32
        %add3A_571 = arith.constant 0 : i32
        %add3A_572 = arith.addi %add3A_571, %mul3A_570 : i32
        %shift_right_logical3A_573 = arith.constant 7 : i32
        %shift_right_logical3A_574 = arith.shrui %add3A_572, %shift_right_logical3A_573 : i32
        %and3A_575 = arith.constant 127 : i32
        %and3A_576 = arith.andi %add3A_572, %and3A_575 : i32
        %broadcast_in_dim3A_577 = vector.broadcast %and3A_576 : i32 to vector<16xi32>
        %get3A_578 = arith.index_cast %add3A_572 : i32 to index
        %get3A_579 = arith.constant 0 : index
        %get3A_580 = tpu.vector_load %arg9[%get3A_578, %get3A_579] {strides = array<i32>} : memref<256x64xf32, #tpu.memory_space<vmem>>, vector<16xf32>,
        %mul3A_581 = arith.constant 64 : i32
        %mul3A_582 = arith.muli %shift_right_logical3A_574, %mul3A_581 : i32
        %add3A_583 = arith.constant 0 : i32
        %add3A_584 = arith.addi %mul3A_582, %add3A_583 : i32
        %add3A_585 = vector.broadcast %add3A_584 : i32 to vector<16xi32>
        %add3A_586 = arith.addi %add3A_585, %iota3A : vector<16xi32>
        %mul3A_587 = arith.constant 8.000000e+00 : f32
        %mul3A_588 = vector.broadcast %mul3A_587 : f32 to vector<16xf32>
        %mul3A_589 = arith.mulf %get3A_580, %mul3A_588 : vector<16xf32>
        %swap3A_590 = arith.constant 0 : i32
        %swap3A_591 = arith.index_cast %swap3A_590 : i32 to index
        %swap3A_592 = arith.constant 0 : index
        %swap3A_593 = tpu.vector_load %arg11[%swap3A_591, %swap3A_592] {strides = array<i32>} : memref<128x129xf32, #tpu.memory_space<vmem>>, vector<16xf32>,
        tpu.vector_store %arg11[%swap3A_591, %swap3A_592], %mul3A_589 {strides = array<i32>} : memref<128x129xf32, #tpu.memory_space<vmem>>, vector<16xf32>,
        %get3A_594 = arith.index_cast %add3A_572 : i32 to index
        %get3A_595 = arith.constant 16 : index
        %get3A_596 = tpu.vector_load %arg9[%get3A_594, %get3A_595] {strides = array<i32>} : memref<256x64xf32, #tpu.memory_space<vmem>>, vector<16xf32>,
        %mul3A_597 = arith.constant 64 : i32
        %mul3A_598 = arith.muli %shift_right_logical3A_574, %mul3A_597 : i32
        %add3A_599 = arith.constant 16 : i32
        %add3A_600 = arith.addi %mul3A_598, %add3A_599 : i32
        %add3A_601 = vector.broadcast %add3A_600 : i32 to vector<16xi32>
        %add3A_602 = arith.addi %add3A_601, %iota3A : vector<16xi32>
        %mul3A_603 = arith.constant 8.000000e+00 : f32
        %mul3A_604 = vector.broadcast %mul3A_603 : f32 to vector<16xf32>
        %mul3A_605 = arith.mulf %get3A_596, %mul3A_604 : vector<16xf32>
        %swap3A_606 = arith.constant 1 : i32
        %swap3A_607 = arith.index_cast %swap3A_606 : i32 to index
        %swap3A_608 = arith.constant 0 : index
        %swap3A_609 = tpu.vector_load %arg11[%swap3A_607, %swap3A_608] {strides = array<i32>} : memref<128x129xf32, #tpu.memory_space<vmem>>, vector<16xf32>,
        tpu.vector_store %arg11[%swap3A_607, %swap3A_608], %mul3A_605 {strides = array<i32>} : memref<128x129xf32, #tpu.memory_space<vmem>>, vector<16xf32>,
        %get3A_610 = arith.index_cast %add3A_572 : i32 to index
        %get3A_611 = arith.constant 32 : index
        %get3A_612 = tpu.vector_load %arg9[%get3A_610, %get3A_611] {strides = array<i32>} : memref<256x64xf32, #tpu.memory_space<vmem>>, vector<16xf32>,
        %mul3A_613 = arith.constant 64 : i32
        %mul3A_614 = arith.muli %shift_right_logical3A_574, %mul3A_613 : i32
        %add3A_615 = arith.constant 32 : i32
        %add3A_616 = arith.addi %mul3A_614, %add3A_615 : i32
        %add3A_617 = vector.broadcast %add3A_616 : i32 to vector<16xi32>
        %add3A_618 = arith.addi %add3A_617, %iota3A : vector<16xi32>
        %mul3A_619 = arith.constant 8.000000e+00 : f32
        %mul3A_620 = vector.broadcast %mul3A_619 : f32 to vector<16xf32>
        %mul3A_621 = arith.mulf %get3A_612, %mul3A_620 : vector<16xf32>
        %swap3A_622 = arith.constant 2 : i32
        %swap3A_623 = arith.index_cast %swap3A_622 : i32 to index
        %swap3A_624 = arith.constant 0 : index
        %swap3A_625 = tpu.vector_load %arg11[%swap3A_623, %swap3A_624] {strides = array<i32>} : memref<128x129xf32, #tpu.memory_space<vmem>>, vector<16xf32>,
        tpu.vector_store %arg11[%swap3A_623, %swap3A_624], %mul3A_621 {strides = array<i32>} : memref<128x129xf32, #tpu.memory_space<vmem>>, vector<16xf32>,
        %get3A_626 = arith.index_cast %add3A_572 : i32 to index
        %get3A_627 = arith.constant 48 : index
        %get3A_628 = tpu.vector_load %arg9[%get3A_626, %get3A_627] {strides = array<i32>} : memref<256x64xf32, #tpu.memory_space<vmem>>, vector<16xf32>,
        %mul3A_629 = arith.constant 64 : i32
        %mul3A_630 = arith.muli %shift_right_logical3A_574, %mul3A_629 : i32
        %add3A_631 = arith.constant 48 : i32
        %add3A_632 = arith.addi %mul3A_630, %add3A_631 : i32
        %add3A_633 = vector.broadcast %add3A_632 : i32 to vector<16xi32>
        %add3A_634 = arith.addi %add3A_633, %iota3A : vector<16xi32>
        %mul3A_635 = arith.constant 8.000000e+00 : f32
        %mul3A_636 = vector.broadcast %mul3A_635 : f32 to vector<16xf32>
        %mul3A_637 = arith.mulf %get3A_628, %mul3A_636 : vector<16xf32>
        %swap3A_638 = arith.constant 3 : i32
        %swap3A_639 = arith.index_cast %swap3A_638 : i32 to index
        %swap3A_640 = arith.constant 0 : index
        %swap3A_641 = tpu.vector_load %arg11[%swap3A_639, %swap3A_640] {strides = array<i32>} : memref<128x129xf32, #tpu.memory_space<vmem>>, vector<16xf32>,
        tpu.vector_store %arg11[%swap3A_639, %swap3A_640], %mul3A_637 {strides = array<i32>} : memref<128x129xf32, #tpu.memory_space<vmem>>, vector<16xf32>,
        %scan3A_642 = arith.constant 6 : i32
        %scan3A_643 = arith.addi %scan3A_198, %scan3A_642 : i32
        %mul3A_644 = arith.constant 1 : i32
        %mul3A_645 = arith.muli %scan3A_643, %mul3A_644 : i32
        %add3A_646 = arith.constant 0 : i32
        %add3A_647 = arith.addi %add3A_646, %mul3A_645 : i32
        %shift_right_logical3A_648 = arith.constant 7 : i32
        %shift_right_logical3A_649 = arith.shrui %add3A_647, %shift_right_logical3A_648 : i32
        %and3A_650 = arith.constant 127 : i32
        %and3A_651 = arith.andi %add3A_647, %and3A_650 : i32
        %broadcast_in_dim3A_652 = vector.broadcast %and3A_651 : i32 to vector<16xi32>
        %get3A_653 = arith.index_cast %add3A_647 : i32 to index
        %get3A_654 = arith.constant 0 : index
        %get3A_655 = tpu.vector_load %arg9[%get3A_653, %get3A_654] {strides = array<i32>} : memref<256x64xf32, #tpu.memory_space<vmem>>, vector<16xf32>,
        %mul3A_656 = arith.constant 64 : i32
        %mul3A_657 = arith.muli %shift_right_logical3A_649, %mul3A_656 : i32
        %add3A_658 = arith.constant 0 : i32
        %add3A_659 = arith.addi %mul3A_657, %add3A_658 : i32
        %add3A_660 = vector.broadcast %add3A_659 : i32 to vector<16xi32>
        %add3A_661 = arith.addi %add3A_660, %iota3A : vector<16xi32>
        %mul3A_662 = arith.constant 8.000000e+00 : f32
        %mul3A_663 = vector.broadcast %mul3A_662 : f32 to vector<16xf32>
        %mul3A_664 = arith.mulf %get3A_655, %mul3A_663 : vector<16xf32>
        %swap3A_665 = arith.constant 0 : i32
        %swap3A_666 = arith.index_cast %swap3A_665 : i32 to index
        %swap3A_667 = arith.constant 0 : index
        %swap3A_668 = tpu.vector_load %arg11[%swap3A_666, %swap3A_667] {strides = array<i32>} : memref<128x129xf32, #tpu.memory_space<vmem>>, vector<16xf32>,
        tpu.vector_store %arg11[%swap3A_666, %swap3A_667], %mul3A_664 {strides = array<i32>} : memref<128x129xf32, #tpu.memory_space<vmem>>, vector<16xf32>,
        %get3A_669 = arith.index_cast %add3A_647 : i32 to index
        %get3A_670 = arith.constant 16 : index
        %get3A_671 = tpu.vector_load %arg9[%get3A_669, %get3A_670] {strides = array<i32>} : memref<256x64xf32, #tpu.memory_space<vmem>>, vector<16xf32>,
        %mul3A_672 = arith.constant 64 : i32
        %mul3A_673 = arith.muli %shift_right_logical3A_649, %mul3A_672 : i32
        %add3A_674 = arith.constant 16 : i32
        %add3A_675 = arith.addi %mul3A_673, %add3A_674 : i32
        %add3A_676 = vector.broadcast %add3A_675 : i32 to vector<16xi32>
        %add3A_677 = arith.addi %add3A_676, %iota3A : vector<16xi32>
        %mul3A_678 = arith.constant 8.000000e+00 : f32
        %mul3A_679 = vector.broadcast %mul3A_678 : f32 to vector<16xf32>
        %mul3A_680 = arith.mulf %get3A_671, %mul3A_679 : vector<16xf32>
        %swap3A_681 = arith.constant 1 : i32
        %swap3A_682 = arith.index_cast %swap3A_681 : i32 to index
        %swap3A_683 = arith.constant 0 : index
        %swap3A_684 = tpu.vector_load %arg11[%swap3A_682, %swap3A_683] {strides = array<i32>} : memref<128x129xf32, #tpu.memory_space<vmem>>, vector<16xf32>,
        tpu.vector_store %arg11[%swap3A_682, %swap3A_683], %mul3A_680 {strides = array<i32>} : memref<128x129xf32, #tpu.memory_space<vmem>>, vector<16xf32>,
        %get3A_685 = arith.index_cast %add3A_647 : i32 to index
        %get3A_686 = arith.constant 32 : index
        %get3A_687 = tpu.vector_load %arg9[%get3A_685, %get3A_686] {strides = array<i32>} : memref<256x64xf32, #tpu.memory_space<vmem>>, vector<16xf32>,
        %mul3A_688 = arith.constant 64 : i32
        %mul3A_689 = arith.muli %shift_right_logical3A_649, %mul3A_688 : i32
        %add3A_690 = arith.constant 32 : i32
        %add3A_691 = arith.addi %mul3A_689, %add3A_690 : i32
        %add3A_692 = vector.broadcast %add3A_691 : i32 to vector<16xi32>
        %add3A_693 = arith.addi %add3A_692, %iota3A : vector<16xi32>
        %mul3A_694 = arith.constant 8.000000e+00 : f32
        %mul3A_695 = vector.broadcast %mul3A_694 : f32 to vector<16xf32>
        %mul3A_696 = arith.mulf %get3A_687, %mul3A_695 : vector<16xf32>
        %swap3A_697 = arith.constant 2 : i32
        %swap3A_698 = arith.index_cast %swap3A_697 : i32 to index
        %swap3A_699 = arith.constant 0 : index
        %swap3A_700 = tpu.vector_load %arg11[%swap3A_698, %swap3A_699] {strides = array<i32>} : memref<128x129xf32, #tpu.memory_space<vmem>>, vector<16xf32>,
        tpu.vector_store %arg11[%swap3A_698, %swap3A_699], %mul3A_696 {strides = array<i32>} : memref<128x129xf32, #tpu.memory_space<vmem>>, vector<16xf32>,
        %get3A_701 = arith.index_cast %add3A_647 : i32 to index
        %get3A_702 = arith.constant 48 : index
        %get3A_703 = tpu.vector_load %arg9[%get3A_701, %get3A_702] {strides = array<i32>} : memref<256x64xf32, #tpu.memory_space<vmem>>, vector<16xf32>,
        %mul3A_704 = arith.constant 64 : i32
        %mul3A_705 = arith.muli %shift_right_logical3A_649, %mul3A_704 : i32
        %add3A_706 = arith.constant 48 : i32
        %add3A_707 = arith.addi %mul3A_705, %add3A_706 : i32
        %add3A_708 = vector.broadcast %add3A_707 : i32 to vector<16xi32>
        %add3A_709 = arith.addi %add3A_708, %iota3A : vector<16xi32>
        %mul3A_710 = arith.constant 8.000000e+00 : f32
        %mul3A_711 = vector.broadcast %mul3A_710 : f32 to vector<16xf32>
        %mul3A_712 = arith.mulf %get3A_703, %mul3A_711 : vector<16xf32>
        %swap3A_713 = arith.constant 3 : i32
        %swap3A_714 = arith.index_cast %swap3A_713 : i32 to index
        %swap3A_715 = arith.constant 0 : index
        %swap3A_716 = tpu.vector_load %arg11[%swap3A_714, %swap3A_715] {strides = array<i32>} : memref<128x129xf32, #tpu.memory_space<vmem>>, vector<16xf32>,
        tpu.vector_store %arg11[%swap3A_714, %swap3A_715], %mul3A_712 {strides = array<i32>} : memref<128x129xf32, #tpu.memory_space<vmem>>, vector<16xf32>,
        %scan3A_717 = arith.constant 7 : i32
        %scan3A_718 = arith.addi %scan3A_198, %scan3A_717 : i32
        %mul3A_719 = arith.constant 1 : i32
        %mul3A_720 = arith.muli %scan3A_718, %mul3A_719 : i32
        %add3A_721 = arith.constant 0 : i32
        %add3A_722 = arith.addi %add3A_721, %mul3A_720 : i32
        %shift_right_logical3A_723 = arith.constant 7 : i32
        %shift_right_logical3A_724 = arith.shrui %add3A_722, %shift_right_logical3A_723 : i32
        %and3A_725 = arith.constant 127 : i32
        %and3A_726 = arith.andi %add3A_722, %and3A_725 : i32
        %broadcast_in_dim3A_727 = vector.broadcast %and3A_726 : i32 to vector<16xi32>
        %get3A_728 = arith.index_cast %add3A_722 : i32 to index
        %get3A_729 = arith.constant 0 : index
        %get3A_730 = tpu.vector_load %arg9[%get3A_728, %get3A_729] {strides = array<i32>} : memref<256x64xf32, #tpu.memory_space<vmem>>, vector<16xf32>,
        %mul3A_731 = arith.constant 64 : i32
        %mul3A_732 = arith.muli %shift_right_logical3A_724, %mul3A_731 : i32
        %add3A_733 = arith.constant 0 : i32
        %add3A_734 = arith.addi %mul3A_732, %add3A_733 : i32
        %add3A_735 = vector.broadcast %add3A_734 : i32 to vector<16xi32>
        %add3A_736 = arith.addi %add3A_735, %iota3A : vector<16xi32>
        %mul3A_737 = arith.constant 8.000000e+00 : f32
        %mul3A_738 = vector.broadcast %mul3A_737 : f32 to vector<16xf32>
        %mul3A_739 = arith.mulf %get3A_730, %mul3A_738 : vector<16xf32>
        %swap3A_740 = arith.constant 0 : i32
        %swap3A_741 = arith.index_cast %swap3A_740 : i32 to index
        %swap3A_742 = arith.constant 0 : index
        %swap3A_743 = tpu.vector_load %arg11[%swap3A_741, %swap3A_742] {strides = array<i32>} : memref<128x129xf32, #tpu.memory_space<vmem>>, vector<16xf32>,
        tpu.vector_store %arg11[%swap3A_741, %swap3A_742], %mul3A_739 {strides = array<i32>} : memref<128x129xf32, #tpu.memory_space<vmem>>, vector<16xf32>,
        %get3A_744 = arith.index_cast %add3A_722 : i32 to index
        %get3A_745 = arith.constant 16 : index
        %get3A_746 = tpu.vector_load %arg9[%get3A_744, %get3A_745] {strides = array<i32>} : memref<256x64xf32, #tpu.memory_space<vmem>>, vector<16xf32>,
        %mul3A_747 = arith.constant 64 : i32
        %mul3A_748 = arith.muli %shift_right_logical3A_724, %mul3A_747 : i32
        %add3A_749 = arith.constant 16 : i32
        %add3A_750 = arith.addi %mul3A_748, %add3A_749 : i32
        %add3A_751 = vector.broadcast %add3A_750 : i32 to vector<16xi32>
        %add3A_752 = arith.addi %add3A_751, %iota3A : vector<16xi32>
        %mul3A_753 = arith.constant 8.000000e+00 : f32
        %mul3A_754 = vector.broadcast %mul3A_753 : f32 to vector<16xf32>
        %mul3A_755 = arith.mulf %get3A_746, %mul3A_754 : vector<16xf32>
        %swap3A_756 = arith.constant 1 : i32
        %swap3A_757 = arith.index_cast %swap3A_756 : i32 to index
        %swap3A_758 = arith.constant 0 : index
        %swap3A_759 = tpu.vector_load %arg11[%swap3A_757, %swap3A_758] {strides = array<i32>} : memref<128x129xf32, #tpu.memory_space<vmem>>, vector<16xf32>,
        tpu.vector_store %arg11[%swap3A_757, %swap3A_758], %mul3A_755 {strides = array<i32>} : memref<128x129xf32, #tpu.memory_space<vmem>>, vector<16xf32>,
        %get3A_760 = arith.index_cast %add3A_722 : i32 to index
        %get3A_761 = arith.constant 32 : index
        %get3A_762 = tpu.vector_load %arg9[%get3A_760, %get3A_761] {strides = array<i32>} : memref<256x64xf32, #tpu.memory_space<vmem>>, vector<16xf32>,
        %mul3A_763 = arith.constant 64 : i32
        %mul3A_764 = arith.muli %shift_right_logical3A_724, %mul3A_763 : i32
        %add3A_765 = arith.constant 32 : i32
        %add3A_766 = arith.addi %mul3A_764, %add3A_765 : i32
        %add3A_767 = vector.broadcast %add3A_766 : i32 to vector<16xi32>
        %add3A_768 = arith.addi %add3A_767, %iota3A : vector<16xi32>
        %mul3A_769 = arith.constant 8.000000e+00 : f32
        %mul3A_770 = vector.broadcast %mul3A_769 : f32 to vector<16xf32>
        %mul3A_771 = arith.mulf %get3A_762, %mul3A_770 : vector<16xf32>
        %swap3A_772 = arith.constant 2 : i32
        %swap3A_773 = arith.index_cast %swap3A_772 : i32 to index
        %swap3A_774 = arith.constant 0 : index
        %swap3A_775 = tpu.vector_load %arg11[%swap3A_773, %swap3A_774] {strides = array<i32>} : memref<128x129xf32, #tpu.memory_space<vmem>>, vector<16xf32>,
        tpu.vector_store %arg11[%swap3A_773, %swap3A_774], %mul3A_771 {strides = array<i32>} : memref<128x129xf32, #tpu.memory_space<vmem>>, vector<16xf32>,
        %get3A_776 = arith.index_cast %add3A_722 : i32 to index
        %get3A_777 = arith.constant 48 : index
        %get3A_778 = tpu.vector_load %arg9[%get3A_776, %get3A_777] {strides = array<i32>} : memref<256x64xf32, #tpu.memory_space<vmem>>, vector<16xf32>,
        %mul3A_779 = arith.constant 64 : i32
        %mul3A_780 = arith.muli %shift_right_logical3A_724, %mul3A_779 : i32
        %add3A_781 = arith.constant 48 : i32
        %add3A_782 = arith.addi %mul3A_780, %add3A_781 : i32
        %add3A_783 = vector.broadcast %add3A_782 : i32 to vector<16xi32>
        %add3A_784 = arith.addi %add3A_783, %iota3A : vector<16xi32>
        %mul3A_785 = arith.constant 8.000000e+00 : f32
        %mul3A_786 = vector.broadcast %mul3A_785 : f32 to vector<16xf32>
        %mul3A_787 = arith.mulf %get3A_778, %mul3A_786 : vector<16xf32>
        %swap3A_788 = arith.constant 3 : i32
        %swap3A_789 = arith.index_cast %swap3A_788 : i32 to index
        %swap3A_790 = arith.constant 0 : index
        %swap3A_791 = tpu.vector_load %arg11[%swap3A_789, %swap3A_790] {strides = array<i32>} : memref<128x129xf32, #tpu.memory_space<vmem>>, vector<16xf32>,
        tpu.vector_store %arg11[%swap3A_789, %swap3A_790], %mul3A_787 {strides = array<i32>} : memref<128x129xf32, #tpu.memory_space<vmem>>, vector<16xf32>,
      }
      %scan3A_176 = arith.constant 256 : i32
      %mul3A_177 = arith.constant 2 : i32
      %mul3A_178 = arith.muli %add3A_161, %mul3A_177 : i32
      %mul3A_179 = arith.constant 64 : i32
      %mul3A_180 = arith.muli %mul3A_178, %mul3A_179 : i32
      %dma_start3A_181 = arith.constant 0 : i32
      %dma_start3A_182 = arith.constant 0 : i32
      %dma_start3A_183 = tpu.memref_slice %arg11[%dma_start3A_181, %dma_start3A_182] : memref<128x129xf32, #tpu.memory_space<vmem>> -> memref<1x128xf32, #tpu.memory_space<vmem>>
      %dma_start3A_184 = tpu.memref_slice %arg4[%mul3A_180, %mul3A_4] : memref<12800x4096xf32, #tpu.memory_space<hbm>> -> memref<1x128xf32, #tpu.memory_space<hbm>>
      %dma_start3A_185 = tpu.memref_slice %arg4[%mul3A_180, %mul3A_4] : memref<12800x4096xf32, #tpu.memory_space<hbm>> -> memref<1x128xf32, #tpu.memory_space<hbm>>
      %dma_start3A_186 = arith.constant 0 : i32
      %dma_start3A_187 = arith.constant 0 : i32
      %dma_start3A_188 = tpu.memref_slice %arg11[%dma_start3A_186, %dma_start3A_187] : memref<128x129xf32, #tpu.memory_space<vmem>> -> memref<1x128xf32, #tpu.memory_space<vmem>>
      tpu.enqueue_dma source(%dma_start3A_188 : memref<1x128xf32, #tpu.memory_space<vmem>>) target(%dma_start3A_185 : memref<1x128xf32, #tpu.memory_space<hbm>>) target_semaphore(%arg17 : memref<!tpu.dma_semaphore, #tpu.memory_space<semaphore_mem>>)
      %add3A_189 = arith.constant 4 : i32
      %add3A_190 = arith.addi %add3A_161, %add3A_189 : i32
      %sub3A_191 = arith.constant 1 : i32
      %sub3A_192 = arith.subi %add3A_190, %sub3A_191 : i32
      %lt3A_193 = arith.constant 100 : i32
      %lt3A_194 = arith.cmpi slt, %sub3A_192, %lt3A_193 : i32
      %convert_element_type3A_195 = arith.extui %lt3A_194 : i1 to i32
      %cond3A_196 = arith.constant 0 : i32
      %cond3A_197 = arith.cmpi ne, %convert_element_type3A_195, %cond3A_196 : i32
      scf.if %cond3A_197 {
        %add3A_198 = arith.constant 4 : i32
        %add3A_199 = arith.addi %add3A_161, %add3A_198 : i32
        %sub3A_200 = arith.constant 1 : i32
        %sub3A_201 = arith.subi %add3A_199, %sub3A_200 : i32
        %mul3A_202 = arith.constant 256 : i32
        %mul3A_203 = arith.muli %sub3A_201, %mul3A_202 : i32
        %dma_start3A_204 = tpu.memref_slice %arg5[%mul3A_203] : memref<25600xi32, #tpu.memory_space<vmem>> -> memref<256xi32, #tpu.memory_space<vmem>>
        %dma_start3A_205 = arith.constant 0 : i32
        %dma_start3A_206 = arith.constant 0 : i32
        %dma_start3A_207 = tpu.memref_slice %arg3[%dma_start3A_205, %dma_start3A_206] : memref<1000000x64xf32, #tpu.memory_space<hbm>> -> memref<1000000x64xf32, #tpu.memory_space<hbm>>
        tpu.enqueue_indirect_dma source(%dma_start3A_207 : memref<1000000x64xf32, #tpu.memory_space<hbm>>) target(%arg8 : memref<256x64xf32, #tpu.memory_space<vmem>>) offsets(%dma_start3A_204 : memref<256xi32, #tpu.memory_space<vmem>>) semaphore(%arg14 : memref<!tpu.dma_semaphore, #tpu.memory_space<semaphore_mem>>)
      } else {
      }
    }
    %scan3A_22 = arith.constant 25 : i32
    %dma_wait3A = arith.constant 0 : i32
    %dma_wait3A_23 = arith.constant 0 : i32
    %dma_wait3A_24 = tpu.memref_slice %arg10[%dma_wait3A, %dma_wait3A_23] : memref<128x129xf32, #tpu.memory_space<vmem>> -> memref<1x128xf32, #tpu.memory_space<vmem>>
    %dma_wait3A_25 = arith.constant 0 : i32
    %dma_wait3A_26 = arith.constant 0 : i32
    %dma_wait3A_27 = tpu.memref_slice %arg4[%dma_wait3A_25, %dma_wait3A_26] : memref<12800x4096xf32, #tpu.memory_space<hbm>> -> memref<1x128xf32, #tpu.memory_space<hbm>>
    %dma_wait3A_28 = arith.constant 0 : i32
    %dma_wait3A_29 = arith.constant 0 : i32
    %dma_wait3A_30 = tpu.memref_slice %arg4[%dma_wait3A_28, %dma_wait3A_29] : memref<12800x4096xf32, #tpu.memory_space<hbm>> -> memref<1x128xf32, #tpu.memory_space<hbm>>
    %dma_wait3A_31 = arith.constant 0 : i32
    %dma_wait3A_32 = arith.constant 0 : i32
    %dma_wait3A_33 = tpu.memref_slice %arg10[%dma_wait3A_31, %dma_wait3A_32] : memref<128x129xf32, #tpu.memory_space<vmem>> -> memref<1x128xf32, #tpu.memory_space<vmem>>
    tpu.wait_dma2 semaphore(%arg16 : memref<!tpu.dma_semaphore, #tpu.memory_space<semaphore_mem>>) src(%dma_wait3A_33 : memref<1x128xf32, #tpu.memory_space<vmem>>) dst(%dma_wait3A_30 : memref<1x128xf32, #tpu.memory_space<hbm>>)
    %dma_wait3A_34 = arith.constant 0 : i32
    %dma_wait3A_35 = arith.constant 0 : i32
    %dma_wait3A_36 = tpu.memref_slice %arg11[%dma_wait3A_34, %dma_wait3A_35] : memref<128x129xf32, #tpu.memory_space<vmem>> -> memref<1x128xf32, #tpu.memory_space<vmem>>
    %dma_wait3A_37 = arith.constant 0 : i32
    %dma_wait3A_38 = arith.constant 0 : i32
    %dma_wait3A_39 = tpu.memref_slice %arg4[%dma_wait3A_37, %dma_wait3A_38] : memref<12800x4096xf32, #tpu.memory_space<hbm>> -> memref<1x128xf32, #tpu.memory_space<hbm>>
    %dma_wait3A_40 = arith.constant 0 : i32
    %dma_wait3A_41 = arith.constant 0 : i32
    %dma_wait3A_42 = tpu.memref_slice %arg4[%dma_wait3A_40, %dma_wait3A_41] : memref<12800x4096xf32, #tpu.memory_space<hbm>> -> memref<1x128xf32, #tpu.memory_space<hbm>>
    %dma_wait3A_43 = arith.constant 0 : i32
    %dma_wait3A_44 = arith.constant 0 : i32
    %dma_wait3A_45 = tpu.memref_slice %arg11[%dma_wait3A_43, %dma_wait3A_44] : memref<128x129xf32, #tpu.memory_space<vmem>> -> memref<1x128xf32, #tpu.memory_space<vmem>>
    tpu.wait_dma2 semaphore(%arg17 : memref<!tpu.dma_semaphore, #tpu.memory_space<semaphore_mem>>) src(%dma_wait3A_45 : memref<1x128xf32, #tpu.memory_space<vmem>>) dst(%dma_wait3A_42 : memref<1x128xf32, #tpu.memory_space<hbm>>)
    return
  }
}

</mosaic_0001>

<sc_bundles>
// kernel: kernel.3.cloned.1.call-start
scs
__scs_entry_jumppad:
0x0: {  	(pc) =	sbr.rel $0x88, $3  }
0x1: {  	(tag) =	ssettag $0x0;
	lr =	simm.s32 $0x1  }
0x2: {  	[smem:$0x3F9F] =	sst lr;
	_ =	strace $0xD0000000  }
0x3: {  	_ = 	snop  }
0x4: {  	_ = 	snop  }
0x5: {  	_ = 	snop  }
0x6: {  	_ = 	snop  }
0x7: {  	_ = 	snop  }
__scs_overlays_trampoline_lowered:
0x8: {  	[smem:$0x3FAE] =	sst s0  }
0x9: {  	[smem:$0x3FAF] =	sst s1  }
0xa: {  	[smem:$0x3FB0] =	sst s2  }
0xb: {  	[smem:$0x3FB1] =	sst s3  }
0xc: {  	[smem:$0x3FB2] =	sst s4  }
0xd: {  	[smem:$0x3FB3] =	sst s5  }
0xe: {  	[smem:$0x3FB4] =	sst s6  }
0xf: {  	[smem:$0x3FB5] =	sst s7  }
0x10: {  	[smem:$0x3FB6] =	sst s8  }
0x11: {  	[smem:$0x3FB7] =	sst s9;
	s0 =	simm.s32 @!p0 $0x0  }
0x12: {  	s1 =	sld [smem:$0x3F9D];
	s0 =	simm.s32 @p0 $0x1  }
0x13: {  	[smem:$0x3FB8] =	sst s0;
	s0 =	simm.s32 @!p1 $0x0  }
0x14: {  	s2 =	sld [smem:$0x3F9C];
	s0 =	simm.s32 @p1 $0x1  }
0x15: {  	[smem:$0x3FB9] =	sst s0;
	s0 =	simm.s32 @!p2 $0x0  }
0x16: {  	s3 =	sld [smem:$0x3FDB];
	s0 =	simm.s32 @p2 $0x1  }
0x17: {  	s4 =	simm.s32 $0x1BF5;
	[smem:$0x3FBB] =	sst s0  }
0x18: {  	s0 =	sld [smem:$0x3F9E];
	_ =	swait.ge [sflag:s4], $0x0  }
0x19: {  	s7 =	sld [smem:$0x3F9F]  }
0x1a: {  	s8 =	sadd.s32 $0xFFFFE003, lr  }
0x1b: {  	s9 =	sadd.s32 $0xFFFFFEF7, lr;
	s5 =	simm.s32 $0xFFFFFFFF;
	p2 =	slt.u32 s8, $0xFFFFF086  }
0x1c: {  	p1 =	slt.u32 s9, $0xF7A;
	s5 =	simm.s32 @!p2 $0x0  }
0x1d: {  	s5 =	simm.s32 @p1 $0x1;
	p0 =	seq.s32 s7, s2  }
0x1e: {  	s7 =	smul.u32 @!p0 $0xF7A, s2;
	p2 =	seq.s32 @!p0 s5, $0x0  }
0x1f: {  	s9 =	smul.u32 $0xF7A, s1;
	s8 =	simm.s32 @!p0 $0x1BF5;
	p2 =	por !p2, p0  }
0x20: {  	[sflag:s8] =	ssyncset.s32 @!p0 $0xFFFFF086;
	s6 =	sadd.s32 @!p0 s3, s7;
	s7 =	simm.s32 @!p0 $0x108  }
0x21: {  	s3 =	sadd.s32 s3, s9;
	s6 =	sadd.s32 @!p0 $0x88, s6;
	s7 =	simm.s32 @p2 $0x1082  }
0x22: {  	[simem:s7], [sflag:s8] =	dma.local @!p0 [hbm:s6], $0xF7A  }
0x23: {  	s9 =	sor.u32 $0xD0000000, s2;
	s6 =	simm.s32 $0x108;
	_ =	swait.ge @!p0 [sflag:s8], $0x0  }
0x24: {  	s3 =	sadd.s32 $0x88, s3;
	s6 =	simm.s32 @!p1 $0x1082;
	[sflag:s4] =	ssyncset.s32 $0xFFFFF086  }
0x25: {  	[simem:s6], [sflag:s4] =	dma.local [hbm:s3], $0xF7A  }
0x26: {  	[smem:$0x3F9F] =	sst s1;
	(tag) =	ssettag s2;
	_ =	strace s9  }
0x27: {  	s1 =	sld [smem:$0x3FAF]  }
0x28: {  	s2 =	sld [smem:$0x3FB0]  }
0x29: {  	s4 =	sld [smem:$0x3FB2]  }
0x2a: {  	p0 =	seq.s32 s5, $0x0;
	s5 =	sld [smem:$0x3FB3]  }
0x2b: {  	s6 =	sld [smem:$0x3FB4]  }
0x2c: {  	s7 =	sld [smem:$0x3FB5]  }
0x2d: {  	s3 =	simm.s32 $0x108;
	s8 =	sld [smem:$0x3FB6]  }
0x2e: {  	s3 =	simm.s32 @!p0 $0x1082;
	s9 =	sld [smem:$0x3FB7]  }
0x2f: {  	lr =	sadd.s32 s0, s3;
	s0 =	sld [smem:$0x3FAE]  }
0x30: {  	s3 =	sld [smem:$0x3FB1]  }
0x31: {  	[smem:$0x3FBA] =	sst s10  }
0x32: {  	s10 =	sld [smem:$0x3FB8];
	_ =	sdelay $0x3  }
0x33: {  	p0 =	seq.s32 s10, $0x1;
	s10 =	sld [smem:$0x3FBA];
	_ =	sdelay $0x3  }
0x34: {  	[smem:$0x3FBA] =	sst s10  }
0x35: {  	s10 =	sld [smem:$0x3FB9];
	_ =	sdelay $0x3  }
0x36: {  	p1 =	seq.s32 s10, $0x1;
	s10 =	sld [smem:$0x3FBA];
	_ =	sdelay $0x3  }
0x37: {  	[smem:$0x3FBA] =	sst s10  }
0x38: {  	s10 =	sld [smem:$0x3FBB]  }
0x39: {  	_ = 	snop;
	(pc) =	sbr.ind lr, $3  }
0x3a: {  	_ = 	snop  }
0x3b: {  	_ = 	snop  }
0x3c: {  	p2 =	seq.s32 s10, $0x1;
	s10 =	sld [smem:$0x3FBA]  }
0x3d: {  	_ =	shalt  }
0x3e: {  	_ =	shalt  }
0x3f: {  	_ =	shalt  }
0x40: {  	_ =	shalt  }
0x41: {  	_ =	shalt  }
0x42: {  	_ =	shalt  }
0x43: {  	_ =	shalt  }
0x44: {  	_ =	shalt  }
0x45: {  	_ =	shalt  }
0x46: {  	_ =	shalt  }
0x47: {  	_ =	shalt  }
0x48: {  	_ =	shalt  }
0x49: {  	_ =	shalt  }
0x4a: {  	_ =	shalt  }
0x4b: {  	_ =	shalt  }
0x4c: {  	_ =	shalt  }
0x4d: {  	_ =	shalt  }
0x4e: {  	_ =	shalt  }
0x4f: {  	_ =	shalt  }
0x50: {  	_ =	shalt  }
0x51: {  	_ =	shalt  }
0x52: {  	_ =	shalt  }
0x53: {  	_ =	shalt  }
0x54: {  	_ =	shalt  }
0x55: {  	_ =	shalt  }
0x56: {  	_ =	shalt  }
0x57: {  	_ =	shalt  }
0x58: {  	_ =	shalt  }
0x59: {  	_ =	shalt  }
0x5a: {  	_ =	shalt  }
0x5b: {  	_ =	shalt  }
0x5c: {  	_ =	shalt  }
0x5d: {  	_ =	shalt  }
0x5e: {  	_ =	shalt  }
0x5f: {  	_ =	shalt  }
0x60: {  	_ =	shalt  }
0x61: {  	_ =	shalt  }
0x62: {  	_ =	shalt  }
0x63: {  	_ =	shalt  }
0x64: {  	_ =	shalt  }
0x65: {  	_ =	shalt  }
0x66: {  	_ =	shalt  }
0x67: {  	_ =	shalt  }
0x68: {  	_ =	shalt  }
0x69: {  	_ =	shalt  }
0x6a: {  	_ =	shalt  }
0x6b: {  	_ =	shalt  }
0x6c: {  	_ =	shalt  }
0x6d: {  	_ =	shalt  }
0x6e: {  	_ =	shalt  }
0x6f: {  	_ =	shalt  }
0x70: {  	_ =	shalt  }
0x71: {  	_ =	shalt  }
0x72: {  	_ =	shalt  }
0x73: {  	_ =	shalt  }
0x74: {  	_ =	shalt  }
0x75: {  	_ =	shalt  }
0x76: {  	_ =	shalt  }
0x77: {  	_ =	shalt  }
0x78: {  	_ =	shalt  }
0x79: {  	_ =	shalt  }
0x7a: {  	_ =	shalt  }
0x7b: {  	_ =	shalt  }
0x7c: {  	_ =	shalt  }
0x7d: {  	_ =	shalt  }
0x7e: {  	_ =	shalt  }
0x7f: {  	_ =	shalt  }
0x80: {  	_ =	shalt  }
0x81: {  	_ =	shalt  }
0x82: {  	_ =	shalt  }
0x83: {  	_ =	shalt  }
0x84: {  	_ =	shalt  }
0x85: {  	_ =	shalt  }
0x86: {  	_ =	shalt  }
0x87: {  	_ =	shalt  }
.Lfunc_end0:
.L_simem_size_0:
called_computation_lowered:
.L_overlay_start_0:
0x88: {  	s2 =	sld [smem:$0x3FD9]  }
0x89: {  	s3 =	sld [smem:$0x3FFE];
	_ =	sdelay $0x1  }
0x8a: {  	s1 =	srdreg.scid  }
0x8b: {  	s0 =	sand.u32 $0x1, s1  }
0x8c: {  	s17 =	sshll.u32 s0, $0xA;
	s2 =	sadd.s32 s3, s2  }
0x8d: {  	s2 =	sadd.s32 s2, s17  }
0x8e: {  	[smem:$0x3FC6] =	sst s2  }
0x8f: {  	_ = 	snop  }
0x90: {  	s2 =	sld [smem:$0x3FD0];
	(tm) =	ssettm $0x1  }
0x91: {  	s18 =	sld [smem:$0x3FFB];
	_ =	sdelay $0x3  }
0x92: {  	_ =	strace s18  }
0x93: {  	s3 =	sld [smem:$0x3FFC];
	_ =	sdelay $0x3  }
0x94: {  	_ =	strace s3  }
0x95: {  	s3 =	sld [smem:$0x3FFD];
	_ =	sdelay $0x3  }
0x96: {  	_ =	strace s3  }
0x97: {  	_ =	strace $0x8FFFFFFF  }
0x98: {  	s19 =	sld [smem:$0x3FDB];
	_ =	sdelay $0x1  }
0x99: {  	s4 =	simm.s32 $_scs_section_size  }
0x9a: {  	s5 =	simm.s32 $_size__tile_overlayer_lowered;
	s6 =	simm.s32 $_tile_overlayer_lowered  }
0x9b: {  	s22 =	simm.s32 $0x1BFF;
	s21 =	sshll.u32 s6, $0x1;
	s3 =	sadd.s32 s4, s19  }
0x9c: {  	s7 =	simm.s32 $0x0;
	s20 =	sshll.u32 s5, $0x1;
	s5 =	sadd.s32 s21, s3  }
0x9d: {  	[timem:s7], [sflag:s22] =	dma.local [hbm:s5], s20  }
0x9e: {  	_ =	swait.ge [sflag:s22], s20  }
0x9f: {  	s4 =	ssub.s32 $0x0, s20;
	[sflag:s22] =	ssyncset.done $0x0  }
0xa0: {  	[sflag:s22] =	ssyncadd.s32 s4;
	_ =	sdelay $0x1  }
0xa1: {  	s23 =	simm.s32 $0x1B8B  }
0xa2: {  	_ =	swait.ge [sflag:s23], $0x1  }
0xa3: {  	[sflag:s23] =	ssyncset.done $0x0  }
0xa4: {  	s25 =	simm.s32 $0x1B8E;
	s24 =	sld [smem:$0x3FFE];
	[sflag:s23] =	ssyncadd.s32 $0xFFFFFFFF  }
0xa5: {  	s26 =	simm.s32 $execute0_lowered;
	[smem:$0x3FD2] =	sst s25  }
0xa6: {  	s5 =	sshll.u32 s26, $0x1;
	_ =	strace $0x80000046;
	[dreg:$0x1] =	wrdreg $0xFFFFFFFF  }
0xa7: {  	s28 =	simm.s32 $_size_execute0_lowered;
	s3 =	sadd.s32 s3, s5;
	[dreg:$0x0] =	wrdreg $0x0  }
0xa8: {  	s5 =	sshll.u32 s28, $0x1;
	[dreg:$0x2] =	wrdreg s3  }
0xa9: {  	[dreg:$0x3] =	wrdreg s5  }
0xaa: {  	[dreg:$0x4] =	wrdreg $0xC0  }
0xab: {  	_ =	task [dreg:s7], $0x5FFFF  }
0xac: {  	[dreg:$0x1] =	wrdreg $0xFFFFFFFF  }
0xad: {  	[dreg:$0x0] =	wrdreg $0x60  }
0xae: {  	[dreg:$0x2] =	wrdreg s2  }
0xaf: {  	[dreg:$0x3] =	wrdreg s24  }
0xb0: {  	[dreg:$0x4] =	wrdreg $0x9  }
0xb1: {  	_ =	task.clear_ibuf [dreg:s7], $0x5FFFF;
	_ =	strace $0x90000046  }
0xb2: {  	s29 =	simm.s32 $0x9;
	_ =	strace $0x80000048  }
0xb3: {  	_ =	swait.ge [sflag:s29], $0x1  }
0xb4: {  	[sflag:s29] =	ssyncadd.s32 $0xFFFFFFFF  }
0xb5: {  	_ =	strace $0x90000048  }
0xb6: {  	_ =	sfence  }
0xb7: {  	s30 =	sld [smem:$0x0];
	_ =	sdelay $0x2  }
0xb8: {  	s31 =	sshll.u32 s1, $0xD;
	s1 =	sshrl.u32 s1, $0x2  }
0xb9: {  	s3 =	sand.u32 $0x4000, s31;
	s1 =	sadd.s32 s1, s30  }
0xba: {  	s0 =	sor.u32 s3, s0;
	s1 =	sshll.u32 s1, $0x11  }
0xbb: {  	s0 =	sor.u32 s1, s0  }
0xbc: {  	s0 =	sadd.s32 $0x8F2B, s0  }
0xbd: {  	[sflag:s0] =	ssyncadd.remote.s32 $0x1  }
0xbe: {  	_ =	sfence.sel $0xFFFF  }
0xbf: {  	[dreg:$0x0] =	wrdreg $0xFFFFFFFF;
	(pc) =	sbr.abs _section_cstart, $3  }
0xc0: {  	[dreg:$0x1] =	wrdreg $0xFFFFFFFF  }
0xc1: {  	_ =	task.clear_ibuf [dreg:s7], $0x2FFFF;
	_ =	strace $0x9FFFFFFF  }
0xc2: {  	(tm) =	ssettm $0x7FFFFFFF  }
0xc3: {  	_ =	shalt  }
tec
execute0_lowered:
.L_overlay_start_1:
0x0: {  	(tag) =	ssettag $0x1  }
0x1: {  	s0 =	rddreg [dreg:$0x0]  }
0x2: {  	s8 =	rddreg [dreg:$0x1]  }
0x3: {  	s3 =	srdreg.scid;
	s1 =	stileid.u32;
	s2 =	simm.s32 $0x0  }
0x4: {  	s11 =	simm.s32 $0x100;
	s12 =	simm.s32 $0x6400;
	s13 =	simm.s32 $0xA400  }
0x5: {  	s14 =	simm.s32 $0x200;
	s15 =	simm.s32 $0xE400;
	s16 =	simm.s32 $0x1  }
0x6: {  	s17 =	simm.s32 $0x16400;
	s18 =	simm.s32 $0x12400;
	s19 =	simm.s32 $0x2  }
0x7: {  	s20 =	simm.s32 $0x1A800;
	s21 =	simm.s32 $0x3;
	s22 =	simm.s32 $0x5  }
0x8: {  	s23 =	simm.s32 $0x4;
	s24 =	simm.s32 $0x6;
	s25 =	simm.s32 $0x0  }
0x9: {  	s3 =	sand.u32 $0x1, s3;
	s4 =	sshll.u32 s1, $0x1;
	[smem:$0x7FF] =	sst s2  }
.Ltmp0:
0xa: {  	s5 =	ssub.s32 $0x2, s3;
	_ =	strace $0x80000047;
	(pc) =	sbr.rel .LBB2_1-.Ltmp0, $4  }
0xb: {  	s6 =	sor.u32 s3, s4;
	s3 =	sadd.s32 $0xF42A00, s8;
	s4 =	sadd.s32 $0x600, s8  }
0xc: {  	s7 =	sshrl.u32 s5, $0x1;
	s9 =	smul.u32 $0xC80, s6;
	s6 =	sshll.u32 s6, $0x7  }
0xd: {  	s10 =	ssub.s32 s5, s7;
	s7 =	sadd.s32 $0x10600, s8;
	s8 =	sadd.s32 $0x20600, s8  }
0xe: {  	s5 =	sadd.s32 s0, s9;
	s9 =	smax.u32 s10, $0x1;
	s10 =	simm.s32 $0x7  }
.LBB2_12:
0xf: {  	s25 =	sadd.s32 $0x1, s25  }
0x10: {  	_ =	swait.ge [sflag:s22], $0x80;
	p0 =	sne.s32 s25, s9  }
.Ltmp1:
0x11: {  	[sflag:s22] =	ssyncset.done $0x0;
	(pc) =	sbr.rel @!p0 .LBB2_13-.Ltmp1, $4  }
0x12: {  	[sflag:s22] =	ssyncadd.s32 $0xFFFFFF80  }
0x13: {  	_ =	swait.ge [sflag:s24], $0x80  }
0x14: {  	[sflag:s24] =	ssyncset.done $0x0  }
0x15: {  	[sflag:s24] =	ssyncadd.s32 $0xFFFFFF80  }
.LBB2_1:
0x16: {  	[tilespmem:s2], [sflag:$0x7] =	stream.linear.gather [hbm4b:s5+s2], $0x6400, $0x38;
	[tilespmem:$0x1EC00] =	vst v63  }
0x17: {  	_ =	swait.ge [sflag:s10], $0x6400  }
0x18: {  	[sflag:s10] =	ssyncset.done $0x0  }
0x19: {  	[sflag:s10] =	ssyncadd.s32 $0xFFFF9C00  }
0x1a: {  	[tilespmem:s12], [sflag:$0x1] =	stream.indirect.gather [hbm4b:s3+s11], $0x40, s2, s11, $0xb8;
	[tilespmem:$0x1EC00] =	vst v63  }
0x1b: {  	_ = 	snop  }
0x1c: {  	[tilespmem:s13], [sflag:$0x2] =	stream.indirect.gather [hbm4b:s3+s11], $0x40, s11, s11, $0xb8;
	[tilespmem:$0x1EC00] =	vst v63  }
0x1d: {  	s26 =	simm.s32 $0x0  }
0x1e: {  	[tilespmem:s15], [sflag:$0x3] =	stream.indirect.gather [hbm4b:s3+s11], $0x40, s14, s11, $0xb8;
	[tilespmem:$0x1EC00] =	vst v63  }
.LBB2_2:
0x1f: {  	_ =	swait.ge [sflag:s16], $0x4000  }
0x20: {  	p0 =	seq.s32 s26, $0x0;
	[sflag:s16] =	ssyncset.done $0x0  }
0x21: {  	s0 =	simm.s32 @!p0 $0x5;
	[sflag:s16] =	ssyncadd.s32 $0xFFFFC000  }
0x22: {  	_ =	swait.ge @!p0 [sflag:s0], $0x80  }
0x23: {  	[sflag:s0] =	ssyncset.done @!p0 $0x0  }
0x24: {  	s28 =	simm.s32 $0x6500;
	[sflag:s0] =	ssyncadd.s32 @!p0 $0xFFFFFF80  }
0x25: {  	v0 =	vld [tilespmem:s28+$0xFFFFFF00];
	_ =	sdelay $0x4  }
0x26: {  	v0 =	vmul.f32 $8.000000000e+00, v0;
	_ =	sdelay $0x1  }
0x27: {  	[tilespmem:$0x16400] =	vst v0  }
0x28: {  	v0 =	vld [tilespmem:s28+$0xFFFFFF10];
	_ =	sdelay $0x4  }
0x29: {  	v0 =	vmul.f32 $8.000000000e+00, v0;
	_ =	sdelay $0x1  }
0x2a: {  	[tilespmem:$0x16488] =	vst v0  }
0x2b: {  	v0 =	vld [tilespmem:s28+$0xFFFFFF20];
	_ =	sdelay $0x4  }
0x2c: {  	v0 =	vmul.f32 $8.000000000e+00, v0;
	_ =	sdelay $0x1  }
0x2d: {  	[tilespmem:$0x16510] =	vst v0  }
0x2e: {  	v0 =	vld [tilespmem:s28+$0xFFFFFF30];
	_ =	sdelay $0x4  }
0x2f: {  	v0 =	vmul.f32 $8.000000000e+00, v0;
	_ =	sdelay $0x1  }
0x30: {  	[tilespmem:$0x16598] =	vst v0  }
0x31: {  	v0 =	vld [tilespmem:s28+$0xFFFFFF40];
	_ =	sdelay $0x4  }
0x32: {  	v0 =	vmul.f32 $8.000000000e+00, v0;
	_ =	sdelay $0x1  }
0x33: {  	[tilespmem:$0x16400] =	vst v0  }
0x34: {  	v0 =	vld [tilespmem:s28+$0xFFFFFF50];
	_ =	sdelay $0x4  }
0x35: {  	v0 =	vmul.f32 $8.000000000e+00, v0;
	_ =	sdelay $0x1  }
0x36: {  	[tilespmem:$0x16488] =	vst v0  }
0x37: {  	v0 =	vld [tilespmem:s28+$0xFFFFFF60];
	_ =	sdelay $0x4  }
0x38: {  	v0 =	vmul.f32 $8.000000000e+00, v0;
	_ =	sdelay $0x1  }
0x39: {  	[tilespmem:$0x16510] =	vst v0  }
0x3a: {  	v0 =	vld [tilespmem:s28+$0xFFFFFF70];
	_ =	sdelay $0x4  }
0x3b: {  	v0 =	vmul.f32 $8.000000000e+00, v0;
	_ =	sdelay $0x1  }
0x3c: {  	[tilespmem:$0x16598] =	vst v0  }
0x3d: {  	v0 =	vld [tilespmem:s28+$0xFFFFFF80];
	_ =	sdelay $0x4  }
0x3e: {  	v0 =	vmul.f32 $8.000000000e+00, v0;
	_ =	sdelay $0x1  }
0x3f: {  	[tilespmem:$0x16400] =	vst v0  }
0x40: {  	v0 =	vld [tilespmem:s28+$0xFFFFFF90];
	_ =	sdelay $0x4  }
0x41: {  	v0 =	vmul.f32 $8.000000000e+00, v0;
	_ =	sdelay $0x1  }
0x42: {  	[tilespmem:$0x16488] =	vst v0  }
0x43: {  	v0 =	vld [tilespmem:s28+$0xFFFFFFA0];
	_ =	sdelay $0x4  }
0x44: {  	v0 =	vmul.f32 $8.000000000e+00, v0;
	_ =	sdelay $0x1  }
0x45: {  	[tilespmem:$0x16510] =	vst v0  }
0x46: {  	v0 =	vld [tilespmem:s28+$0xFFFFFFB0];
	_ =	sdelay $0x4  }
0x47: {  	v0 =	vmul.f32 $8.000000000e+00, v0;
	_ =	sdelay $0x1  }
0x48: {  	[tilespmem:$0x16598] =	vst v0  }
0x49: {  	v0 =	vld [tilespmem:s28+$0xFFFFFFC0];
	_ =	sdelay $0x4  }
0x4a: {  	v0 =	vmul.f32 $8.000000000e+00, v0;
	_ =	sdelay $0x1  }
0x4b: {  	[tilespmem:$0x16400] =	vst v0  }
0x4c: {  	v0 =	vld [tilespmem:s28+$0xFFFFFFD0];
	_ =	sdelay $0x4  }
0x4d: {  	v0 =	vmul.f32 $8.000000000e+00, v0;
	_ =	sdelay $0x1  }
0x4e: {  	[tilespmem:$0x16488] =	vst v0  }
0x4f: {  	v0 =	vld [tilespmem:s28+$0xFFFFFFE0];
	_ =	sdelay $0x4  }
0x50: {  	v0 =	vmul.f32 $8.000000000e+00, v0;
	_ =	sdelay $0x1  }
0x51: {  	[tilespmem:$0x16510] =	vst v0  }
0x52: {  	v0 =	vld [tilespmem:s28+$0xFFFFFFF0];
	_ =	sdelay $0x4  }
0x53: {  	v0 =	vmul.f32 $8.000000000e+00, v0;
	_ =	sdelay $0x1  }
0x54: {  	[tilespmem:$0x16598] =	vst v0  }
0x55: {  	v0 =	vld [tilespmem:s28+$0x0];
	_ =	sdelay $0x4  }
0x56: {  	v0 =	vmul.f32 $8.000000000e+00, v0;
	_ =	sdelay $0x1  }
0x57: {  	[tilespmem:$0x16400] =	vst v0  }
0x58: {  	v0 =	vld [tilespmem:s28+$0x10];
	_ =	sdelay $0x4  }
0x59: {  	v0 =	vmul.f32 $8.000000000e+00, v0;
	_ =	sdelay $0x1  }
0x5a: {  	[tilespmem:$0x16488] =	vst v0  }
0x5b: {  	v0 =	vld [tilespmem:s28+$0x20];
	_ =	sdelay $0x4  }
0x5c: {  	v0 =	vmul.f32 $8.000000000e+00, v0;
	_ =	sdelay $0x1  }
0x5d: {  	[tilespmem:$0x16510] =	vst v0  }
0x5e: {  	v0 =	vld [tilespmem:s28+$0x30];
	_ =	sdelay $0x4  }
0x5f: {  	v0 =	vmul.f32 $8.000000000e+00, v0;
	_ =	sdelay $0x1  }
0x60: {  	[tilespmem:$0x16598] =	vst v0  }
0x61: {  	v0 =	vld [tilespmem:s28+$0x40];
	_ =	sdelay $0x4  }
0x62: {  	v0 =	vmul.f32 $8.000000000e+00, v0;
	_ =	sdelay $0x1  }
0x63: {  	[tilespmem:$0x16400] =	vst v0  }
0x64: {  	v0 =	vld [tilespmem:s28+$0x50];
	_ =	sdelay $0x4  }
0x65: {  	v0 =	vmul.f32 $8.000000000e+00, v0;
	_ =	sdelay $0x1  }
0x66: {  	[tilespmem:$0x16488] =	vst v0  }
0x67: {  	v0 =	vld [tilespmem:s28+$0x60];
	_ =	sdelay $0x4  }
0x68: {  	v0 =	vmul.f32 $8.000000000e+00, v0;
	_ =	sdelay $0x1  }
0x69: {  	[tilespmem:$0x16510] =	vst v0  }
0x6a: {  	v0 =	vld [tilespmem:s28+$0x70];
	_ =	sdelay $0x4  }
0x6b: {  	v0 =	vmul.f32 $8.000000000e+00, v0;
	_ =	sdelay $0x1  }
0x6c: {  	[tilespmem:$0x16598] =	vst v0  }
0x6d: {  	v0 =	vld [tilespmem:s28+$0x80];
	_ =	sdelay $0x4  }
0x6e: {  	v0 =	vmul.f32 $8.000000000e+00, v0;
	_ =	sdelay $0x1  }
0x6f: {  	[tilespmem:$0x16400] =	vst v0  }
0x70: {  	v0 =	vld [tilespmem:s28+$0x90];
	_ =	sdelay $0x4  }
0x71: {  	v0 =	vmul.f32 $8.000000000e+00, v0;
	_ =	sdelay $0x1  }
0x72: {  	[tilespmem:$0x16488] =	vst v0  }
0x73: {  	v0 =	vld [tilespmem:s28+$0xA0];
	_ =	sdelay $0x4  }
0x74: {  	v0 =	vmul.f32 $8.000000000e+00, v0;
	_ =	sdelay $0x1  }
0x75: {  	[tilespmem:$0x16510] =	vst v0  }
0x76: {  	v0 =	vld [tilespmem:s28+$0xB0];
	_ =	sdelay $0x4  }
0x77: {  	v0 =	vmul.f32 $8.000000000e+00, v0;
	_ =	sdelay $0x1  }
0x78: {  	[tilespmem:$0x16598] =	vst v0  }
0x79: {  	v0 =	vld [tilespmem:s28+$0xC0];
	_ =	sdelay $0x4  }
0x7a: {  	v0 =	vmul.f32 $8.000000000e+00, v0;
	_ =	sdelay $0x1  }
0x7b: {  	[tilespmem:$0x16400] =	vst v0  }
0x7c: {  	v0 =	vld [tilespmem:s28+$0xD0];
	_ =	sdelay $0x4  }
0x7d: {  	v0 =	vmul.f32 $8.000000000e+00, v0;
	_ =	sdelay $0x1  }
0x7e: {  	[tilespmem:$0x16488] =	vst v0  }
0x7f: {  	v0 =	vld [tilespmem:s28+$0xE0];
	_ =	sdelay $0x4  }
0x80: {  	v0 =	vmul.f32 $8.000000000e+00, v0;
	_ =	sdelay $0x1  }
0x81: {  	[tilespmem:$0x16510] =	vst v0  }
0x82: {  	v0 =	vld [tilespmem:s28+$0xF0];
	_ =	sdelay $0x4  }
0x83: {  	s30 =	sshll.u32 s26, $0x2;
	s29 =	simm.s32 $0x0;
	v0 =	vmul.f32 $8.000000000e+00, v0  }
.LBB2_3:
0x84: {  	_ = 	snop  }
0x85: {  	s29 =	sadd.s32 $0x8, s29;
	s28 =	sadd.s32 $0x200, s28;
	[tilespmem:$0x16598] =	vst v0  }
0x86: {  	p1 =	slt.u32 s29, $0xF8;
	v0 =	vld [tilespmem:s28+$0xFFFFFF00];
	_ =	sdelay $0x4  }
0x87: {  	v0 =	vmul.f32 $8.000000000e+00, v0;
	_ =	sdelay $0x1  }
0x88: {  	[tilespmem:$0x16400] =	vst v0  }
0x89: {  	v0 =	vld [tilespmem:s28+$0xFFFFFF10];
	_ =	sdelay $0x4  }
0x8a: {  	v0 =	vmul.f32 $8.000000000e+00, v0;
	_ =	sdelay $0x1  }
0x8b: {  	[tilespmem:$0x16488] =	vst v0  }
0x8c: {  	v0 =	vld [tilespmem:s28+$0xFFFFFF20];
	_ =	sdelay $0x4  }
0x8d: {  	v0 =	vmul.f32 $8.000000000e+00, v0;
	_ =	sdelay $0x1  }
0x8e: {  	[tilespmem:$0x16510] =	vst v0  }
0x8f: {  	v0 =	vld [tilespmem:s28+$0xFFFFFF30];
	_ =	sdelay $0x4  }
0x90: {  	v0 =	vmul.f32 $8.000000000e+00, v0;
	_ =	sdelay $0x1  }
0x91: {  	[tilespmem:$0x16598] =	vst v0  }
0x92: {  	v0 =	vld [tilespmem:s28+$0xFFFFFF40];
	_ =	sdelay $0x4  }
0x93: {  	v0 =	vmul.f32 $8.000000000e+00, v0;
	_ =	sdelay $0x1  }
0x94: {  	[tilespmem:$0x16400] =	vst v0  }
0x95: {  	v0 =	vld [tilespmem:s28+$0xFFFFFF50];
	_ =	sdelay $0x4  }
0x96: {  	v0 =	vmul.f32 $8.000000000e+00, v0;
	_ =	sdelay $0x1  }
0x97: {  	[tilespmem:$0x16488] =	vst v0  }
0x98: {  	v0 =	vld [tilespmem:s28+$0xFFFFFF60];
	_ =	sdelay $0x4  }
0x99: {  	v0 =	vmul.f32 $8.000000000e+00, v0;
	_ =	sdelay $0x1  }
0x9a: {  	[tilespmem:$0x16510] =	vst v0  }
0x9b: {  	v0 =	vld [tilespmem:s28+$0xFFFFFF70];
	_ =	sdelay $0x4  }
0x9c: {  	v0 =	vmul.f32 $8.000000000e+00, v0;
	_ =	sdelay $0x1  }
0x9d: {  	[tilespmem:$0x16598] =	vst v0  }
0x9e: {  	v0 =	vld [tilespmem:s28+$0xFFFFFF80];
	_ =	sdelay $0x4  }
0x9f: {  	v0 =	vmul.f32 $8.000000000e+00, v0;
	_ =	sdelay $0x1  }
0xa0: {  	[tilespmem:$0x16400] =	vst v0  }
0xa1: {  	v0 =	vld [tilespmem:s28+$0xFFFFFF90];
	_ =	sdelay $0x4  }
0xa2: {  	v0 =	vmul.f32 $8.000000000e+00, v0;
	_ =	sdelay $0x1  }
0xa3: {  	[tilespmem:$0x16488] =	vst v0  }
0xa4: {  	v0 =	vld [tilespmem:s28+$0xFFFFFFA0];
	_ =	sdelay $0x4  }
0xa5: {  	v0 =	vmul.f32 $8.000000000e+00, v0;
	_ =	sdelay $0x1  }
0xa6: {  	[tilespmem:$0x16510] =	vst v0  }
0xa7: {  	v0 =	vld [tilespmem:s28+$0xFFFFFFB0];
	_ =	sdelay $0x4  }
0xa8: {  	v0 =	vmul.f32 $8.000000000e+00, v0;
	_ =	sdelay $0x1  }
0xa9: {  	[tilespmem:$0x16598] =	vst v0  }
0xaa: {  	v0 =	vld [tilespmem:s28+$0xFFFFFFC0];
	_ =	sdelay $0x4  }
0xab: {  	v0 =	vmul.f32 $8.000000000e+00, v0;
	_ =	sdelay $0x1  }
0xac: {  	[tilespmem:$0x16400] =	vst v0  }
0xad: {  	v0 =	vld [tilespmem:s28+$0xFFFFFFD0];
	_ =	sdelay $0x4  }
0xae: {  	v0 =	vmul.f32 $8.000000000e+00, v0;
	_ =	sdelay $0x1  }
0xaf: {  	[tilespmem:$0x16488] =	vst v0  }
0xb0: {  	v0 =	vld [tilespmem:s28+$0xFFFFFFE0];
	_ =	sdelay $0x4  }
0xb1: {  	v0 =	vmul.f32 $8.000000000e+00, v0;
	_ =	sdelay $0x1  }
0xb2: {  	[tilespmem:$0x16510] =	vst v0  }
0xb3: {  	v0 =	vld [tilespmem:s28+$0xFFFFFFF0];
	_ =	sdelay $0x4  }
0xb4: {  	v0 =	vmul.f32 $8.000000000e+00, v0;
	_ =	sdelay $0x1  }
0xb5: {  	[tilespmem:$0x16598] =	vst v0  }
0xb6: {  	v0 =	vld [tilespmem:s28+$0x0];
	_ =	sdelay $0x4  }
0xb7: {  	v0 =	vmul.f32 $8.000000000e+00, v0;
	_ =	sdelay $0x1  }
0xb8: {  	[tilespmem:$0x16400] =	vst v0  }
0xb9: {  	v0 =	vld [tilespmem:s28+$0x10];
	_ =	sdelay $0x4  }
0xba: {  	v0 =	vmul.f32 $8.000000000e+00, v0;
	_ =	sdelay $0x1  }
0xbb: {  	[tilespmem:$0x16488] =	vst v0  }
0xbc: {  	v0 =	vld [tilespmem:s28+$0x20];
	_ =	sdelay $0x4  }
0xbd: {  	v0 =	vmul.f32 $8.000000000e+00, v0;
	_ =	sdelay $0x1  }
0xbe: {  	[tilespmem:$0x16510] =	vst v0  }
0xbf: {  	v0 =	vld [tilespmem:s28+$0x30];
	_ =	sdelay $0x4  }
0xc0: {  	v0 =	vmul.f32 $8.000000000e+00, v0;
	_ =	sdelay $0x1  }
0xc1: {  	[tilespmem:$0x16598] =	vst v0  }
0xc2: {  	v0 =	vld [tilespmem:s28+$0x40];
	_ =	sdelay $0x4  }
0xc3: {  	v0 =	vmul.f32 $8.000000000e+00, v0;
	_ =	sdelay $0x1  }
0xc4: {  	[tilespmem:$0x16400] =	vst v0  }
0xc5: {  	v0 =	vld [tilespmem:s28+$0x50];
	_ =	sdelay $0x4  }
0xc6: {  	v0 =	vmul.f32 $8.000000000e+00, v0;
	_ =	sdelay $0x1  }
0xc7: {  	[tilespmem:$0x16488] =	vst v0  }
0xc8: {  	v0 =	vld [tilespmem:s28+$0x60];
	_ =	sdelay $0x4  }
0xc9: {  	v0 =	vmul.f32 $8.000000000e+00, v0;
	_ =	sdelay $0x1  }
0xca: {  	[tilespmem:$0x16510] =	vst v0  }
0xcb: {  	v0 =	vld [tilespmem:s28+$0x70];
	_ =	sdelay $0x4  }
0xcc: {  	v0 =	vmul.f32 $8.000000000e+00, v0;
	_ =	sdelay $0x1  }
0xcd: {  	[tilespmem:$0x16598] =	vst v0  }
0xce: {  	v0 =	vld [tilespmem:s28+$0x80];
	_ =	sdelay $0x4  }
0xcf: {  	v0 =	vmul.f32 $8.000000000e+00, v0;
	_ =	sdelay $0x1  }
0xd0: {  	[tilespmem:$0x16400] =	vst v0  }
0xd1: {  	v0 =	vld [tilespmem:s28+$0x90];
	_ =	sdelay $0x4  }
0xd2: {  	v0 =	vmul.f32 $8.000000000e+00, v0;
	_ =	sdelay $0x1  }
0xd3: {  	[tilespmem:$0x16488] =	vst v0  }
0xd4: {  	v0 =	vld [tilespmem:s28+$0xA0];
	_ =	sdelay $0x4  }
0xd5: {  	v0 =	vmul.f32 $8.000000000e+00, v0;
	_ =	sdelay $0x1  }
0xd6: {  	[tilespmem:$0x16510] =	vst v0  }
0xd7: {  	v0 =	vld [tilespmem:s28+$0xB0];
	_ =	sdelay $0x4  }
0xd8: {  	v0 =	vmul.f32 $8.000000000e+00, v0;
	_ =	sdelay $0x1  }
0xd9: {  	[tilespmem:$0x16598] =	vst v0  }
0xda: {  	v0 =	vld [tilespmem:s28+$0xC0];
	_ =	sdelay $0x4  }
0xdb: {  	v0 =	vmul.f32 $8.000000000e+00, v0;
	_ =	sdelay $0x1  }
0xdc: {  	[tilespmem:$0x16400] =	vst v0  }
0xdd: {  	v0 =	vld [tilespmem:s28+$0xD0];
	_ =	sdelay $0x4  }
0xde: {  	v0 =	vmul.f32 $8.000000000e+00, v0;
	_ =	sdelay $0x1  }
0xdf: {  	[tilespmem:$0x16488] =	vst v0  }
0xe0: {  	v0 =	vld [tilespmem:s28+$0xE0];
	_ =	sdelay $0x4  }
0xe1: {  	v0 =	vmul.f32 $8.000000000e+00, v0;
	_ =	sdelay $0x1  }
0xe2: {  	[tilespmem:$0x16510] =	vst v0  }
0xe3: {  	v0 =	vld [tilespmem:s28+$0xF0]  }
.Ltmp2:
0xe4: {  	(pc) =	sbr.rel @p1 .LBB2_3-.Ltmp2, $2  }
0xe5: {  	_ =	sdelay $0x2  }
0xe6: {  	v0 =	vmul.f32 $8.000000000e+00, v0  }
0xe7: {  	s0 =	sshll.u32 s26, $0x15  }
0xe8: {  	s0 =	sor.u32 s6, s0  }
0xe9: {  	s28 =	sor.u32 $0x3, s30;
	s29 =	sshrl.u32 s0, $0x3  }
0xea: {  	[tilespmem:$0x16598] =	vst v0;
	s1 =	sshll.u32 s28, $0x8;
	s0 =	sadd.s32 s4, s29  }
0xeb: {  	[hbm4b:s0+s2] =	stream.linear.scatter [tilespmem:s17], [sflag:$0x5], $0x80, $0x38;
	[tilespmem:$0x1EC00] =	vst v63  }
0xec: {  	s0 =	sand.u32 $0x3FFFFF00, s1  }
0xed: {  	[tilespmem:s18], [sflag:$0x4] =	stream.indirect.gather [hbm4b:s3+s11], $0x40, s0, s11, $0xb8;
	[tilespmem:$0x1EC00] =	vst v63  }
0xee: {  	_ =	swait.ge [sflag:s19], $0x4000  }
0xef: {  	[sflag:s19] =	ssyncset.done $0x0  }
0xf0: {  	s0 =	simm.s32 @!p0 $0x6;
	[sflag:s19] =	ssyncadd.s32 $0xFFFFC000  }
0xf1: {  	_ =	swait.ge @!p0 [sflag:s0], $0x80  }
0xf2: {  	[sflag:s0] =	ssyncset.done @!p0 $0x0  }
0xf3: {  	s30 =	simm.s32 $0xA500;
	[sflag:s0] =	ssyncadd.s32 @!p0 $0xFFFFFF80  }
0xf4: {  	v0 =	vld [tilespmem:s30+$0xFFFFFF00];
	_ =	sdelay $0x4  }
0xf5: {  	v0 =	vmul.f32 $8.000000000e+00, v0;
	_ =	sdelay $0x1  }
0xf6: {  	[tilespmem:$0x1A800] =	vst v0  }
0xf7: {  	v0 =	vld [tilespmem:s30+$0xFFFFFF10];
	_ =	sdelay $0x4  }
0xf8: {  	v0 =	vmul.f32 $8.000000000e+00, v0;
	_ =	sdelay $0x1  }
0xf9: {  	[tilespmem:$0x1A888] =	vst v0  }
0xfa: {  	v0 =	vld [tilespmem:s30+$0xFFFFFF20];
	_ =	sdelay $0x4  }
0xfb: {  	v0 =	vmul.f32 $8.000000000e+00, v0;
	_ =	sdelay $0x1  }
0xfc: {  	[tilespmem:$0x1A910] =	vst v0  }
0xfd: {  	v0 =	vld [tilespmem:s30+$0xFFFFFF30];
	_ =	sdelay $0x4  }
0xfe: {  	v0 =	vmul.f32 $8.000000000e+00, v0;
	_ =	sdelay $0x1  }
0xff: {  	[tilespmem:$0x1A998] =	vst v0  }
0x100: {  	v0 =	vld [tilespmem:s30+$0xFFFFFF40];
	_ =	sdelay $0x4  }
0x101: {  	v0 =	vmul.f32 $8.000000000e+00, v0;
	_ =	sdelay $0x1  }
0x102: {  	[tilespmem:$0x1A800] =	vst v0  }
0x103: {  	v0 =	vld [tilespmem:s30+$0xFFFFFF50];
	_ =	sdelay $0x4  }
0x104: {  	v0 =	vmul.f32 $8.000000000e+00, v0;
	_ =	sdelay $0x1  }
0x105: {  	[tilespmem:$0x1A888] =	vst v0  }
0x106: {  	v0 =	vld [tilespmem:s30+$0xFFFFFF60];
	_ =	sdelay $0x4  }
0x107: {  	v0 =	vmul.f32 $8.000000000e+00, v0;
	_ =	sdelay $0x1  }
0x108: {  	[tilespmem:$0x1A910] =	vst v0  }
0x109: {  	v0 =	vld [tilespmem:s30+$0xFFFFFF70];
	_ =	sdelay $0x4  }
0x10a: {  	v0 =	vmul.f32 $8.000000000e+00, v0;
	_ =	sdelay $0x1  }
0x10b: {  	[tilespmem:$0x1A998] =	vst v0  }
0x10c: {  	v0 =	vld [tilespmem:s30+$0xFFFFFF80];
	_ =	sdelay $0x4  }
0x10d: {  	v0 =	vmul.f32 $8.000000000e+00, v0;
	_ =	sdelay $0x1  }
0x10e: {  	[tilespmem:$0x1A800] =	vst v0  }
0x10f: {  	v0 =	vld [tilespmem:s30+$0xFFFFFF90];
	_ =	sdelay $0x4  }
0x110: {  	v0 =	vmul.f32 $8.000000000e+00, v0;
	_ =	sdelay $0x1  }
0x111: {  	[tilespmem:$0x1A888] =	vst v0  }
0x112: {  	v0 =	vld [tilespmem:s30+$0xFFFFFFA0];
	_ =	sdelay $0x4  }
0x113: {  	v0 =	vmul.f32 $8.000000000e+00, v0;
	_ =	sdelay $0x1  }
0x114: {  	[tilespmem:$0x1A910] =	vst v0  }
0x115: {  	v0 =	vld [tilespmem:s30+$0xFFFFFFB0];
	_ =	sdelay $0x4  }
0x116: {  	v0 =	vmul.f32 $8.000000000e+00, v0;
	_ =	sdelay $0x1  }
0x117: {  	[tilespmem:$0x1A998] =	vst v0  }
0x118: {  	v0 =	vld [tilespmem:s30+$0xFFFFFFC0];
	_ =	sdelay $0x4  }
0x119: {  	v0 =	vmul.f32 $8.000000000e+00, v0;
	_ =	sdelay $0x1  }
0x11a: {  	[tilespmem:$0x1A800] =	vst v0  }
0x11b: {  	v0 =	vld [tilespmem:s30+$0xFFFFFFD0];
	_ =	sdelay $0x4  }
0x11c: {  	v0 =	vmul.f32 $8.000000000e+00, v0;
	_ =	sdelay $0x1  }
0x11d: {  	[tilespmem:$0x1A888] =	vst v0  }
0x11e: {  	v0 =	vld [tilespmem:s30+$0xFFFFFFE0];
	_ =	sdelay $0x4  }
0x11f: {  	v0 =	vmul.f32 $8.000000000e+00, v0;
	_ =	sdelay $0x1  }
0x120: {  	[tilespmem:$0x1A910] =	vst v0  }
0x121: {  	v0 =	vld [tilespmem:s30+$0xFFFFFFF0];
	_ =	sdelay $0x4  }
0x122: {  	v0 =	vmul.f32 $8.000000000e+00, v0;
	_ =	sdelay $0x1  }
0x123: {  	[tilespmem:$0x1A998] =	vst v0  }
0x124: {  	v0 =	vld [tilespmem:s30+$0x0];
	_ =	sdelay $0x4  }
0x125: {  	v0 =	vmul.f32 $8.000000000e+00, v0;
	_ =	sdelay $0x1  }
0x126: {  	[tilespmem:$0x1A800] =	vst v0  }
0x127: {  	v0 =	vld [tilespmem:s30+$0x10];
	_ =	sdelay $0x4  }
0x128: {  	v0 =	vmul.f32 $8.000000000e+00, v0;
	_ =	sdelay $0x1  }
0x129: {  	[tilespmem:$0x1A888] =	vst v0  }
0x12a: {  	v0 =	vld [tilespmem:s30+$0x20];
	_ =	sdelay $0x4  }
0x12b: {  	v0 =	vmul.f32 $8.000000000e+00, v0;
	_ =	sdelay $0x1  }
0x12c: {  	[tilespmem:$0x1A910] =	vst v0  }
0x12d: {  	v0 =	vld [tilespmem:s30+$0x30];
	_ =	sdelay $0x4  }
0x12e: {  	v0 =	vmul.f32 $8.000000000e+00, v0;
	_ =	sdelay $0x1  }
0x12f: {  	[tilespmem:$0x1A998] =	vst v0  }
0x130: {  	v0 =	vld [tilespmem:s30+$0x40];
	_ =	sdelay $0x4  }
0x131: {  	v0 =	vmul.f32 $8.000000000e+00, v0;
	_ =	sdelay $0x1  }
0x132: {  	[tilespmem:$0x1A800] =	vst v0  }
0x133: {  	v0 =	vld [tilespmem:s30+$0x50];
	_ =	sdelay $0x4  }
0x134: {  	v0 =	vmul.f32 $8.000000000e+00, v0;
	_ =	sdelay $0x1  }
0x135: {  	[tilespmem:$0x1A888] =	vst v0  }
0x136: {  	v0 =	vld [tilespmem:s30+$0x60];
	_ =	sdelay $0x4  }
0x137: {  	v0 =	vmul.f32 $8.000000000e+00, v0;
	_ =	sdelay $0x1  }
0x138: {  	[tilespmem:$0x1A910] =	vst v0  }
0x139: {  	v0 =	vld [tilespmem:s30+$0x70];
	_ =	sdelay $0x4  }
0x13a: {  	v0 =	vmul.f32 $8.000000000e+00, v0;
	_ =	sdelay $0x1  }
0x13b: {  	[tilespmem:$0x1A998] =	vst v0  }
0x13c: {  	v0 =	vld [tilespmem:s30+$0x80];
	_ =	sdelay $0x4  }
0x13d: {  	v0 =	vmul.f32 $8.000000000e+00, v0;
	_ =	sdelay $0x1  }
0x13e: {  	[tilespmem:$0x1A800] =	vst v0  }
0x13f: {  	v0 =	vld [tilespmem:s30+$0x90];
	_ =	sdelay $0x4  }
0x140: {  	v0 =	vmul.f32 $8.000000000e+00, v0;
	_ =	sdelay $0x1  }
0x141: {  	[tilespmem:$0x1A888] =	vst v0  }
0x142: {  	v0 =	vld [tilespmem:s30+$0xA0];
	_ =	sdelay $0x4  }
0x143: {  	v0 =	vmul.f32 $8.000000000e+00, v0;
	_ =	sdelay $0x1  }
0x144: {  	[tilespmem:$0x1A910] =	vst v0  }
0x145: {  	v0 =	vld [tilespmem:s30+$0xB0];
	_ =	sdelay $0x4  }
0x146: {  	v0 =	vmul.f32 $8.000000000e+00, v0;
	_ =	sdelay $0x1  }
0x147: {  	[tilespmem:$0x1A998] =	vst v0  }
0x148: {  	v0 =	vld [tilespmem:s30+$0xC0];
	_ =	sdelay $0x4  }
0x149: {  	v0 =	vmul.f32 $8.000000000e+00, v0;
	_ =	sdelay $0x1  }
0x14a: {  	[tilespmem:$0x1A800] =	vst v0  }
0x14b: {  	v0 =	vld [tilespmem:s30+$0xD0];
	_ =	sdelay $0x4  }
0x14c: {  	v0 =	vmul.f32 $8.000000000e+00, v0;
	_ =	sdelay $0x1  }
0x14d: {  	[tilespmem:$0x1A888] =	vst v0  }
0x14e: {  	v0 =	vld [tilespmem:s30+$0xE0];
	_ =	sdelay $0x4  }
0x14f: {  	v0 =	vmul.f32 $8.000000000e+00, v0;
	_ =	sdelay $0x1  }
0x150: {  	[tilespmem:$0x1A910] =	vst v0  }
0x151: {  	v0 =	vld [tilespmem:s30+$0xF0];
	_ =	sdelay $0x4  }
0x152: {  	s31 =	simm.s32 $0x0;
	v0 =	vmul.f32 $8.000000000e+00, v0  }
.LBB2_5:
0x153: {  	_ = 	snop  }
0x154: {  	s31 =	sadd.s32 $0x8, s31;
	s30 =	sadd.s32 $0x200, s30;
	[tilespmem:$0x1A998] =	vst v0  }
0x155: {  	p0 =	slt.u32 s31, $0xF8;
	v0 =	vld [tilespmem:s30+$0xFFFFFF00];
	_ =	sdelay $0x4  }
0x156: {  	v0 =	vmul.f32 $8.000000000e+00, v0;
	_ =	sdelay $0x1  }
0x157: {  	[tilespmem:$0x1A800] =	vst v0  }
0x158: {  	v0 =	vld [tilespmem:s30+$0xFFFFFF10];
	_ =	sdelay $0x4  }
0x159: {  	v0 =	vmul.f32 $8.000000000e+00, v0;
	_ =	sdelay $0x1  }
0x15a: {  	[tilespmem:$0x1A888] =	vst v0  }
0x15b: {  	v0 =	vld [tilespmem:s30+$0xFFFFFF20];
	_ =	sdelay $0x4  }
0x15c: {  	v0 =	vmul.f32 $8.000000000e+00, v0;
	_ =	sdelay $0x1  }
0x15d: {  	[tilespmem:$0x1A910] =	vst v0  }
0x15e: {  	v0 =	vld [tilespmem:s30+$0xFFFFFF30];
	_ =	sdelay $0x4  }
0x15f: {  	v0 =	vmul.f32 $8.000000000e+00, v0;
	_ =	sdelay $0x1  }
0x160: {  	[tilespmem:$0x1A998] =	vst v0  }
0x161: {  	v0 =	vld [tilespmem:s30+$0xFFFFFF40];
	_ =	sdelay $0x4  }
0x162: {  	v0 =	vmul.f32 $8.000000000e+00, v0;
	_ =	sdelay $0x1  }
0x163: {  	[tilespmem:$0x1A800] =	vst v0  }
0x164: {  	v0 =	vld [tilespmem:s30+$0xFFFFFF50];
	_ =	sdelay $0x4  }
0x165: {  	v0 =	vmul.f32 $8.000000000e+00, v0;
	_ =	sdelay $0x1  }
0x166: {  	[tilespmem:$0x1A888] =	vst v0  }
0x167: {  	v0 =	vld [tilespmem:s30+$0xFFFFFF60];
	_ =	sdelay $0x4  }
0x168: {  	v0 =	vmul.f32 $8.000000000e+00, v0;
	_ =	sdelay $0x1  }
0x169: {  	[tilespmem:$0x1A910] =	vst v0  }
0x16a: {  	v0 =	vld [tilespmem:s30+$0xFFFFFF70];
	_ =	sdelay $0x4  }
0x16b: {  	v0 =	vmul.f32 $8.000000000e+00, v0;
	_ =	sdelay $0x1  }
0x16c: {  	[tilespmem:$0x1A998] =	vst v0  }
0x16d: {  	v0 =	vld [tilespmem:s30+$0xFFFFFF80];
	_ =	sdelay $0x4  }
0x16e: {  	v0 =	vmul.f32 $8.000000000e+00, v0;
	_ =	sdelay $0x1  }
0x16f: {  	[tilespmem:$0x1A800] =	vst v0  }
0x170: {  	v0 =	vld [tilespmem:s30+$0xFFFFFF90];
	_ =	sdelay $0x4  }
0x171: {  	v0 =	vmul.f32 $8.000000000e+00, v0;
	_ =	sdelay $0x1  }
0x172: {  	[tilespmem:$0x1A888] =	vst v0  }
0x173: {  	v0 =	vld [tilespmem:s30+$0xFFFFFFA0];
	_ =	sdelay $0x4  }
0x174: {  	v0 =	vmul.f32 $8.000000000e+00, v0;
	_ =	sdelay $0x1  }
0x175: {  	[tilespmem:$0x1A910] =	vst v0  }
0x176: {  	v0 =	vld [tilespmem:s30+$0xFFFFFFB0];
	_ =	sdelay $0x4  }
0x177: {  	v0 =	vmul.f32 $8.000000000e+00, v0;
	_ =	sdelay $0x1  }
0x178: {  	[tilespmem:$0x1A998] =	vst v0  }
0x179: {  	v0 =	vld [tilespmem:s30+$0xFFFFFFC0];
	_ =	sdelay $0x4  }
0x17a: {  	v0 =	vmul.f32 $8.000000000e+00, v0;
	_ =	sdelay $0x1  }
0x17b: {  	[tilespmem:$0x1A800] =	vst v0  }
0x17c: {  	v0 =	vld [tilespmem:s30+$0xFFFFFFD0];
	_ =	sdelay $0x4  }
0x17d: {  	v0 =	vmul.f32 $8.000000000e+00, v0;
	_ =	sdelay $0x1  }
0x17e: {  	[tilespmem:$0x1A888] =	vst v0  }
0x17f: {  	v0 =	vld [tilespmem:s30+$0xFFFFFFE0];
	_ =	sdelay $0x4  }
0x180: {  	v0 =	vmul.f32 $8.000000000e+00, v0;
	_ =	sdelay $0x1  }
0x181: {  	[tilespmem:$0x1A910] =	vst v0  }
0x182: {  	v0 =	vld [tilespmem:s30+$0xFFFFFFF0];
	_ =	sdelay $0x4  }
0x183: {  	v0 =	vmul.f32 $8.000000000e+00, v0;
	_ =	sdelay $0x1  }
0x184: {  	[tilespmem:$0x1A998] =	vst v0  }
0x185: {  	v0 =	vld [tilespmem:s30+$0x0];
	_ =	sdelay $0x4  }
0x186: {  	v0 =	vmul.f32 $8.000000000e+00, v0;
	_ =	sdelay $0x1  }
0x187: {  	[tilespmem:$0x1A800] =	vst v0  }
0x188: {  	v0 =	vld [tilespmem:s30+$0x10];
	_ =	sdelay $0x4  }
0x189: {  	v0 =	vmul.f32 $8.000000000e+00, v0;
	_ =	sdelay $0x1  }
0x18a: {  	[tilespmem:$0x1A888] =	vst v0  }
0x18b: {  	v0 =	vld [tilespmem:s30+$0x20];
	_ =	sdelay $0x4  }
0x18c: {  	v0 =	vmul.f32 $8.000000000e+00, v0;
	_ =	sdelay $0x1  }
0x18d: {  	[tilespmem:$0x1A910] =	vst v0  }
0x18e: {  	v0 =	vld [tilespmem:s30+$0x30];
	_ =	sdelay $0x4  }
0x18f: {  	v0 =	vmul.f32 $8.000000000e+00, v0;
	_ =	sdelay $0x1  }
0x190: {  	[tilespmem:$0x1A998] =	vst v0  }
0x191: {  	v0 =	vld [tilespmem:s30+$0x40];
	_ =	sdelay $0x4  }
0x192: {  	v0 =	vmul.f32 $8.000000000e+00, v0;
	_ =	sdelay $0x1  }
0x193: {  	[tilespmem:$0x1A800] =	vst v0  }
0x194: {  	v0 =	vld [tilespmem:s30+$0x50];
	_ =	sdelay $0x4  }
0x195: {  	v0 =	vmul.f32 $8.000000000e+00, v0;
	_ =	sdelay $0x1  }
0x196: {  	[tilespmem:$0x1A888] =	vst v0  }
0x197: {  	v0 =	vld [tilespmem:s30+$0x60];
	_ =	sdelay $0x4  }
0x198: {  	v0 =	vmul.f32 $8.000000000e+00, v0;
	_ =	sdelay $0x1  }
0x199: {  	[tilespmem:$0x1A910] =	vst v0  }
0x19a: {  	v0 =	vld [tilespmem:s30+$0x70];
	_ =	sdelay $0x4  }
0x19b: {  	v0 =	vmul.f32 $8.000000000e+00, v0;
	_ =	sdelay $0x1  }
0x19c: {  	[tilespmem:$0x1A998] =	vst v0  }
0x19d: {  	v0 =	vld [tilespmem:s30+$0x80];
	_ =	sdelay $0x4  }
0x19e: {  	v0 =	vmul.f32 $8.000000000e+00, v0;
	_ =	sdelay $0x1  }
0x19f: {  	[tilespmem:$0x1A800] =	vst v0  }
0x1a0: {  	v0 =	vld [tilespmem:s30+$0x90];
	_ =	sdelay $0x4  }
0x1a1: {  	v0 =	vmul.f32 $8.000000000e+00, v0;
	_ =	sdelay $0x1  }
0x1a2: {  	[tilespmem:$0x1A888] =	vst v0  }
0x1a3: {  	v0 =	vld [tilespmem:s30+$0xA0];
	_ =	sdelay $0x4  }
0x1a4: {  	v0 =	vmul.f32 $8.000000000e+00, v0;
	_ =	sdelay $0x1  }
0x1a5: {  	[tilespmem:$0x1A910] =	vst v0  }
0x1a6: {  	v0 =	vld [tilespmem:s30+$0xB0];
	_ =	sdelay $0x4  }
0x1a7: {  	v0 =	vmul.f32 $8.000000000e+00, v0;
	_ =	sdelay $0x1  }
0x1a8: {  	[tilespmem:$0x1A998] =	vst v0  }
0x1a9: {  	v0 =	vld [tilespmem:s30+$0xC0];
	_ =	sdelay $0x4  }
0x1aa: {  	v0 =	vmul.f32 $8.000000000e+00, v0;
	_ =	sdelay $0x1  }
0x1ab: {  	[tilespmem:$0x1A800] =	vst v0  }
0x1ac: {  	v0 =	vld [tilespmem:s30+$0xD0];
	_ =	sdelay $0x4  }
0x1ad: {  	v0 =	vmul.f32 $8.000000000e+00, v0;
	_ =	sdelay $0x1  }
0x1ae: {  	[tilespmem:$0x1A888] =	vst v0  }
0x1af: {  	v0 =	vld [tilespmem:s30+$0xE0];
	_ =	sdelay $0x4  }
0x1b0: {  	v0 =	vmul.f32 $8.000000000e+00, v0;
	_ =	sdelay $0x1  }
0x1b1: {  	[tilespmem:$0x1A910] =	vst v0  }
0x1b2: {  	v0 =	vld [tilespmem:s30+$0xF0]  }
.Ltmp3:
0x1b3: {  	(pc) =	sbr.rel @p0 .LBB2_5-.Ltmp3, $2  }
0x1b4: {  	_ =	sdelay $0x2  }
0x1b5: {  	v0 =	vmul.f32 $8.000000000e+00, v0  }
0x1b6: {  	_ = 	snop  }
0x1b7: {  	s0 =	sadd.s32 s29, s7;
	p0 =	seq.s32 s26, $0x18;
	[tilespmem:$0x1A998] =	vst v0  }
0x1b8: {  	[hbm4b:s0+s2] =	stream.linear.scatter [tilespmem:s20], [sflag:$0x6], $0x80, $0x38;
	[tilespmem:$0x1EC00] =	vst v63  }
0x1b9: {  	s0 =	sshll.u32 @!p0 s26, $0xA  }
0x1ba: {  	s30 =	sand.u32 @!p0 $0x3FFFFC00, s0  }
0x1bb: {  	s31 =	simm.s32 @!p0 $0x100;
	s1 =	simm.s32 @!p0 $0x6400;
	s0 =	sadd.s32 @!p0 $0x400, s30  }
0x1bc: {  	[tilespmem:s1], [sflag:$0x1] =	stream.indirect.gather @!p0 [hbm4b:s3+s31], $0x40, s0, s31, $0xb8;
	[tilespmem:$0x1EC00] =	vst v63  }
0x1bd: {  	_ =	swait.ge [sflag:s21], $0x4000  }
0x1be: {  	[sflag:s21] =	ssyncset.done $0x0  }
0x1bf: {  	[sflag:s21] =	ssyncadd.s32 $0xFFFFC000  }
0x1c0: {  	_ =	swait.ge [sflag:s22], $0x80  }
0x1c1: {  	[sflag:s22] =	ssyncset.done $0x0  }
0x1c2: {  	s31 =	simm.s32 $0xE500;
	[sflag:s22] =	ssyncadd.s32 $0xFFFFFF80  }
0x1c3: {  	v0 =	vld [tilespmem:s31+$0xFFFFFF00];
	_ =	sdelay $0x4  }
0x1c4: {  	v0 =	vmul.f32 $8.000000000e+00, v0;
	_ =	sdelay $0x1  }
0x1c5: {  	[tilespmem:$0x16400] =	vst v0  }
0x1c6: {  	v0 =	vld [tilespmem:s31+$0xFFFFFF10];
	_ =	sdelay $0x4  }
0x1c7: {  	v0 =	vmul.f32 $8.000000000e+00, v0;
	_ =	sdelay $0x1  }
0x1c8: {  	[tilespmem:$0x16488] =	vst v0  }
0x1c9: {  	v0 =	vld [tilespmem:s31+$0xFFFFFF20];
	_ =	sdelay $0x4  }
0x1ca: {  	v0 =	vmul.f32 $8.000000000e+00, v0;
	_ =	sdelay $0x1  }
0x1cb: {  	[tilespmem:$0x16510] =	vst v0  }
0x1cc: {  	v0 =	vld [tilespmem:s31+$0xFFFFFF30];
	_ =	sdelay $0x4  }
0x1cd: {  	v0 =	vmul.f32 $8.000000000e+00, v0;
	_ =	sdelay $0x1  }
0x1ce: {  	[tilespmem:$0x16598] =	vst v0  }
0x1cf: {  	v0 =	vld [tilespmem:s31+$0xFFFFFF40];
	_ =	sdelay $0x4  }
0x1d0: {  	v0 =	vmul.f32 $8.000000000e+00, v0;
	_ =	sdelay $0x1  }
0x1d1: {  	[tilespmem:$0x16400] =	vst v0  }
0x1d2: {  	v0 =	vld [tilespmem:s31+$0xFFFFFF50];
	_ =	sdelay $0x4  }
0x1d3: {  	v0 =	vmul.f32 $8.000000000e+00, v0;
	_ =	sdelay $0x1  }
0x1d4: {  	[tilespmem:$0x16488] =	vst v0  }
0x1d5: {  	v0 =	vld [tilespmem:s31+$0xFFFFFF60];
	_ =	sdelay $0x4  }
0x1d6: {  	v0 =	vmul.f32 $8.000000000e+00, v0;
	_ =	sdelay $0x1  }
0x1d7: {  	[tilespmem:$0x16510] =	vst v0  }
0x1d8: {  	v0 =	vld [tilespmem:s31+$0xFFFFFF70];
	_ =	sdelay $0x4  }
0x1d9: {  	v0 =	vmul.f32 $8.000000000e+00, v0;
	_ =	sdelay $0x1  }
0x1da: {  	[tilespmem:$0x16598] =	vst v0  }
0x1db: {  	v0 =	vld [tilespmem:s31+$0xFFFFFF80];
	_ =	sdelay $0x4  }
0x1dc: {  	v0 =	vmul.f32 $8.000000000e+00, v0;
	_ =	sdelay $0x1  }
0x1dd: {  	[tilespmem:$0x16400] =	vst v0  }
0x1de: {  	v0 =	vld [tilespmem:s31+$0xFFFFFF90];
	_ =	sdelay $0x4  }
0x1df: {  	v0 =	vmul.f32 $8.000000000e+00, v0;
	_ =	sdelay $0x1  }
0x1e0: {  	[tilespmem:$0x16488] =	vst v0  }
0x1e1: {  	v0 =	vld [tilespmem:s31+$0xFFFFFFA0];
	_ =	sdelay $0x4  }
0x1e2: {  	v0 =	vmul.f32 $8.000000000e+00, v0;
	_ =	sdelay $0x1  }
0x1e3: {  	[tilespmem:$0x16510] =	vst v0  }
0x1e4: {  	v0 =	vld [tilespmem:s31+$0xFFFFFFB0];
	_ =	sdelay $0x4  }
0x1e5: {  	v0 =	vmul.f32 $8.000000000e+00, v0;
	_ =	sdelay $0x1  }
0x1e6: {  	[tilespmem:$0x16598] =	vst v0  }
0x1e7: {  	v0 =	vld [tilespmem:s31+$0xFFFFFFC0];
	_ =	sdelay $0x4  }
0x1e8: {  	v0 =	vmul.f32 $8.000000000e+00, v0;
	_ =	sdelay $0x1  }
0x1e9: {  	[tilespmem:$0x16400] =	vst v0  }
0x1ea: {  	v0 =	vld [tilespmem:s31+$0xFFFFFFD0];
	_ =	sdelay $0x4  }
0x1eb: {  	v0 =	vmul.f32 $8.000000000e+00, v0;
	_ =	sdelay $0x1  }
0x1ec: {  	[tilespmem:$0x16488] =	vst v0  }
0x1ed: {  	v0 =	vld [tilespmem:s31+$0xFFFFFFE0];
	_ =	sdelay $0x4  }
0x1ee: {  	v0 =	vmul.f32 $8.000000000e+00, v0;
	_ =	sdelay $0x1  }
0x1ef: {  	[tilespmem:$0x16510] =	vst v0  }
0x1f0: {  	v0 =	vld [tilespmem:s31+$0xFFFFFFF0];
	_ =	sdelay $0x4  }
0x1f1: {  	v0 =	vmul.f32 $8.000000000e+00, v0;
	_ =	sdelay $0x1  }
0x1f2: {  	[tilespmem:$0x16598] =	vst v0  }
0x1f3: {  	v0 =	vld [tilespmem:s31+$0x0];
	_ =	sdelay $0x4  }
0x1f4: {  	v0 =	vmul.f32 $8.000000000e+00, v0;
	_ =	sdelay $0x1  }
0x1f5: {  	[tilespmem:$0x16400] =	vst v0  }
0x1f6: {  	v0 =	vld [tilespmem:s31+$0x10];
	_ =	sdelay $0x4  }
0x1f7: {  	v0 =	vmul.f32 $8.000000000e+00, v0;
	_ =	sdelay $0x1  }
0x1f8: {  	[tilespmem:$0x16488] =	vst v0  }
0x1f9: {  	v0 =	vld [tilespmem:s31+$0x20];
	_ =	sdelay $0x4  }
0x1fa: {  	v0 =	vmul.f32 $8.000000000e+00, v0;
	_ =	sdelay $0x1  }
0x1fb: {  	[tilespmem:$0x16510] =	vst v0  }
0x1fc: {  	v0 =	vld [tilespmem:s31+$0x30];
	_ =	sdelay $0x4  }
0x1fd: {  	v0 =	vmul.f32 $8.000000000e+00, v0;
	_ =	sdelay $0x1  }
0x1fe: {  	[tilespmem:$0x16598] =	vst v0  }
0x1ff: {  	v0 =	vld [tilespmem:s31+$0x40];
	_ =	sdelay $0x4  }
0x200: {  	v0 =	vmul.f32 $8.000000000e+00, v0;
	_ =	sdelay $0x1  }
0x201: {  	[tilespmem:$0x16400] =	vst v0  }
0x202: {  	v0 =	vld [tilespmem:s31+$0x50];
	_ =	sdelay $0x4  }
0x203: {  	v0 =	vmul.f32 $8.000000000e+00, v0;
	_ =	sdelay $0x1  }
0x204: {  	[tilespmem:$0x16488] =	vst v0  }
0x205: {  	v0 =	vld [tilespmem:s31+$0x60];
	_ =	sdelay $0x4  }
0x206: {  	v0 =	vmul.f32 $8.000000000e+00, v0;
	_ =	sdelay $0x1  }
0x207: {  	[tilespmem:$0x16510] =	vst v0  }
0x208: {  	v0 =	vld [tilespmem:s31+$0x70];
	_ =	sdelay $0x4  }
0x209: {  	v0 =	vmul.f32 $8.000000000e+00, v0;
	_ =	sdelay $0x1  }
0x20a: {  	[tilespmem:$0x16598] =	vst v0  }
0x20b: {  	v0 =	vld [tilespmem:s31+$0x80];
	_ =	sdelay $0x4  }
0x20c: {  	v0 =	vmul.f32 $8.000000000e+00, v0;
	_ =	sdelay $0x1  }
0x20d: {  	[tilespmem:$0x16400] =	vst v0  }
0x20e: {  	v0 =	vld [tilespmem:s31+$0x90];
	_ =	sdelay $0x4  }
0x20f: {  	v0 =	vmul.f32 $8.000000000e+00, v0;
	_ =	sdelay $0x1  }
0x210: {  	[tilespmem:$0x16488] =	vst v0  }
0x211: {  	v0 =	vld [tilespmem:s31+$0xA0];
	_ =	sdelay $0x4  }
0x212: {  	v0 =	vmul.f32 $8.000000000e+00, v0;
	_ =	sdelay $0x1  }
0x213: {  	[tilespmem:$0x16510] =	vst v0  }
0x214: {  	v0 =	vld [tilespmem:s31+$0xB0];
	_ =	sdelay $0x4  }
0x215: {  	v0 =	vmul.f32 $8.000000000e+00, v0;
	_ =	sdelay $0x1  }
0x216: {  	[tilespmem:$0x16598] =	vst v0  }
0x217: {  	v0 =	vld [tilespmem:s31+$0xC0];
	_ =	sdelay $0x4  }
0x218: {  	v0 =	vmul.f32 $8.000000000e+00, v0;
	_ =	sdelay $0x1  }
0x219: {  	[tilespmem:$0x16400] =	vst v0  }
0x21a: {  	v0 =	vld [tilespmem:s31+$0xD0];
	_ =	sdelay $0x4  }
0x21b: {  	v0 =	vmul.f32 $8.000000000e+00, v0;
	_ =	sdelay $0x1  }
0x21c: {  	[tilespmem:$0x16488] =	vst v0  }
0x21d: {  	v0 =	vld [tilespmem:s31+$0xE0];
	_ =	sdelay $0x4  }
0x21e: {  	v0 =	vmul.f32 $8.000000000e+00, v0;
	_ =	sdelay $0x1  }
0x21f: {  	[tilespmem:$0x16510] =	vst v0  }
0x220: {  	v0 =	vld [tilespmem:s31+$0xF0];
	_ =	sdelay $0x4  }
0x221: {  	s0 =	simm.s32 $0x0;
	v0 =	vmul.f32 $8.000000000e+00, v0  }
.LBB2_7:
0x222: {  	_ = 	snop  }
0x223: {  	s0 =	sadd.s32 $0x8, s0;
	s31 =	sadd.s32 $0x200, s31;
	[tilespmem:$0x16598] =	vst v0  }
0x224: {  	p1 =	slt.u32 s0, $0xF8;
	v0 =	vld [tilespmem:s31+$0xFFFFFF00];
	_ =	sdelay $0x4  }
0x225: {  	v0 =	vmul.f32 $8.000000000e+00, v0;
	_ =	sdelay $0x1  }
0x226: {  	[tilespmem:$0x16400] =	vst v0  }
0x227: {  	v0 =	vld [tilespmem:s31+$0xFFFFFF10];
	_ =	sdelay $0x4  }
0x228: {  	v0 =	vmul.f32 $8.000000000e+00, v0;
	_ =	sdelay $0x1  }
0x229: {  	[tilespmem:$0x16488] =	vst v0  }
0x22a: {  	v0 =	vld [tilespmem:s31+$0xFFFFFF20];
	_ =	sdelay $0x4  }
0x22b: {  	v0 =	vmul.f32 $8.000000000e+00, v0;
	_ =	sdelay $0x1  }
0x22c: {  	[tilespmem:$0x16510] =	vst v0  }
0x22d: {  	v0 =	vld [tilespmem:s31+$0xFFFFFF30];
	_ =	sdelay $0x4  }
0x22e: {  	v0 =	vmul.f32 $8.000000000e+00, v0;
	_ =	sdelay $0x1  }
0x22f: {  	[tilespmem:$0x16598] =	vst v0  }
0x230: {  	v0 =	vld [tilespmem:s31+$0xFFFFFF40];
	_ =	sdelay $0x4  }
0x231: {  	v0 =	vmul.f32 $8.000000000e+00, v0;
	_ =	sdelay $0x1  }
0x232: {  	[tilespmem:$0x16400] =	vst v0  }
0x233: {  	v0 =	vld [tilespmem:s31+$0xFFFFFF50];
	_ =	sdelay $0x4  }
0x234: {  	v0 =	vmul.f32 $8.000000000e+00, v0;
	_ =	sdelay $0x1  }
0x235: {  	[tilespmem:$0x16488] =	vst v0  }
0x236: {  	v0 =	vld [tilespmem:s31+$0xFFFFFF60];
	_ =	sdelay $0x4  }
0x237: {  	v0 =	vmul.f32 $8.000000000e+00, v0;
	_ =	sdelay $0x1  }
0x238: {  	[tilespmem:$0x16510] =	vst v0  }
0x239: {  	v0 =	vld [tilespmem:s31+$0xFFFFFF70];
	_ =	sdelay $0x4  }
0x23a: {  	v0 =	vmul.f32 $8.000000000e+00, v0;
	_ =	sdelay $0x1  }
0x23b: {  	[tilespmem:$0x16598] =	vst v0  }
0x23c: {  	v0 =	vld [tilespmem:s31+$0xFFFFFF80];
	_ =	sdelay $0x4  }
0x23d: {  	v0 =	vmul.f32 $8.000000000e+00, v0;
	_ =	sdelay $0x1  }
0x23e: {  	[tilespmem:$0x16400] =	vst v0  }
0x23f: {  	v0 =	vld [tilespmem:s31+$0xFFFFFF90];
	_ =	sdelay $0x4  }
0x240: {  	v0 =	vmul.f32 $8.000000000e+00, v0;
	_ =	sdelay $0x1  }
0x241: {  	[tilespmem:$0x16488] =	vst v0  }
0x242: {  	v0 =	vld [tilespmem:s31+$0xFFFFFFA0];
	_ =	sdelay $0x4  }
0x243: {  	v0 =	vmul.f32 $8.000000000e+00, v0;
	_ =	sdelay $0x1  }
0x244: {  	[tilespmem:$0x16510] =	vst v0  }
0x245: {  	v0 =	vld [tilespmem:s31+$0xFFFFFFB0];
	_ =	sdelay $0x4  }
0x246: {  	v0 =	vmul.f32 $8.000000000e+00, v0;
	_ =	sdelay $0x1  }
0x247: {  	[tilespmem:$0x16598] =	vst v0  }
0x248: {  	v0 =	vld [tilespmem:s31+$0xFFFFFFC0];
	_ =	sdelay $0x4  }
0x249: {  	v0 =	vmul.f32 $8.000000000e+00, v0;
	_ =	sdelay $0x1  }
0x24a: {  	[tilespmem:$0x16400] =	vst v0  }
0x24b: {  	v0 =	vld [tilespmem:s31+$0xFFFFFFD0];
	_ =	sdelay $0x4  }
0x24c: {  	v0 =	vmul.f32 $8.000000000e+00, v0;
	_ =	sdelay $0x1  }
0x24d: {  	[tilespmem:$0x16488] =	vst v0  }
0x24e: {  	v0 =	vld [tilespmem:s31+$0xFFFFFFE0];
	_ =	sdelay $0x4  }
0x24f: {  	v0 =	vmul.f32 $8.000000000e+00, v0;
	_ =	sdelay $0x1  }
0x250: {  	[tilespmem:$0x16510] =	vst v0  }
0x251: {  	v0 =	vld [tilespmem:s31+$0xFFFFFFF0];
	_ =	sdelay $0x4  }
0x252: {  	v0 =	vmul.f32 $8.000000000e+00, v0;
	_ =	sdelay $0x1  }
0x253: {  	[tilespmem:$0x16598] =	vst v0  }
0x254: {  	v0 =	vld [tilespmem:s31+$0x0];
	_ =	sdelay $0x4  }
0x255: {  	v0 =	vmul.f32 $8.000000000e+00, v0;
	_ =	sdelay $0x1  }
0x256: {  	[tilespmem:$0x16400] =	vst v0  }
0x257: {  	v0 =	vld [tilespmem:s31+$0x10];
	_ =	sdelay $0x4  }
0x258: {  	v0 =	vmul.f32 $8.000000000e+00, v0;
	_ =	sdelay $0x1  }
0x259: {  	[tilespmem:$0x16488] =	vst v0  }
0x25a: {  	v0 =	vld [tilespmem:s31+$0x20];
	_ =	sdelay $0x4  }
0x25b: {  	v0 =	vmul.f32 $8.000000000e+00, v0;
	_ =	sdelay $0x1  }
0x25c: {  	[tilespmem:$0x16510] =	vst v0  }
0x25d: {  	v0 =	vld [tilespmem:s31+$0x30];
	_ =	sdelay $0x4  }
0x25e: {  	v0 =	vmul.f32 $8.000000000e+00, v0;
	_ =	sdelay $0x1  }
0x25f: {  	[tilespmem:$0x16598] =	vst v0  }
0x260: {  	v0 =	vld [tilespmem:s31+$0x40];
	_ =	sdelay $0x4  }
0x261: {  	v0 =	vmul.f32 $8.000000000e+00, v0;
	_ =	sdelay $0x1  }
0x262: {  	[tilespmem:$0x16400] =	vst v0  }
0x263: {  	v0 =	vld [tilespmem:s31+$0x50];
	_ =	sdelay $0x4  }
0x264: {  	v0 =	vmul.f32 $8.000000000e+00, v0;
	_ =	sdelay $0x1  }
0x265: {  	[tilespmem:$0x16488] =	vst v0  }
0x266: {  	v0 =	vld [tilespmem:s31+$0x60];
	_ =	sdelay $0x4  }
0x267: {  	v0 =	vmul.f32 $8.000000000e+00, v0;
	_ =	sdelay $0x1  }
0x268: {  	[tilespmem:$0x16510] =	vst v0  }
0x269: {  	v0 =	vld [tilespmem:s31+$0x70];
	_ =	sdelay $0x4  }
0x26a: {  	v0 =	vmul.f32 $8.000000000e+00, v0;
	_ =	sdelay $0x1  }
0x26b: {  	[tilespmem:$0x16598] =	vst v0  }
0x26c: {  	v0 =	vld [tilespmem:s31+$0x80];
	_ =	sdelay $0x4  }
0x26d: {  	v0 =	vmul.f32 $8.000000000e+00, v0;
	_ =	sdelay $0x1  }
0x26e: {  	[tilespmem:$0x16400] =	vst v0  }
0x26f: {  	v0 =	vld [tilespmem:s31+$0x90];
	_ =	sdelay $0x4  }
0x270: {  	v0 =	vmul.f32 $8.000000000e+00, v0;
	_ =	sdelay $0x1  }
0x271: {  	[tilespmem:$0x16488] =	vst v0  }
0x272: {  	v0 =	vld [tilespmem:s31+$0xA0];
	_ =	sdelay $0x4  }
0x273: {  	v0 =	vmul.f32 $8.000000000e+00, v0;
	_ =	sdelay $0x1  }
0x274: {  	[tilespmem:$0x16510] =	vst v0  }
0x275: {  	v0 =	vld [tilespmem:s31+$0xB0];
	_ =	sdelay $0x4  }
0x276: {  	v0 =	vmul.f32 $8.000000000e+00, v0;
	_ =	sdelay $0x1  }
0x277: {  	[tilespmem:$0x16598] =	vst v0  }
0x278: {  	v0 =	vld [tilespmem:s31+$0xC0];
	_ =	sdelay $0x4  }
0x279: {  	v0 =	vmul.f32 $8.000000000e+00, v0;
	_ =	sdelay $0x1  }
0x27a: {  	[tilespmem:$0x16400] =	vst v0  }
0x27b: {  	v0 =	vld [tilespmem:s31+$0xD0];
	_ =	sdelay $0x4  }
0x27c: {  	v0 =	vmul.f32 $8.000000000e+00, v0;
	_ =	sdelay $0x1  }
0x27d: {  	[tilespmem:$0x16488] =	vst v0  }
0x27e: {  	v0 =	vld [tilespmem:s31+$0xE0];
	_ =	sdelay $0x4  }
0x27f: {  	v0 =	vmul.f32 $8.000000000e+00, v0;
	_ =	sdelay $0x1  }
0x280: {  	[tilespmem:$0x16510] =	vst v0  }
0x281: {  	v0 =	vld [tilespmem:s31+$0xF0]  }
.Ltmp4:
0x282: {  	(pc) =	sbr.rel @p1 .LBB2_7-.Ltmp4, $2  }
0x283: {  	_ =	sdelay $0x2  }
0x284: {  	v0 =	vmul.f32 $8.000000000e+00, v0  }
0x285: {  	_ = 	snop  }
0x286: {  	s0 =	sadd.s32 s29, s8;
	[tilespmem:$0x16598] =	vst v0  }
0x287: {  	[hbm4b:s0+s2] =	stream.linear.scatter [tilespmem:s17], [sflag:$0x5], $0x80, $0x38;
	[tilespmem:$0x1EC00] =	vst v63  }
0x288: {  	s1 =	simm.s32 @!p0 $0x100;
	s29 =	simm.s32 @!p0 $0xA400;
	s0 =	sadd.s32 @!p0 $0x500, s30  }
0x289: {  	[tilespmem:s29], [sflag:$0x2] =	stream.indirect.gather @!p0 [hbm4b:s3+s1], $0x40, s0, s1, $0xb8;
	[tilespmem:$0x1EC00] =	vst v63  }
0x28a: {  	_ =	swait.ge [sflag:s23], $0x4000  }
0x28b: {  	[sflag:s23] =	ssyncset.done $0x0  }
0x28c: {  	[sflag:s23] =	ssyncadd.s32 $0xFFFFC000  }
0x28d: {  	_ =	swait.ge [sflag:s24], $0x80  }
0x28e: {  	[sflag:s24] =	ssyncset.done $0x0  }
0x28f: {  	s29 =	simm.s32 $0x12500;
	[sflag:s24] =	ssyncadd.s32 $0xFFFFFF80  }
0x290: {  	v0 =	vld [tilespmem:s29+$0xFFFFFF00];
	_ =	sdelay $0x4  }
0x291: {  	v0 =	vmul.f32 $8.000000000e+00, v0;
	_ =	sdelay $0x1  }
0x292: {  	[tilespmem:$0x1A800] =	vst v0  }
0x293: {  	v0 =	vld [tilespmem:s29+$0xFFFFFF10];
	_ =	sdelay $0x4  }
0x294: {  	v0 =	vmul.f32 $8.000000000e+00, v0;
	_ =	sdelay $0x1  }
0x295: {  	[tilespmem:$0x1A888] =	vst v0  }
0x296: {  	v0 =	vld [tilespmem:s29+$0xFFFFFF20];
	_ =	sdelay $0x4  }
0x297: {  	v0 =	vmul.f32 $8.000000000e+00, v0;
	_ =	sdelay $0x1  }
0x298: {  	[tilespmem:$0x1A910] =	vst v0  }
0x299: {  	v0 =	vld [tilespmem:s29+$0xFFFFFF30];
	_ =	sdelay $0x4  }
0x29a: {  	v0 =	vmul.f32 $8.000000000e+00, v0;
	_ =	sdelay $0x1  }
0x29b: {  	[tilespmem:$0x1A998] =	vst v0  }
0x29c: {  	v0 =	vld [tilespmem:s29+$0xFFFFFF40];
	_ =	sdelay $0x4  }
0x29d: {  	v0 =	vmul.f32 $8.000000000e+00, v0;
	_ =	sdelay $0x1  }
0x29e: {  	[tilespmem:$0x1A800] =	vst v0  }
0x29f: {  	v0 =	vld [tilespmem:s29+$0xFFFFFF50];
	_ =	sdelay $0x4  }
0x2a0: {  	v0 =	vmul.f32 $8.000000000e+00, v0;
	_ =	sdelay $0x1  }
0x2a1: {  	[tilespmem:$0x1A888] =	vst v0  }
0x2a2: {  	v0 =	vld [tilespmem:s29+$0xFFFFFF60];
	_ =	sdelay $0x4  }
0x2a3: {  	v0 =	vmul.f32 $8.000000000e+00, v0;
	_ =	sdelay $0x1  }
0x2a4: {  	[tilespmem:$0x1A910] =	vst v0  }
0x2a5: {  	v0 =	vld [tilespmem:s29+$0xFFFFFF70];
	_ =	sdelay $0x4  }
0x2a6: {  	v0 =	vmul.f32 $8.000000000e+00, v0;
	_ =	sdelay $0x1  }
0x2a7: {  	[tilespmem:$0x1A998] =	vst v0  }
0x2a8: {  	v0 =	vld [tilespmem:s29+$0xFFFFFF80];
	_ =	sdelay $0x4  }
0x2a9: {  	v0 =	vmul.f32 $8.000000000e+00, v0;
	_ =	sdelay $0x1  }
0x2aa: {  	[tilespmem:$0x1A800] =	vst v0  }
0x2ab: {  	v0 =	vld [tilespmem:s29+$0xFFFFFF90];
	_ =	sdelay $0x4  }
0x2ac: {  	v0 =	vmul.f32 $8.000000000e+00, v0;
	_ =	sdelay $0x1  }
0x2ad: {  	[tilespmem:$0x1A888] =	vst v0  }
0x2ae: {  	v0 =	vld [tilespmem:s29+$0xFFFFFFA0];
	_ =	sdelay $0x4  }
0x2af: {  	v0 =	vmul.f32 $8.000000000e+00, v0;
	_ =	sdelay $0x1  }
0x2b0: {  	[tilespmem:$0x1A910] =	vst v0  }
0x2b1: {  	v0 =	vld [tilespmem:s29+$0xFFFFFFB0];
	_ =	sdelay $0x4  }
0x2b2: {  	v0 =	vmul.f32 $8.000000000e+00, v0;
	_ =	sdelay $0x1  }
0x2b3: {  	[tilespmem:$0x1A998] =	vst v0  }
0x2b4: {  	v0 =	vld [tilespmem:s29+$0xFFFFFFC0];
	_ =	sdelay $0x4  }
0x2b5: {  	v0 =	vmul.f32 $8.000000000e+00, v0;
	_ =	sdelay $0x1  }
0x2b6: {  	[tilespmem:$0x1A800] =	vst v0  }
0x2b7: {  	v0 =	vld [tilespmem:s29+$0xFFFFFFD0];
	_ =	sdelay $0x4  }
0x2b8: {  	v0 =	vmul.f32 $8.000000000e+00, v0;
	_ =	sdelay $0x1  }
0x2b9: {  	[tilespmem:$0x1A888] =	vst v0  }
0x2ba: {  	v0 =	vld [tilespmem:s29+$0xFFFFFFE0];
	_ =	sdelay $0x4  }
0x2bb: {  	v0 =	vmul.f32 $8.000000000e+00, v0;
	_ =	sdelay $0x1  }
0x2bc: {  	[tilespmem:$0x1A910] =	vst v0  }
0x2bd: {  	v0 =	vld [tilespmem:s29+$0xFFFFFFF0];
	_ =	sdelay $0x4  }
0x2be: {  	v0 =	vmul.f32 $8.000000000e+00, v0;
	_ =	sdelay $0x1  }
0x2bf: {  	[tilespmem:$0x1A998] =	vst v0  }
0x2c0: {  	v0 =	vld [tilespmem:s29+$0x0];
	_ =	sdelay $0x4  }
0x2c1: {  	v0 =	vmul.f32 $8.000000000e+00, v0;
	_ =	sdelay $0x1  }
0x2c2: {  	[tilespmem:$0x1A800] =	vst v0  }
0x2c3: {  	v0 =	vld [tilespmem:s29+$0x10];
	_ =	sdelay $0x4  }
0x2c4: {  	v0 =	vmul.f32 $8.000000000e+00, v0;
	_ =	sdelay $0x1  }
0x2c5: {  	[tilespmem:$0x1A888] =	vst v0  }
0x2c6: {  	v0 =	vld [tilespmem:s29+$0x20];
	_ =	sdelay $0x4  }
0x2c7: {  	v0 =	vmul.f32 $8.000000000e+00, v0;
	_ =	sdelay $0x1  }
0x2c8: {  	[tilespmem:$0x1A910] =	vst v0  }
0x2c9: {  	v0 =	vld [tilespmem:s29+$0x30];
	_ =	sdelay $0x4  }
0x2ca: {  	v0 =	vmul.f32 $8.000000000e+00, v0;
	_ =	sdelay $0x1  }
0x2cb: {  	[tilespmem:$0x1A998] =	vst v0  }
0x2cc: {  	v0 =	vld [tilespmem:s29+$0x40];
	_ =	sdelay $0x4  }
0x2cd: {  	v0 =	vmul.f32 $8.000000000e+00, v0;
	_ =	sdelay $0x1  }
0x2ce: {  	[tilespmem:$0x1A800] =	vst v0  }
0x2cf: {  	v0 =	vld [tilespmem:s29+$0x50];
	_ =	sdelay $0x4  }
0x2d0: {  	v0 =	vmul.f32 $8.000000000e+00, v0;
	_ =	sdelay $0x1  }
0x2d1: {  	[tilespmem:$0x1A888] =	vst v0  }
0x2d2: {  	v0 =	vld [tilespmem:s29+$0x60];
	_ =	sdelay $0x4  }
0x2d3: {  	v0 =	vmul.f32 $8.000000000e+00, v0;
	_ =	sdelay $0x1  }
0x2d4: {  	[tilespmem:$0x1A910] =	vst v0  }
0x2d5: {  	v0 =	vld [tilespmem:s29+$0x70];
	_ =	sdelay $0x4  }
0x2d6: {  	v0 =	vmul.f32 $8.000000000e+00, v0;
	_ =	sdelay $0x1  }
0x2d7: {  	[tilespmem:$0x1A998] =	vst v0  }
0x2d8: {  	v0 =	vld [tilespmem:s29+$0x80];
	_ =	sdelay $0x4  }
0x2d9: {  	v0 =	vmul.f32 $8.000000000e+00, v0;
	_ =	sdelay $0x1  }
0x2da: {  	[tilespmem:$0x1A800] =	vst v0  }
0x2db: {  	v0 =	vld [tilespmem:s29+$0x90];
	_ =	sdelay $0x4  }
0x2dc: {  	v0 =	vmul.f32 $8.000000000e+00, v0;
	_ =	sdelay $0x1  }
0x2dd: {  	[tilespmem:$0x1A888] =	vst v0  }
0x2de: {  	v0 =	vld [tilespmem:s29+$0xA0];
	_ =	sdelay $0x4  }
0x2df: {  	v0 =	vmul.f32 $8.000000000e+00, v0;
	_ =	sdelay $0x1  }
0x2e0: {  	[tilespmem:$0x1A910] =	vst v0  }
0x2e1: {  	v0 =	vld [tilespmem:s29+$0xB0];
	_ =	sdelay $0x4  }
0x2e2: {  	v0 =	vmul.f32 $8.000000000e+00, v0;
	_ =	sdelay $0x1  }
0x2e3: {  	[tilespmem:$0x1A998] =	vst v0  }
0x2e4: {  	v0 =	vld [tilespmem:s29+$0xC0];
	_ =	sdelay $0x4  }
0x2e5: {  	v0 =	vmul.f32 $8.000000000e+00, v0;
	_ =	sdelay $0x1  }
0x2e6: {  	[tilespmem:$0x1A800] =	vst v0  }
0x2e7: {  	v0 =	vld [tilespmem:s29+$0xD0];
	_ =	sdelay $0x4  }
0x2e8: {  	v0 =	vmul.f32 $8.000000000e+00, v0;
	_ =	sdelay $0x1  }
0x2e9: {  	[tilespmem:$0x1A888] =	vst v0  }
0x2ea: {  	v0 =	vld [tilespmem:s29+$0xE0];
	_ =	sdelay $0x4  }
0x2eb: {  	v0 =	vmul.f32 $8.000000000e+00, v0;
	_ =	sdelay $0x1  }
0x2ec: {  	[tilespmem:$0x1A910] =	vst v0  }
0x2ed: {  	v0 =	vld [tilespmem:s29+$0xF0];
	_ =	sdelay $0x4  }
0x2ee: {  	s0 =	simm.s32 $0x0;
	v0 =	vmul.f32 $8.000000000e+00, v0  }
.LBB2_9:
0x2ef: {  	_ = 	snop  }
0x2f0: {  	s0 =	sadd.s32 $0x8, s0;
	s29 =	sadd.s32 $0x200, s29;
	[tilespmem:$0x1A998] =	vst v0  }
0x2f1: {  	p1 =	slt.u32 s0, $0xF8;
	v0 =	vld [tilespmem:s29+$0xFFFFFF00];
	_ =	sdelay $0x4  }
0x2f2: {  	v0 =	vmul.f32 $8.000000000e+00, v0;
	_ =	sdelay $0x1  }
0x2f3: {  	[tilespmem:$0x1A800] =	vst v0  }
0x2f4: {  	v0 =	vld [tilespmem:s29+$0xFFFFFF10];
	_ =	sdelay $0x4  }
0x2f5: {  	v0 =	vmul.f32 $8.000000000e+00, v0;
	_ =	sdelay $0x1  }
0x2f6: {  	[tilespmem:$0x1A888] =	vst v0  }
0x2f7: {  	v0 =	vld [tilespmem:s29+$0xFFFFFF20];
	_ =	sdelay $0x4  }
0x2f8: {  	v0 =	vmul.f32 $8.000000000e+00, v0;
	_ =	sdelay $0x1  }
0x2f9: {  	[tilespmem:$0x1A910] =	vst v0  }
0x2fa: {  	v0 =	vld [tilespmem:s29+$0xFFFFFF30];
	_ =	sdelay $0x4  }
0x2fb: {  	v0 =	vmul.f32 $8.000000000e+00, v0;
	_ =	sdelay $0x1  }
0x2fc: {  	[tilespmem:$0x1A998] =	vst v0  }
0x2fd: {  	v0 =	vld [tilespmem:s29+$0xFFFFFF40];
	_ =	sdelay $0x4  }
0x2fe: {  	v0 =	vmul.f32 $8.000000000e+00, v0;
	_ =	sdelay $0x1  }
0x2ff: {  	[tilespmem:$0x1A800] =	vst v0  }
0x300: {  	v0 =	vld [tilespmem:s29+$0xFFFFFF50];
	_ =	sdelay $0x4  }
0x301: {  	v0 =	vmul.f32 $8.000000000e+00, v0;
	_ =	sdelay $0x1  }
0x302: {  	[tilespmem:$0x1A888] =	vst v0  }
0x303: {  	v0 =	vld [tilespmem:s29+$0xFFFFFF60];
	_ =	sdelay $0x4  }
0x304: {  	v0 =	vmul.f32 $8.000000000e+00, v0;
	_ =	sdelay $0x1  }
0x305: {  	[tilespmem:$0x1A910] =	vst v0  }
0x306: {  	v0 =	vld [tilespmem:s29+$0xFFFFFF70];
	_ =	sdelay $0x4  }
0x307: {  	v0 =	vmul.f32 $8.000000000e+00, v0;
	_ =	sdelay $0x1  }
0x308: {  	[tilespmem:$0x1A998] =	vst v0  }
0x309: {  	v0 =	vld [tilespmem:s29+$0xFFFFFF80];
	_ =	sdelay $0x4  }
0x30a: {  	v0 =	vmul.f32 $8.000000000e+00, v0;
	_ =	sdelay $0x1  }
0x30b: {  	[tilespmem:$0x1A800] =	vst v0  }
0x30c: {  	v0 =	vld [tilespmem:s29+$0xFFFFFF90];
	_ =	sdelay $0x4  }
0x30d: {  	v0 =	vmul.f32 $8.000000000e+00, v0;
	_ =	sdelay $0x1  }
0x30e: {  	[tilespmem:$0x1A888] =	vst v0  }
0x30f: {  	v0 =	vld [tilespmem:s29+$0xFFFFFFA0];
	_ =	sdelay $0x4  }
0x310: {  	v0 =	vmul.f32 $8.000000000e+00, v0;
	_ =	sdelay $0x1  }
0x311: {  	[tilespmem:$0x1A910] =	vst v0  }
0x312: {  	v0 =	vld [tilespmem:s29+$0xFFFFFFB0];
	_ =	sdelay $0x4  }
0x313: {  	v0 =	vmul.f32 $8.000000000e+00, v0;
	_ =	sdelay $0x1  }
0x314: {  	[tilespmem:$0x1A998] =	vst v0  }
0x315: {  	v0 =	vld [tilespmem:s29+$0xFFFFFFC0];
	_ =	sdelay $0x4  }
0x316: {  	v0 =	vmul.f32 $8.000000000e+00, v0;
	_ =	sdelay $0x1  }
0x317: {  	[tilespmem:$0x1A800] =	vst v0  }
0x318: {  	v0 =	vld [tilespmem:s29+$0xFFFFFFD0];
	_ =	sdelay $0x4  }
0x319: {  	v0 =	vmul.f32 $8.000000000e+00, v0;
	_ =	sdelay $0x1  }
0x31a: {  	[tilespmem:$0x1A888] =	vst v0  }
0x31b: {  	v0 =	vld [tilespmem:s29+$0xFFFFFFE0];
	_ =	sdelay $0x4  }
0x31c: {  	v0 =	vmul.f32 $8.000000000e+00, v0;
	_ =	sdelay $0x1  }
0x31d: {  	[tilespmem:$0x1A910] =	vst v0  }
0x31e: {  	v0 =	vld [tilespmem:s29+$0xFFFFFFF0];
	_ =	sdelay $0x4  }
0x31f: {  	v0 =	vmul.f32 $8.000000000e+00, v0;
	_ =	sdelay $0x1  }
0x320: {  	[tilespmem:$0x1A998] =	vst v0  }
0x321: {  	v0 =	vld [tilespmem:s29+$0x0];
	_ =	sdelay $0x4  }
0x322: {  	v0 =	vmul.f32 $8.000000000e+00, v0;
	_ =	sdelay $0x1  }
0x323: {  	[tilespmem:$0x1A800] =	vst v0  }
0x324: {  	v0 =	vld [tilespmem:s29+$0x10];
	_ =	sdelay $0x4  }
0x325: {  	v0 =	vmul.f32 $8.000000000e+00, v0;
	_ =	sdelay $0x1  }
0x326: {  	[tilespmem:$0x1A888] =	vst v0  }
0x327: {  	v0 =	vld [tilespmem:s29+$0x20];
	_ =	sdelay $0x4  }
0x328: {  	v0 =	vmul.f32 $8.000000000e+00, v0;
	_ =	sdelay $0x1  }
0x329: {  	[tilespmem:$0x1A910] =	vst v0  }
0x32a: {  	v0 =	vld [tilespmem:s29+$0x30];
	_ =	sdelay $0x4  }
0x32b: {  	v0 =	vmul.f32 $8.000000000e+00, v0;
	_ =	sdelay $0x1  }
0x32c: {  	[tilespmem:$0x1A998] =	vst v0  }
0x32d: {  	v0 =	vld [tilespmem:s29+$0x40];
	_ =	sdelay $0x4  }
0x32e: {  	v0 =	vmul.f32 $8.000000000e+00, v0;
	_ =	sdelay $0x1  }
0x32f: {  	[tilespmem:$0x1A800] =	vst v0  }
0x330: {  	v0 =	vld [tilespmem:s29+$0x50];
	_ =	sdelay $0x4  }
0x331: {  	v0 =	vmul.f32 $8.000000000e+00, v0;
	_ =	sdelay $0x1  }
0x332: {  	[tilespmem:$0x1A888] =	vst v0  }
0x333: {  	v0 =	vld [tilespmem:s29+$0x60];
	_ =	sdelay $0x4  }
0x334: {  	v0 =	vmul.f32 $8.000000000e+00, v0;
	_ =	sdelay $0x1  }
0x335: {  	[tilespmem:$0x1A910] =	vst v0  }
0x336: {  	v0 =	vld [tilespmem:s29+$0x70];
	_ =	sdelay $0x4  }
0x337: {  	v0 =	vmul.f32 $8.000000000e+00, v0;
	_ =	sdelay $0x1  }
0x338: {  	[tilespmem:$0x1A998] =	vst v0  }
0x339: {  	v0 =	vld [tilespmem:s29+$0x80];
	_ =	sdelay $0x4  }
0x33a: {  	v0 =	vmul.f32 $8.000000000e+00, v0;
	_ =	sdelay $0x1  }
0x33b: {  	[tilespmem:$0x1A800] =	vst v0  }
0x33c: {  	v0 =	vld [tilespmem:s29+$0x90];
	_ =	sdelay $0x4  }
0x33d: {  	v0 =	vmul.f32 $8.000000000e+00, v0;
	_ =	sdelay $0x1  }
0x33e: {  	[tilespmem:$0x1A888] =	vst v0  }
0x33f: {  	v0 =	vld [tilespmem:s29+$0xA0];
	_ =	sdelay $0x4  }
0x340: {  	v0 =	vmul.f32 $8.000000000e+00, v0;
	_ =	sdelay $0x1  }
0x341: {  	[tilespmem:$0x1A910] =	vst v0  }
0x342: {  	v0 =	vld [tilespmem:s29+$0xB0];
	_ =	sdelay $0x4  }
0x343: {  	v0 =	vmul.f32 $8.000000000e+00, v0;
	_ =	sdelay $0x1  }
0x344: {  	[tilespmem:$0x1A998] =	vst v0  }
0x345: {  	v0 =	vld [tilespmem:s29+$0xC0];
	_ =	sdelay $0x4  }
0x346: {  	v0 =	vmul.f32 $8.000000000e+00, v0;
	_ =	sdelay $0x1  }
0x347: {  	[tilespmem:$0x1A800] =	vst v0  }
0x348: {  	v0 =	vld [tilespmem:s29+$0xD0];
	_ =	sdelay $0x4  }
0x349: {  	v0 =	vmul.f32 $8.000000000e+00, v0;
	_ =	sdelay $0x1  }
0x34a: {  	[tilespmem:$0x1A888] =	vst v0  }
0x34b: {  	v0 =	vld [tilespmem:s29+$0xE0];
	_ =	sdelay $0x4  }
0x34c: {  	v0 =	vmul.f32 $8.000000000e+00, v0;
	_ =	sdelay $0x1  }
0x34d: {  	[tilespmem:$0x1A910] =	vst v0  }
0x34e: {  	v0 =	vld [tilespmem:s29+$0xF0]  }
.Ltmp5:
0x34f: {  	(pc) =	sbr.rel @p1 .LBB2_9-.Ltmp5, $2  }
0x350: {  	_ =	sdelay $0x2  }
0x351: {  	v0 =	vmul.f32 $8.000000000e+00, v0  }
.Ltmp6:
0x352: {  	s0 =	sshll.u32 s28, $0x13;
	(pc) =	sbr.rel @p0 .LBB2_12-.Ltmp6, $4  }
0x353: {  	s0 =	sor.u32 s6, s0  }
0x354: {  	s0 =	sshrl.u32 s0, $0x3  }
0x355: {  	[tilespmem:$0x1A998] =	vst v0;
	s0 =	sadd.s32 s4, s0  }
0x356: {  	[hbm4b:s0+s2] =	stream.linear.scatter [tilespmem:s20], [sflag:$0x6], $0x80, $0x38;
	[tilespmem:$0x1EC00] =	vst v63  }
.Ltmp7:
0x357: {  	(pc) =	sbr.rel .LBB2_2-.Ltmp7, $4  }
0x358: {  	s0 =	sshll.u32 s26, $0xA  }
0x359: {  	s0 =	sand.u32 $0x3FFFFC00, s0  }
0x35a: {  	s26 =	sadd.s32 $0x1, s26;
	s0 =	sadd.s32 $0x600, s0  }
0x35b: {  	[tilespmem:s15], [sflag:$0x3] =	stream.indirect.gather [hbm4b:s3+s11], $0x40, s0, s11, $0xb8;
	[tilespmem:$0x1EC00] =	vst v63  }
.LBB2_13:
0x35c: {  	_ =	sfence.sel $0x180000  }
0x35d: {  	[bflag:$0x0] =	sbarrier.arrive $0xFFFF  }
0x35e: {  	_ =	strace $0x90000047  }
0x35f: {  	s0 =	stileid.u32;
	[bflag:$0x2] =	sbarrier.arrive $0xFFFF  }
0x360: {  	p0 =	sne.s32 s0, $0x0;
	s0 =	rddreg [dreg:$0x2]  }
0x361: {  	s0 =	sadd.s32 @!p0 $0x100000, s0  }
0x362: {  	[sflag:s0] =	ssyncadd.tile.s32 @!p0 $0x1;
	_ =	shalt  }
.Lfunc_end2:
_tile_overlayer_lowered:
.L_overlay_start_2:
0x363: {  	(tag) =	ssettag $0x2  }
0x364: {  	s0 =	rddreg [dreg:$0x0];
	s2 =	stileid.u32  }
0x365: {  	s1 =	rddreg [dreg:$0x1];
	p0 =	sne.s32 s2, $0x0  }
0x366: {  	s3 =	rddreg [dreg:$0x2];
	[bflag:$0x3] =	sbarrier.arrive $0xFFFF;
	s2 =	simm.s32 @!p0 $0x1C07  }
0x367: {  	[timem:s3], [sflag:s2] =	dma.local @!p0 [hbm:s0], s1  }
0x368: {  	s0 =	simm.s32 @!p0 $0x7  }
0x369: {  	_ =	swait.ge @!p0 [sflag:s0], s1  }
0x36a: {  	s1 =	ssub.s32 @!p0 $0x0, s1;
	[sflag:s0] =	ssyncset.done @!p0 $0x0  }
0x36b: {  	[sflag:s0] =	ssyncadd.s32 @!p0 s1  }
0x36c: {  	[bflag:$0x3] =	sbarrier.arrive $0xFFFF  }
0x36d: {  	_ =	shalt  }

</sc_bundles>
